<compile_context>
chip_gen: v7x
topology: tpu7x:2x2x1
jax: 0.10.2.dev20260603
libtpu: 0.0.44.dev20260713+nightly
codegen_flags: <defaults>
</compile_context>

<pallas_src>
import functools

import jax
import jax.numpy as jnp
from jax import lax
from jax.experimental import pallas as pl
from jax.experimental.pallas import tpu as pltpu
from jax.experimental.pallas import tpu_sc as plsc

_B, _S, _H = 4, 2048, 768
_EPS = 1e-5
_NC, _NS = 2, 16
_NW = _NC * _NS
_CHUNKS = (512, 512, 512, 512)
_RB = 512
_BB = 2


def _gather_kernel(wp, ids_hbm, wemb_hbm, out_hbm, idx_v, buf_v,
                   semg, semg2, semw):
    wr = _B * wp
    wid = lax.axis_index("s") * _NC + lax.axis_index("c")
    pltpu.sync_copy(ids_hbm.at[pl.ds(wid * wr, wr)], idx_v)
    half = wr // 2
    pltpu.async_copy(
        wemb_hbm.at[idx_v.at[pl.ds(0, half)]], buf_v.at[pl.ds(0, half)], semg)
    pltpu.async_copy(
        wemb_hbm.at[idx_v.at[pl.ds(half, half)]],
        buf_v.at[pl.ds(half, half)], semg2)
    pltpu.make_async_copy(
        wemb_hbm.at[idx_v.at[pl.ds(0, half)]],
        buf_v.at[pl.ds(0, half)], semg).wait()
    for b in range(2):
        pltpu.async_copy(
            buf_v.at[pl.ds(b * wp, wp)],
            out_hbm.at[b, pl.ds(wid * wp, wp)], semw)
    pltpu.make_async_copy(
        wemb_hbm.at[idx_v.at[pl.ds(half, half)]],
        buf_v.at[pl.ds(half, half)], semg2).wait()
    for b in range(2, _B):
        pltpu.async_copy(
            buf_v.at[pl.ds(b * wp, wp)],
            out_hbm.at[b, pl.ds(wid * wp, wp)], semw)
    for b in range(_B):
        pltpu.make_async_copy(
            buf_v.at[pl.ds(b * wp, wp)],
            out_hbm.at[b, pl.ds(wid * wp, wp)], semw).wait()


def _sc_gather(cs, ids_c, word_emb):
    wp = cs // _NW
    mesh = plsc.VectorSubcoreMesh(core_axis_name="c", subcore_axis_name="s")
    run = pl.kernel(
        functools.partial(_gather_kernel, wp),
        out_type=jax.ShapeDtypeStruct((_B, cs, _H), jnp.float32),
        mesh=mesh,
        scratch_types=[
            pltpu.VMEM((_B * wp,), jnp.int32),
            pltpu.VMEM((_B * wp, _H), jnp.float32),
            pltpu.SemaphoreType.DMA,
            pltpu.SemaphoreType.DMA,
            pltpu.SemaphoreType.DMA,
        ],
    )
    return run(ids_c, word_emb)


def _ln_body(buf_ref, g_ref, p_ref, t_ref, gamma_ref, beta_ref, o_ref):
    x = g_ref[...] + p_ref[...][None] + t_ref[0][None, None, :]
    mean = jnp.mean(x, axis=-1, keepdims=True)
    xc = x - mean
    var = jnp.mean(xc * xc, axis=-1, keepdims=True)
    o_ref[...] = xc * lax.rsqrt(var + _EPS) * gamma_ref[...] + beta_ref[...]


def _tc_ln(s0, cs, buf, g_c, pos_emb, type_row, gamma, beta):
    hb = cs // _RB
    p0 = s0 // _RB
    grid = (_B // _BB * hb,)
    data_specs = [
        pl.BlockSpec((_BB, _RB, _H), lambda i, _hb=hb: (i // _hb, i % _hb, 0)),
        pl.BlockSpec((_RB, _H), lambda i, _hb=hb, _p=p0: (_p + i % _hb, 0)),
        pl.BlockSpec((1, _H), lambda i: (0, 0)),
        pl.BlockSpec((_H,), lambda i: (0,)),
        pl.BlockSpec((_H,), lambda i: (0,)),
    ]
    out_spec = pl.BlockSpec(
        (_BB, _RB, _H), lambda i, _hb=hb, _p=p0: (i // _hb, _p + i % _hb, 0))
    out_shape = jax.ShapeDtypeStruct((_B, _S, _H), jnp.float32)
    if buf is None:
        return pl.pallas_call(
            functools.partial(_ln_body, None),
            grid=grid,
            in_specs=data_specs,
            out_specs=out_spec,
            out_shape=out_shape,
        )(g_c, pos_emb, type_row, gamma, beta)
    in_specs = [pl.BlockSpec((1, 8, 128), lambda i: (0, 0, 0))] + data_specs
    return pl.pallas_call(
        _ln_body,
        grid=grid,
        in_specs=in_specs,
        out_specs=out_spec,
        out_shape=out_shape,
        input_output_aliases={0: 0},
    )(buf, g_c, pos_emb, type_row, gamma, beta)


def kernel(input_ids, word_emb, pos_emb, type_emb, gamma, beta):
    type_row = type_emb.reshape(1, -1)[:, :_H]

    gathered = []
    s0 = 0
    for cs in _CHUNKS:
        wp = cs // _NW
        ids_c = (input_ids[:, s0:s0 + cs].reshape(_B, _NW, wp)
                 .transpose(1, 0, 2).reshape(-1))
        gathered.append(_sc_gather(cs, ids_c, word_emb))
        s0 += cs

    buf = None
    s0 = 0
    for c, cs in enumerate(_CHUNKS):
        buf = _tc_ln(s0, cs, buf, gathered[c], pos_emb, type_row, gamma, beta)
        s0 += cs
    return buf

# --- scband reference (transcript-rebuilt; emitter-appended) ---
"""Pipeline reference for scband-roberta-embeddings-52621939311340 (READ-ONLY COPY).

The authoritative reference and input builder live on the scoring server;
editing this copy changes nothing except your own understanding.
"""

import jax, jax.numpy as jnp
import numpy as np

VOCAB = 50265
HIDDEN = 768
MAX_POS = 2050
TYPE_VOCAB = 1
B, S = 4, 2048
EPS = 1e-5

def setup_inputs(seed: int = 0) -> dict:
    key = jax.random.key(seed)
    k1, k2, k3, k4 = jax.random.split(key, 4)
    input_ids = jax.random.randint(k1, (B, S), 0, VOCAB, dtype=jnp.int64 if jax.config.jax_enable_x64 else jnp.int32).astype(jnp.int32)
    word_emb = jax.random.normal(k2, (VOCAB, HIDDEN), dtype=jnp.float32) * 0.02
    pos_emb = jax.random.normal(k3, (MAX_POS, HIDDEN), dtype=jnp.float32) * 0.02
    type_emb = jax.random.normal(k4, (TYPE_VOCAB, HIDDEN), dtype=jnp.float32) * 0.02
    gamma = jnp.ones((HIDDEN,), dtype=jnp.float32)
    beta = jnp.zeros((HIDDEN,), dtype=jnp.float32)
    return {"input_ids": input_ids, "word_emb": word_emb, "pos_emb": pos_emb, "type_emb": type_emb, "gamma": gamma, "beta": beta}

def reference(input_ids, word_emb, pos_emb, type_emb, gamma, beta):
    seq_length = input_ids.shape[1]
    position_ids = jnp.arange(seq_length, dtype=jnp.int32)[None, :]
    token_type_ids = jnp.zeros(input_ids.shape, dtype=jnp.int32)
    we = jnp.take(word_emb, input_ids, axis=0)
    pe = jnp.take(pos_emb, position_ids, axis=0)
    te = jnp.take(type_emb, token_type_ids, axis=0)
    emb = we + pe + te
    mean = jnp.mean(emb, axis=-1, keepdims=True)
    var = jnp.mean(jnp.square(emb - mean), axis=-1, keepdims=True)
    normed = (emb - mean) / jnp.sqrt(var + EPS)
    out = normed * gamma + beta
    # dropout is identity in eval mode
    return out

if __name__ == "__main__":
    import jax
    _d = setup_inputs()
    print(jax.jit(kernel)(*tuple(_d.values())))

</pallas_src>

<mosaic_0001>
#map = affine_map<(d0, d1) -> (0)>
#map1 = affine_map<(d0, d1) -> (0, 0)>
#map2 = affine_map<(d0, d1) -> (0, 0, 0)>
module attributes {stable_mosaic.version = 14 : i64} {
  func.func @_gather_kernel(%arg0: i32, %arg1: i32, %arg2: memref<2048xi32, #tpu.memory_space<hbm>>, %arg3: memref<50265x768xf32, #tpu.memory_space<hbm>>, %arg4: memref<4x512x768xf32, #tpu.memory_space<hbm>>, %arg5: memref<64xi32, #tpu.memory_space<vmem>>, %arg6: memref<64x768xf32, #tpu.memory_space<vmem>>, %arg7: memref<!tpu.dma_semaphore, #tpu.memory_space<semaphore_mem>>, %arg8: memref<!tpu.dma_semaphore, #tpu.memory_space<semaphore_mem>>, %arg9: memref<!tpu.dma_semaphore, #tpu.memory_space<semaphore_mem>>) attributes {dimension_semantics = [#tpu.dimension_semantics<core_parallel>, #tpu.dimension_semantics<subcore_parallel>], iteration_bounds = array<i64: 2, 16>, scalar_prefetch = 0 : i64, scratch_operands = 5 : i64, tpu.core_type = #tpu.core_type<sc_vector_subcore>, window_params = [{transform_indices = #map}, {transform_indices = #map1}, {transform_indices = #map2}]} {
    %mul3A = arith.constant 2 : i32
    %mul3A_0 = arith.muli %arg1, %mul3A : i32
    %add3A = arith.addi %mul3A_0, %arg0 : i32
    %mul3A_1 = arith.constant 64 : i32
    %mul3A_2 = arith.muli %add3A, %mul3A_1 : i32
    "tpu.region"() ({
      %run_scoped3A = tpu.sem_alloc : memref<!tpu.dma_semaphore, #tpu.memory_space<semaphore_mem>>
      %dma_start3A_153 = tpu.memref_slice %arg2[%mul3A_2] : memref<2048xi32, #tpu.memory_space<hbm>> -> memref<64xi32, #tpu.memory_space<hbm>>
      %dma_start3A_154 = tpu.memref_slice %arg2[%mul3A_2] : memref<2048xi32, #tpu.memory_space<hbm>> -> memref<64xi32, #tpu.memory_space<hbm>>
      tpu.enqueue_dma source(%dma_start3A_154 : memref<64xi32, #tpu.memory_space<hbm>>) target(%arg5 : memref<64xi32, #tpu.memory_space<vmem>>) target_semaphore(%run_scoped3A : memref<!tpu.dma_semaphore, #tpu.memory_space<semaphore_mem>>)
      %dma_wait3A_155 = tpu.memref_slice %arg2[%mul3A_2] : memref<2048xi32, #tpu.memory_space<hbm>> -> memref<64xi32, #tpu.memory_space<hbm>>
      %dma_wait3A_156 = tpu.memref_slice %arg2[%mul3A_2] : memref<2048xi32, #tpu.memory_space<hbm>> -> memref<64xi32, #tpu.memory_space<hbm>>
      tpu.wait_dma2 semaphore(%run_scoped3A : memref<!tpu.dma_semaphore, #tpu.memory_space<semaphore_mem>>) src(%dma_wait3A_156 : memref<64xi32, #tpu.memory_space<hbm>>) dst(%arg5 : memref<64xi32, #tpu.memory_space<vmem>>)
      tpu.yield
    }) : () -> ()
    %dma_start3A = arith.constant 0 : i32
    %dma_start3A_3 = arith.constant 0 : i32
    %dma_start3A_4 = tpu.memref_slice %arg6[%dma_start3A, %dma_start3A_3] : memref<64x768xf32, #tpu.memory_space<vmem>> -> memref<32x768xf32, #tpu.memory_space<vmem>>
    %dma_start3A_5 = arith.constant 0 : i32
    %dma_start3A_6 = tpu.memref_slice %arg5[%dma_start3A_5] : memref<64xi32, #tpu.memory_space<vmem>> -> memref<32xi32, #tpu.memory_space<vmem>>
    %dma_start3A_7 = arith.constant 0 : i32
    %dma_start3A_8 = arith.constant 0 : i32
    %dma_start3A_9 = tpu.memref_slice %arg3[%dma_start3A_7, %dma_start3A_8] : memref<50265x768xf32, #tpu.memory_space<hbm>> -> memref<50265x768xf32, #tpu.memory_space<hbm>>
    tpu.enqueue_indirect_dma source(%dma_start3A_9 : memref<50265x768xf32, #tpu.memory_space<hbm>>) target(%dma_start3A_4 : memref<32x768xf32, #tpu.memory_space<vmem>>) offsets(%dma_start3A_6 : memref<32xi32, #tpu.memory_space<vmem>>) semaphore(%arg7 : memref<!tpu.dma_semaphore, #tpu.memory_space<semaphore_mem>>)
    %dma_start3A_10 = arith.constant 32 : i32
    %dma_start3A_11 = arith.constant 0 : i32
    %dma_start3A_12 = tpu.memref_slice %arg6[%dma_start3A_10, %dma_start3A_11] : memref<64x768xf32, #tpu.memory_space<vmem>> -> memref<32x768xf32, #tpu.memory_space<vmem>>
    %dma_start3A_13 = arith.constant 32 : i32
    %dma_start3A_14 = tpu.memref_slice %arg5[%dma_start3A_13] : memref<64xi32, #tpu.memory_space<vmem>> -> memref<32xi32, #tpu.memory_space<vmem>>
    %dma_start3A_15 = arith.constant 0 : i32
    %dma_start3A_16 = arith.constant 0 : i32
    %dma_start3A_17 = tpu.memref_slice %arg3[%dma_start3A_15, %dma_start3A_16] : memref<50265x768xf32, #tpu.memory_space<hbm>> -> memref<50265x768xf32, #tpu.memory_space<hbm>>
    tpu.enqueue_indirect_dma source(%dma_start3A_17 : memref<50265x768xf32, #tpu.memory_space<hbm>>) target(%dma_start3A_12 : memref<32x768xf32, #tpu.memory_space<vmem>>) offsets(%dma_start3A_14 : memref<32xi32, #tpu.memory_space<vmem>>) semaphore(%arg8 : memref<!tpu.dma_semaphore, #tpu.memory_space<semaphore_mem>>)
    %dma_wait3A = arith.constant 0 : i32
    %dma_wait3A_18 = arith.constant 0 : i32
    %dma_wait3A_19 = tpu.memref_slice %arg6[%dma_wait3A, %dma_wait3A_18] : memref<64x768xf32, #tpu.memory_space<vmem>> -> memref<32x768xf32, #tpu.memory_space<vmem>>
    %dma_wait3A_20 = arith.constant 0 : i32
    %dma_wait3A_21 = tpu.memref_slice %arg5[%dma_wait3A_20] : memref<64xi32, #tpu.memory_space<vmem>> -> memref<32xi32, #tpu.memory_space<vmem>>
    %dma_wait3A_22 = arith.constant 0 : i32
    %dma_wait3A_23 = arith.constant 0 : i32
    %dma_wait3A_24 = tpu.memref_slice %arg3[%dma_wait3A_22, %dma_wait3A_23] : memref<50265x768xf32, #tpu.memory_space<hbm>> -> memref<50265x768xf32, #tpu.memory_space<hbm>>
    tpu.wait_indirect_dma semaphore(%arg7 : memref<!tpu.dma_semaphore, #tpu.memory_space<semaphore_mem>>) src(%dma_wait3A_24 : memref<50265x768xf32, #tpu.memory_space<hbm>>) dst(%dma_wait3A_19 : memref<32x768xf32, #tpu.memory_space<vmem>>)
    %mul3A_25 = arith.constant 16 : i32
    %mul3A_26 = arith.muli %add3A, %mul3A_25 : i32
    %dma_start3A_27 = arith.constant 0 : i32
    %dma_start3A_28 = arith.constant 0 : i32
    %dma_start3A_29 = arith.constant 0 : i32
    %dma_start3A_30 = tpu.memref_slice %arg6[%dma_start3A_28, %dma_start3A_29] : memref<64x768xf32, #tpu.memory_space<vmem>> -> memref<16x768xf32, #tpu.memory_space<vmem>>
    %dma_start3A_31 = arith.constant 0 : i32
    %dma_start3A_32 = tpu.memref_slice %arg4[%dma_start3A_27, %mul3A_26, %dma_start3A_31] : memref<4x512x768xf32, #tpu.memory_space<hbm>> -> memref<1x16x768xf32, #tpu.memory_space<hbm>>
    %dma_start3A_33 = tpu.memref_squeeze %dma_start3A_32 : memref<1x16x768xf32, #tpu.memory_space<hbm>> -> memref<16x768xf32, #tpu.memory_space<hbm>>
    %dma_start3A_34 = arith.constant 0 : i32
    %dma_start3A_35 = tpu.memref_slice %arg4[%dma_start3A_27, %mul3A_26, %dma_start3A_34] : memref<4x512x768xf32, #tpu.memory_space<hbm>> -> memref<1x16x768xf32, #tpu.memory_space<hbm>>
    %dma_start3A_36 = tpu.memref_squeeze %dma_start3A_35 : memref<1x16x768xf32, #tpu.memory_space<hbm>> -> memref<16x768xf32, #tpu.memory_space<hbm>>
    %dma_start3A_37 = arith.constant 0 : i32
    %dma_start3A_38 = arith.constant 0 : i32
    %dma_start3A_39 = tpu.memref_slice %arg6[%dma_start3A_37, %dma_start3A_38] : memref<64x768xf32, #tpu.memory_space<vmem>> -> memref<16x768xf32, #tpu.memory_space<vmem>>
    tpu.enqueue_dma source(%dma_start3A_39 : memref<16x768xf32, #tpu.memory_space<vmem>>) target(%dma_start3A_36 : memref<16x768xf32, #tpu.memory_space<hbm>>) target_semaphore(%arg9 : memref<!tpu.dma_semaphore, #tpu.memory_space<semaphore_mem>>)
    %mul3A_40 = arith.constant 16 : i32
    %mul3A_41 = arith.muli %add3A, %mul3A_40 : i32
    %dma_start3A_42 = arith.constant 1 : i32
    %dma_start3A_43 = arith.constant 16 : i32
    %dma_start3A_44 = arith.constant 0 : i32
    %dma_start3A_45 = tpu.memref_slice %arg6[%dma_start3A_43, %dma_start3A_44] : memref<64x768xf32, #tpu.memory_space<vmem>> -> memref<16x768xf32, #tpu.memory_space<vmem>>
    %dma_start3A_46 = arith.constant 0 : i32
    %dma_start3A_47 = tpu.memref_slice %arg4[%dma_start3A_42, %mul3A_41, %dma_start3A_46] : memref<4x512x768xf32, #tpu.memory_space<hbm>> -> memref<1x16x768xf32, #tpu.memory_space<hbm>>
    %dma_start3A_48 = tpu.memref_squeeze %dma_start3A_47 : memref<1x16x768xf32, #tpu.memory_space<hbm>> -> memref<16x768xf32, #tpu.memory_space<hbm>>
    %dma_start3A_49 = arith.constant 0 : i32
    %dma_start3A_50 = tpu.memref_slice %arg4[%dma_start3A_42, %mul3A_41, %dma_start3A_49] : memref<4x512x768xf32, #tpu.memory_space<hbm>> -> memref<1x16x768xf32, #tpu.memory_space<hbm>>
    %dma_start3A_51 = tpu.memref_squeeze %dma_start3A_50 : memref<1x16x768xf32, #tpu.memory_space<hbm>> -> memref<16x768xf32, #tpu.memory_space<hbm>>
    %dma_start3A_52 = arith.constant 16 : i32
    %dma_start3A_53 = arith.constant 0 : i32
    %dma_start3A_54 = tpu.memref_slice %arg6[%dma_start3A_52, %dma_start3A_53] : memref<64x768xf32, #tpu.memory_space<vmem>> -> memref<16x768xf32, #tpu.memory_space<vmem>>
    tpu.enqueue_dma source(%dma_start3A_54 : memref<16x768xf32, #tpu.memory_space<vmem>>) target(%dma_start3A_51 : memref<16x768xf32, #tpu.memory_space<hbm>>) target_semaphore(%arg9 : memref<!tpu.dma_semaphore, #tpu.memory_space<semaphore_mem>>)
    %dma_wait3A_55 = arith.constant 32 : i32
    %dma_wait3A_56 = arith.constant 0 : i32
    %dma_wait3A_57 = tpu.memref_slice %arg6[%dma_wait3A_55, %dma_wait3A_56] : memref<64x768xf32, #tpu.memory_space<vmem>> -> memref<32x768xf32, #tpu.memory_space<vmem>>
    %dma_wait3A_58 = arith.constant 32 : i32
    %dma_wait3A_59 = tpu.memref_slice %arg5[%dma_wait3A_58] : memref<64xi32, #tpu.memory_space<vmem>> -> memref<32xi32, #tpu.memory_space<vmem>>
    %dma_wait3A_60 = arith.constant 0 : i32
    %dma_wait3A_61 = arith.constant 0 : i32
    %dma_wait3A_62 = tpu.memref_slice %arg3[%dma_wait3A_60, %dma_wait3A_61] : memref<50265x768xf32, #tpu.memory_space<hbm>> -> memref<50265x768xf32, #tpu.memory_space<hbm>>
    tpu.wait_indirect_dma semaphore(%arg8 : memref<!tpu.dma_semaphore, #tpu.memory_space<semaphore_mem>>) src(%dma_wait3A_62 : memref<50265x768xf32, #tpu.memory_space<hbm>>) dst(%dma_wait3A_57 : memref<32x768xf32, #tpu.memory_space<vmem>>)
    %mul3A_63 = arith.constant 16 : i32
    %mul3A_64 = arith.muli %add3A, %mul3A_63 : i32
    %dma_start3A_65 = arith.constant 2 : i32
    %dma_start3A_66 = arith.constant 32 : i32
    %dma_start3A_67 = arith.constant 0 : i32
    %dma_start3A_68 = tpu.memref_slice %arg6[%dma_start3A_66, %dma_start3A_67] : memref<64x768xf32, #tpu.memory_space<vmem>> -> memref<16x768xf32, #tpu.memory_space<vmem>>
    %dma_start3A_69 = arith.constant 0 : i32
    %dma_start3A_70 = tpu.memref_slice %arg4[%dma_start3A_65, %mul3A_64, %dma_start3A_69] : memref<4x512x768xf32, #tpu.memory_space<hbm>> -> memref<1x16x768xf32, #tpu.memory_space<hbm>>
    %dma_start3A_71 = tpu.memref_squeeze %dma_start3A_70 : memref<1x16x768xf32, #tpu.memory_space<hbm>> -> memref<16x768xf32, #tpu.memory_space<hbm>>
    %dma_start3A_72 = arith.constant 0 : i32
    %dma_start3A_73 = tpu.memref_slice %arg4[%dma_start3A_65, %mul3A_64, %dma_start3A_72] : memref<4x512x768xf32, #tpu.memory_space<hbm>> -> memref<1x16x768xf32, #tpu.memory_space<hbm>>
    %dma_start3A_74 = tpu.memref_squeeze %dma_start3A_73 : memref<1x16x768xf32, #tpu.memory_space<hbm>> -> memref<16x768xf32, #tpu.memory_space<hbm>>
    %dma_start3A_75 = arith.constant 32 : i32
    %dma_start3A_76 = arith.constant 0 : i32
    %dma_start3A_77 = tpu.memref_slice %arg6[%dma_start3A_75, %dma_start3A_76] : memref<64x768xf32, #tpu.memory_space<vmem>> -> memref<16x768xf32, #tpu.memory_space<vmem>>
    tpu.enqueue_dma source(%dma_start3A_77 : memref<16x768xf32, #tpu.memory_space<vmem>>) target(%dma_start3A_74 : memref<16x768xf32, #tpu.memory_space<hbm>>) target_semaphore(%arg9 : memref<!tpu.dma_semaphore, #tpu.memory_space<semaphore_mem>>)
    %mul3A_78 = arith.constant 16 : i32
    %mul3A_79 = arith.muli %add3A, %mul3A_78 : i32
    %dma_start3A_80 = arith.constant 3 : i32
    %dma_start3A_81 = arith.constant 48 : i32
    %dma_start3A_82 = arith.constant 0 : i32
    %dma_start3A_83 = tpu.memref_slice %arg6[%dma_start3A_81, %dma_start3A_82] : memref<64x768xf32, #tpu.memory_space<vmem>> -> memref<16x768xf32, #tpu.memory_space<vmem>>
    %dma_start3A_84 = arith.constant 0 : i32
    %dma_start3A_85 = tpu.memref_slice %arg4[%dma_start3A_80, %mul3A_79, %dma_start3A_84] : memref<4x512x768xf32, #tpu.memory_space<hbm>> -> memref<1x16x768xf32, #tpu.memory_space<hbm>>
    %dma_start3A_86 = tpu.memref_squeeze %dma_start3A_85 : memref<1x16x768xf32, #tpu.memory_space<hbm>> -> memref<16x768xf32, #tpu.memory_space<hbm>>
    %dma_start3A_87 = arith.constant 0 : i32
    %dma_start3A_88 = tpu.memref_slice %arg4[%dma_start3A_80, %mul3A_79, %dma_start3A_87] : memref<4x512x768xf32, #tpu.memory_space<hbm>> -> memref<1x16x768xf32, #tpu.memory_space<hbm>>
    %dma_start3A_89 = tpu.memref_squeeze %dma_start3A_88 : memref<1x16x768xf32, #tpu.memory_space<hbm>> -> memref<16x768xf32, #tpu.memory_space<hbm>>
    %dma_start3A_90 = arith.constant 48 : i32
    %dma_start3A_91 = arith.constant 0 : i32
    %dma_start3A_92 = tpu.memref_slice %arg6[%dma_start3A_90, %dma_start3A_91] : memref<64x768xf32, #tpu.memory_space<vmem>> -> memref<16x768xf32, #tpu.memory_space<vmem>>
    tpu.enqueue_dma source(%dma_start3A_92 : memref<16x768xf32, #tpu.memory_space<vmem>>) target(%dma_start3A_89 : memref<16x768xf32, #tpu.memory_space<hbm>>) target_semaphore(%arg9 : memref<!tpu.dma_semaphore, #tpu.memory_space<semaphore_mem>>)
    %mul3A_93 = arith.constant 16 : i32
    %mul3A_94 = arith.muli %add3A, %mul3A_93 : i32
    %dma_wait3A_95 = arith.constant 0 : i32
    %dma_wait3A_96 = arith.constant 0 : i32
    %dma_wait3A_97 = arith.constant 0 : i32
    %dma_wait3A_98 = tpu.memref_slice %arg6[%dma_wait3A_96, %dma_wait3A_97] : memref<64x768xf32, #tpu.memory_space<vmem>> -> memref<16x768xf32, #tpu.memory_space<vmem>>
    %dma_wait3A_99 = arith.constant 0 : i32
    %dma_wait3A_100 = tpu.memref_slice %arg4[%dma_wait3A_95, %mul3A_94, %dma_wait3A_99] : memref<4x512x768xf32, #tpu.memory_space<hbm>> -> memref<1x16x768xf32, #tpu.memory_space<hbm>>
    %dma_wait3A_101 = tpu.memref_squeeze %dma_wait3A_100 : memref<1x16x768xf32, #tpu.memory_space<hbm>> -> memref<16x768xf32, #tpu.memory_space<hbm>>
    %dma_wait3A_102 = arith.constant 0 : i32
    %dma_wait3A_103 = tpu.memref_slice %arg4[%dma_wait3A_95, %mul3A_94, %dma_wait3A_102] : memref<4x512x768xf32, #tpu.memory_space<hbm>> -> memref<1x16x768xf32, #tpu.memory_space<hbm>>
    %dma_wait3A_104 = tpu.memref_squeeze %dma_wait3A_103 : memref<1x16x768xf32, #tpu.memory_space<hbm>> -> memref<16x768xf32, #tpu.memory_space<hbm>>
    %dma_wait3A_105 = arith.constant 0 : i32
    %dma_wait3A_106 = arith.constant 0 : i32
    %dma_wait3A_107 = tpu.memref_slice %arg6[%dma_wait3A_105, %dma_wait3A_106] : memref<64x768xf32, #tpu.memory_space<vmem>> -> memref<16x768xf32, #tpu.memory_space<vmem>>
    tpu.wait_dma2 semaphore(%arg9 : memref<!tpu.dma_semaphore, #tpu.memory_space<semaphore_mem>>) src(%dma_wait3A_107 : memref<16x768xf32, #tpu.memory_space<vmem>>) dst(%dma_wait3A_104 : memref<16x768xf32, #tpu.memory_space<hbm>>)
    %mul3A_108 = arith.constant 16 : i32
    %mul3A_109 = arith.muli %add3A, %mul3A_108 : i32
    %dma_wait3A_110 = arith.constant 1 : i32
    %dma_wait3A_111 = arith.constant 16 : i32
    %dma_wait3A_112 = arith.constant 0 : i32
    %dma_wait3A_113 = tpu.memref_slice %arg6[%dma_wait3A_111, %dma_wait3A_112] : memref<64x768xf32, #tpu.memory_space<vmem>> -> memref<16x768xf32, #tpu.memory_space<vmem>>
    %dma_wait3A_114 = arith.constant 0 : i32
    %dma_wait3A_115 = tpu.memref_slice %arg4[%dma_wait3A_110, %mul3A_109, %dma_wait3A_114] : memref<4x512x768xf32, #tpu.memory_space<hbm>> -> memref<1x16x768xf32, #tpu.memory_space<hbm>>
    %dma_wait3A_116 = tpu.memref_squeeze %dma_wait3A_115 : memref<1x16x768xf32, #tpu.memory_space<hbm>> -> memref<16x768xf32, #tpu.memory_space<hbm>>
    %dma_wait3A_117 = arith.constant 0 : i32
    %dma_wait3A_118 = tpu.memref_slice %arg4[%dma_wait3A_110, %mul3A_109, %dma_wait3A_117] : memref<4x512x768xf32, #tpu.memory_space<hbm>> -> memref<1x16x768xf32, #tpu.memory_space<hbm>>
    %dma_wait3A_119 = tpu.memref_squeeze %dma_wait3A_118 : memref<1x16x768xf32, #tpu.memory_space<hbm>> -> memref<16x768xf32, #tpu.memory_space<hbm>>
    %dma_wait3A_120 = arith.constant 16 : i32
    %dma_wait3A_121 = arith.constant 0 : i32
    %dma_wait3A_122 = tpu.memref_slice %arg6[%dma_wait3A_120, %dma_wait3A_121] : memref<64x768xf32, #tpu.memory_space<vmem>> -> memref<16x768xf32, #tpu.memory_space<vmem>>
    tpu.wait_dma2 semaphore(%arg9 : memref<!tpu.dma_semaphore, #tpu.memory_space<semaphore_mem>>) src(%dma_wait3A_122 : memref<16x768xf32, #tpu.memory_space<vmem>>) dst(%dma_wait3A_119 : memref<16x768xf32, #tpu.memory_space<hbm>>)
    %mul3A_123 = arith.constant 16 : i32
    %mul3A_124 = arith.muli %add3A, %mul3A_123 : i32
    %dma_wait3A_125 = arith.constant 2 : i32
    %dma_wait3A_126 = arith.constant 32 : i32
    %dma_wait3A_127 = arith.constant 0 : i32
    %dma_wait3A_128 = tpu.memref_slice %arg6[%dma_wait3A_126, %dma_wait3A_127] : memref<64x768xf32, #tpu.memory_space<vmem>> -> memref<16x768xf32, #tpu.memory_space<vmem>>
    %dma_wait3A_129 = arith.constant 0 : i32
    %dma_wait3A_130 = tpu.memref_slice %arg4[%dma_wait3A_125, %mul3A_124, %dma_wait3A_129] : memref<4x512x768xf32, #tpu.memory_space<hbm>> -> memref<1x16x768xf32, #tpu.memory_space<hbm>>
    %dma_wait3A_131 = tpu.memref_squeeze %dma_wait3A_130 : memref<1x16x768xf32, #tpu.memory_space<hbm>> -> memref<16x768xf32, #tpu.memory_space<hbm>>
    %dma_wait3A_132 = arith.constant 0 : i32
    %dma_wait3A_133 = tpu.memref_slice %arg4[%dma_wait3A_125, %mul3A_124, %dma_wait3A_132] : memref<4x512x768xf32, #tpu.memory_space<hbm>> -> memref<1x16x768xf32, #tpu.memory_space<hbm>>
    %dma_wait3A_134 = tpu.memref_squeeze %dma_wait3A_133 : memref<1x16x768xf32, #tpu.memory_space<hbm>> -> memref<16x768xf32, #tpu.memory_space<hbm>>
    %dma_wait3A_135 = arith.constant 32 : i32
    %dma_wait3A_136 = arith.constant 0 : i32
    %dma_wait3A_137 = tpu.memref_slice %arg6[%dma_wait3A_135, %dma_wait3A_136] : memref<64x768xf32, #tpu.memory_space<vmem>> -> memref<16x768xf32, #tpu.memory_space<vmem>>
    tpu.wait_dma2 semaphore(%arg9 : memref<!tpu.dma_semaphore, #tpu.memory_space<semaphore_mem>>) src(%dma_wait3A_137 : memref<16x768xf32, #tpu.memory_space<vmem>>) dst(%dma_wait3A_134 : memref<16x768xf32, #tpu.memory_space<hbm>>)
    %mul3A_138 = arith.constant 16 : i32
    %mul3A_139 = arith.muli %add3A, %mul3A_138 : i32
    %dma_wait3A_140 = arith.constant 3 : i32
    %dma_wait3A_141 = arith.constant 48 : i32
    %dma_wait3A_142 = arith.constant 0 : i32
    %dma_wait3A_143 = tpu.memref_slice %arg6[%dma_wait3A_141, %dma_wait3A_142] : memref<64x768xf32, #tpu.memory_space<vmem>> -> memref<16x768xf32, #tpu.memory_space<vmem>>
    %dma_wait3A_144 = arith.constant 0 : i32
    %dma_wait3A_145 = tpu.memref_slice %arg4[%dma_wait3A_140, %mul3A_139, %dma_wait3A_144] : memref<4x512x768xf32, #tpu.memory_space<hbm>> -> memref<1x16x768xf32, #tpu.memory_space<hbm>>
    %dma_wait3A_146 = tpu.memref_squeeze %dma_wait3A_145 : memref<1x16x768xf32, #tpu.memory_space<hbm>> -> memref<16x768xf32, #tpu.memory_space<hbm>>
    %dma_wait3A_147 = arith.constant 0 : i32
    %dma_wait3A_148 = tpu.memref_slice %arg4[%dma_wait3A_140, %mul3A_139, %dma_wait3A_147] : memref<4x512x768xf32, #tpu.memory_space<hbm>> -> memref<1x16x768xf32, #tpu.memory_space<hbm>>
    %dma_wait3A_149 = tpu.memref_squeeze %dma_wait3A_148 : memref<1x16x768xf32, #tpu.memory_space<hbm>> -> memref<16x768xf32, #tpu.memory_space<hbm>>
    %dma_wait3A_150 = arith.constant 48 : i32
    %dma_wait3A_151 = arith.constant 0 : i32
    %dma_wait3A_152 = tpu.memref_slice %arg6[%dma_wait3A_150, %dma_wait3A_151] : memref<64x768xf32, #tpu.memory_space<vmem>> -> memref<16x768xf32, #tpu.memory_space<vmem>>
    tpu.wait_dma2 semaphore(%arg9 : memref<!tpu.dma_semaphore, #tpu.memory_space<semaphore_mem>>) src(%dma_wait3A_152 : memref<16x768xf32, #tpu.memory_space<vmem>>) dst(%dma_wait3A_149 : memref<16x768xf32, #tpu.memory_space<hbm>>)
    return
  }
}

#map = affine_map<(d0, d1) -> (0)>
#map1 = affine_map<(d0, d1) -> (0, 0)>
#map2 = affine_map<(d0, d1) -> (0, 0, 0)>
module attributes {stable_mosaic.version = 14 : i64} {
  func.func @_gather_kernel(%arg0: i32, %arg1: i32, %arg2: memref<2048xi32, #tpu.memory_space<hbm>>, %arg3: memref<50265x768xf32, #tpu.memory_space<hbm>>, %arg4: memref<4x512x768xf32, #tpu.memory_space<hbm>>, %arg5: memref<64xi32, #tpu.memory_space<vmem>>, %arg6: memref<64x768xf32, #tpu.memory_space<vmem>>, %arg7: memref<!tpu.dma_semaphore, #tpu.memory_space<semaphore_mem>>, %arg8: memref<!tpu.dma_semaphore, #tpu.memory_space<semaphore_mem>>, %arg9: memref<!tpu.dma_semaphore, #tpu.memory_space<semaphore_mem>>) attributes {dimension_semantics = [#tpu.dimension_semantics<core_parallel>, #tpu.dimension_semantics<subcore_parallel>], iteration_bounds = array<i64: 2, 16>, scalar_prefetch = 0 : i64, scratch_operands = 5 : i64, tpu.core_type = #tpu.core_type<sc_vector_subcore>, window_params = [{transform_indices = #map}, {transform_indices = #map1}, {transform_indices = #map2}]} {
    %mul3A = arith.constant 2 : i32
    %mul3A_0 = arith.muli %arg1, %mul3A : i32
    %add3A = arith.addi %mul3A_0, %arg0 : i32
    %mul3A_1 = arith.constant 64 : i32
    %mul3A_2 = arith.muli %add3A, %mul3A_1 : i32
    "tpu.region"() ({
      %run_scoped3A = tpu.sem_alloc : memref<!tpu.dma_semaphore, #tpu.memory_space<semaphore_mem>>
      %dma_start3A_153 = tpu.memref_slice %arg2[%mul3A_2] : memref<2048xi32, #tpu.memory_space<hbm>> -> memref<64xi32, #tpu.memory_space<hbm>>
      %dma_start3A_154 = tpu.memref_slice %arg2[%mul3A_2] : memref<2048xi32, #tpu.memory_space<hbm>> -> memref<64xi32, #tpu.memory_space<hbm>>
      tpu.enqueue_dma source(%dma_start3A_154 : memref<64xi32, #tpu.memory_space<hbm>>) target(%arg5 : memref<64xi32, #tpu.memory_space<vmem>>) target_semaphore(%run_scoped3A : memref<!tpu.dma_semaphore, #tpu.memory_space<semaphore_mem>>)
      %dma_wait3A_155 = tpu.memref_slice %arg2[%mul3A_2] : memref<2048xi32, #tpu.memory_space<hbm>> -> memref<64xi32, #tpu.memory_space<hbm>>
      %dma_wait3A_156 = tpu.memref_slice %arg2[%mul3A_2] : memref<2048xi32, #tpu.memory_space<hbm>> -> memref<64xi32, #tpu.memory_space<hbm>>
      tpu.wait_dma2 semaphore(%run_scoped3A : memref<!tpu.dma_semaphore, #tpu.memory_space<semaphore_mem>>) src(%dma_wait3A_156 : memref<64xi32, #tpu.memory_space<hbm>>) dst(%arg5 : memref<64xi32, #tpu.memory_space<vmem>>)
      tpu.yield
    }) : () -> ()
    %dma_start3A = arith.constant 0 : i32
    %dma_start3A_3 = arith.constant 0 : i32
    %dma_start3A_4 = tpu.memref_slice %arg6[%dma_start3A, %dma_start3A_3] : memref<64x768xf32, #tpu.memory_space<vmem>> -> memref<32x768xf32, #tpu.memory_space<vmem>>
    %dma_start3A_5 = arith.constant 0 : i32
    %dma_start3A_6 = tpu.memref_slice %arg5[%dma_start3A_5] : memref<64xi32, #tpu.memory_space<vmem>> -> memref<32xi32, #tpu.memory_space<vmem>>
    %dma_start3A_7 = arith.constant 0 : i32
    %dma_start3A_8 = arith.constant 0 : i32
    %dma_start3A_9 = tpu.memref_slice %arg3[%dma_start3A_7, %dma_start3A_8] : memref<50265x768xf32, #tpu.memory_space<hbm>> -> memref<50265x768xf32, #tpu.memory_space<hbm>>
    tpu.enqueue_indirect_dma source(%dma_start3A_9 : memref<50265x768xf32, #tpu.memory_space<hbm>>) target(%dma_start3A_4 : memref<32x768xf32, #tpu.memory_space<vmem>>) offsets(%dma_start3A_6 : memref<32xi32, #tpu.memory_space<vmem>>) semaphore(%arg7 : memref<!tpu.dma_semaphore, #tpu.memory_space<semaphore_mem>>)
    %dma_start3A_10 = arith.constant 32 : i32
    %dma_start3A_11 = arith.constant 0 : i32
    %dma_start3A_12 = tpu.memref_slice %arg6[%dma_start3A_10, %dma_start3A_11] : memref<64x768xf32, #tpu.memory_space<vmem>> -> memref<32x768xf32, #tpu.memory_space<vmem>>
    %dma_start3A_13 = arith.constant 32 : i32
    %dma_start3A_14 = tpu.memref_slice %arg5[%dma_start3A_13] : memref<64xi32, #tpu.memory_space<vmem>> -> memref<32xi32, #tpu.memory_space<vmem>>
    %dma_start3A_15 = arith.constant 0 : i32
    %dma_start3A_16 = arith.constant 0 : i32
    %dma_start3A_17 = tpu.memref_slice %arg3[%dma_start3A_15, %dma_start3A_16] : memref<50265x768xf32, #tpu.memory_space<hbm>> -> memref<50265x768xf32, #tpu.memory_space<hbm>>
    tpu.enqueue_indirect_dma source(%dma_start3A_17 : memref<50265x768xf32, #tpu.memory_space<hbm>>) target(%dma_start3A_12 : memref<32x768xf32, #tpu.memory_space<vmem>>) offsets(%dma_start3A_14 : memref<32xi32, #tpu.memory_space<vmem>>) semaphore(%arg8 : memref<!tpu.dma_semaphore, #tpu.memory_space<semaphore_mem>>)
    %dma_wait3A = arith.constant 0 : i32
    %dma_wait3A_18 = arith.constant 0 : i32
    %dma_wait3A_19 = tpu.memref_slice %arg6[%dma_wait3A, %dma_wait3A_18] : memref<64x768xf32, #tpu.memory_space<vmem>> -> memref<32x768xf32, #tpu.memory_space<vmem>>
    %dma_wait3A_20 = arith.constant 0 : i32
    %dma_wait3A_21 = tpu.memref_slice %arg5[%dma_wait3A_20] : memref<64xi32, #tpu.memory_space<vmem>> -> memref<32xi32, #tpu.memory_space<vmem>>
    %dma_wait3A_22 = arith.constant 0 : i32
    %dma_wait3A_23 = arith.constant 0 : i32
    %dma_wait3A_24 = tpu.memref_slice %arg3[%dma_wait3A_22, %dma_wait3A_23] : memref<50265x768xf32, #tpu.memory_space<hbm>> -> memref<50265x768xf32, #tpu.memory_space<hbm>>
    tpu.wait_indirect_dma semaphore(%arg7 : memref<!tpu.dma_semaphore, #tpu.memory_space<semaphore_mem>>) src(%dma_wait3A_24 : memref<50265x768xf32, #tpu.memory_space<hbm>>) dst(%dma_wait3A_19 : memref<32x768xf32, #tpu.memory_space<vmem>>)
    %mul3A_25 = arith.constant 16 : i32
    %mul3A_26 = arith.muli %add3A, %mul3A_25 : i32
    %dma_start3A_27 = arith.constant 0 : i32
    %dma_start3A_28 = arith.constant 0 : i32
    %dma_start3A_29 = arith.constant 0 : i32
    %dma_start3A_30 = tpu.memref_slice %arg6[%dma_start3A_28, %dma_start3A_29] : memref<64x768xf32, #tpu.memory_space<vmem>> -> memref<16x768xf32, #tpu.memory_space<vmem>>
    %dma_start3A_31 = arith.constant 0 : i32
    %dma_start3A_32 = tpu.memref_slice %arg4[%dma_start3A_27, %mul3A_26, %dma_start3A_31] : memref<4x512x768xf32, #tpu.memory_space<hbm>> -> memref<1x16x768xf32, #tpu.memory_space<hbm>>
    %dma_start3A_33 = tpu.memref_squeeze %dma_start3A_32 : memref<1x16x768xf32, #tpu.memory_space<hbm>> -> memref<16x768xf32, #tpu.memory_space<hbm>>
    %dma_start3A_34 = arith.constant 0 : i32
    %dma_start3A_35 = tpu.memref_slice %arg4[%dma_start3A_27, %mul3A_26, %dma_start3A_34] : memref<4x512x768xf32, #tpu.memory_space<hbm>> -> memref<1x16x768xf32, #tpu.memory_space<hbm>>
    %dma_start3A_36 = tpu.memref_squeeze %dma_start3A_35 : memref<1x16x768xf32, #tpu.memory_space<hbm>> -> memref<16x768xf32, #tpu.memory_space<hbm>>
    %dma_start3A_37 = arith.constant 0 : i32
    %dma_start3A_38 = arith.constant 0 : i32
    %dma_start3A_39 = tpu.memref_slice %arg6[%dma_start3A_37, %dma_start3A_38] : memref<64x768xf32, #tpu.memory_space<vmem>> -> memref<16x768xf32, #tpu.memory_space<vmem>>
    tpu.enqueue_dma source(%dma_start3A_39 : memref<16x768xf32, #tpu.memory_space<vmem>>) target(%dma_start3A_36 : memref<16x768xf32, #tpu.memory_space<hbm>>) target_semaphore(%arg9 : memref<!tpu.dma_semaphore, #tpu.memory_space<semaphore_mem>>)
    %mul3A_40 = arith.constant 16 : i32
    %mul3A_41 = arith.muli %add3A, %mul3A_40 : i32
    %dma_start3A_42 = arith.constant 1 : i32
    %dma_start3A_43 = arith.constant 16 : i32
    %dma_start3A_44 = arith.constant 0 : i32
    %dma_start3A_45 = tpu.memref_slice %arg6[%dma_start3A_43, %dma_start3A_44] : memref<64x768xf32, #tpu.memory_space<vmem>> -> memref<16x768xf32, #tpu.memory_space<vmem>>
    %dma_start3A_46 = arith.constant 0 : i32
    %dma_start3A_47 = tpu.memref_slice %arg4[%dma_start3A_42, %mul3A_41, %dma_start3A_46] : memref<4x512x768xf32, #tpu.memory_space<hbm>> -> memref<1x16x768xf32, #tpu.memory_space<hbm>>
    %dma_start3A_48 = tpu.memref_squeeze %dma_start3A_47 : memref<1x16x768xf32, #tpu.memory_space<hbm>> -> memref<16x768xf32, #tpu.memory_space<hbm>>
    %dma_start3A_49 = arith.constant 0 : i32
    %dma_start3A_50 = tpu.memref_slice %arg4[%dma_start3A_42, %mul3A_41, %dma_start3A_49] : memref<4x512x768xf32, #tpu.memory_space<hbm>> -> memref<1x16x768xf32, #tpu.memory_space<hbm>>
    %dma_start3A_51 = tpu.memref_squeeze %dma_start3A_50 : memref<1x16x768xf32, #tpu.memory_space<hbm>> -> memref<16x768xf32, #tpu.memory_space<hbm>>
    %dma_start3A_52 = arith.constant 16 : i32
    %dma_start3A_53 = arith.constant 0 : i32
    %dma_start3A_54 = tpu.memref_slice %arg6[%dma_start3A_52, %dma_start3A_53] : memref<64x768xf32, #tpu.memory_space<vmem>> -> memref<16x768xf32, #tpu.memory_space<vmem>>
    tpu.enqueue_dma source(%dma_start3A_54 : memref<16x768xf32, #tpu.memory_space<vmem>>) target(%dma_start3A_51 : memref<16x768xf32, #tpu.memory_space<hbm>>) target_semaphore(%arg9 : memref<!tpu.dma_semaphore, #tpu.memory_space<semaphore_mem>>)
    %dma_wait3A_55 = arith.constant 32 : i32
    %dma_wait3A_56 = arith.constant 0 : i32
    %dma_wait3A_57 = tpu.memref_slice %arg6[%dma_wait3A_55, %dma_wait3A_56] : memref<64x768xf32, #tpu.memory_space<vmem>> -> memref<32x768xf32, #tpu.memory_space<vmem>>
    %dma_wait3A_58 = arith.constant 32 : i32
    %dma_wait3A_59 = tpu.memref_slice %arg5[%dma_wait3A_58] : memref<64xi32, #tpu.memory_space<vmem>> -> memref<32xi32, #tpu.memory_space<vmem>>
    %dma_wait3A_60 = arith.constant 0 : i32
    %dma_wait3A_61 = arith.constant 0 : i32
    %dma_wait3A_62 = tpu.memref_slice %arg3[%dma_wait3A_60, %dma_wait3A_61] : memref<50265x768xf32, #tpu.memory_space<hbm>> -> memref<50265x768xf32, #tpu.memory_space<hbm>>
    tpu.wait_indirect_dma semaphore(%arg8 : memref<!tpu.dma_semaphore, #tpu.memory_space<semaphore_mem>>) src(%dma_wait3A_62 : memref<50265x768xf32, #tpu.memory_space<hbm>>) dst(%dma_wait3A_57 : memref<32x768xf32, #tpu.memory_space<vmem>>)
    %mul3A_63 = arith.constant 16 : i32
    %mul3A_64 = arith.muli %add3A, %mul3A_63 : i32
    %dma_start3A_65 = arith.constant 2 : i32
    %dma_start3A_66 = arith.constant 32 : i32
    %dma_start3A_67 = arith.constant 0 : i32
    %dma_start3A_68 = tpu.memref_slice %arg6[%dma_start3A_66, %dma_start3A_67] : memref<64x768xf32, #tpu.memory_space<vmem>> -> memref<16x768xf32, #tpu.memory_space<vmem>>
    %dma_start3A_69 = arith.constant 0 : i32
    %dma_start3A_70 = tpu.memref_slice %arg4[%dma_start3A_65, %mul3A_64, %dma_start3A_69] : memref<4x512x768xf32, #tpu.memory_space<hbm>> -> memref<1x16x768xf32, #tpu.memory_space<hbm>>
    %dma_start3A_71 = tpu.memref_squeeze %dma_start3A_70 : memref<1x16x768xf32, #tpu.memory_space<hbm>> -> memref<16x768xf32, #tpu.memory_space<hbm>>
    %dma_start3A_72 = arith.constant 0 : i32
    %dma_start3A_73 = tpu.memref_slice %arg4[%dma_start3A_65, %mul3A_64, %dma_start3A_72] : memref<4x512x768xf32, #tpu.memory_space<hbm>> -> memref<1x16x768xf32, #tpu.memory_space<hbm>>
    %dma_start3A_74 = tpu.memref_squeeze %dma_start3A_73 : memref<1x16x768xf32, #tpu.memory_space<hbm>> -> memref<16x768xf32, #tpu.memory_space<hbm>>
    %dma_start3A_75 = arith.constant 32 : i32
    %dma_start3A_76 = arith.constant 0 : i32
    %dma_start3A_77 = tpu.memref_slice %arg6[%dma_start3A_75, %dma_start3A_76] : memref<64x768xf32, #tpu.memory_space<vmem>> -> memref<16x768xf32, #tpu.memory_space<vmem>>
    tpu.enqueue_dma source(%dma_start3A_77 : memref<16x768xf32, #tpu.memory_space<vmem>>) target(%dma_start3A_74 : memref<16x768xf32, #tpu.memory_space<hbm>>) target_semaphore(%arg9 : memref<!tpu.dma_semaphore, #tpu.memory_space<semaphore_mem>>)
    %mul3A_78 = arith.constant 16 : i32
    %mul3A_79 = arith.muli %add3A, %mul3A_78 : i32
    %dma_start3A_80 = arith.constant 3 : i32
    %dma_start3A_81 = arith.constant 48 : i32
    %dma_start3A_82 = arith.constant 0 : i32
    %dma_start3A_83 = tpu.memref_slice %arg6[%dma_start3A_81, %dma_start3A_82] : memref<64x768xf32, #tpu.memory_space<vmem>> -> memref<16x768xf32, #tpu.memory_space<vmem>>
    %dma_start3A_84 = arith.constant 0 : i32
    %dma_start3A_85 = tpu.memref_slice %arg4[%dma_start3A_80, %mul3A_79, %dma_start3A_84] : memref<4x512x768xf32, #tpu.memory_space<hbm>> -> memref<1x16x768xf32, #tpu.memory_space<hbm>>
    %dma_start3A_86 = tpu.memref_squeeze %dma_start3A_85 : memref<1x16x768xf32, #tpu.memory_space<hbm>> -> memref<16x768xf32, #tpu.memory_space<hbm>>
    %dma_start3A_87 = arith.constant 0 : i32
    %dma_start3A_88 = tpu.memref_slice %arg4[%dma_start3A_80, %mul3A_79, %dma_start3A_87] : memref<4x512x768xf32, #tpu.memory_space<hbm>> -> memref<1x16x768xf32, #tpu.memory_space<hbm>>
    %dma_start3A_89 = tpu.memref_squeeze %dma_start3A_88 : memref<1x16x768xf32, #tpu.memory_space<hbm>> -> memref<16x768xf32, #tpu.memory_space<hbm>>
    %dma_start3A_90 = arith.constant 48 : i32
    %dma_start3A_91 = arith.constant 0 : i32
    %dma_start3A_92 = tpu.memref_slice %arg6[%dma_start3A_90, %dma_start3A_91] : memref<64x768xf32, #tpu.memory_space<vmem>> -> memref<16x768xf32, #tpu.memory_space<vmem>>
    tpu.enqueue_dma source(%dma_start3A_92 : memref<16x768xf32, #tpu.memory_space<vmem>>) target(%dma_start3A_89 : memref<16x768xf32, #tpu.memory_space<hbm>>) target_semaphore(%arg9 : memref<!tpu.dma_semaphore, #tpu.memory_space<semaphore_mem>>)
    %mul3A_93 = arith.constant 16 : i32
    %mul3A_94 = arith.muli %add3A, %mul3A_93 : i32
    %dma_wait3A_95 = arith.constant 0 : i32
    %dma_wait3A_96 = arith.constant 0 : i32
    %dma_wait3A_97 = arith.constant 0 : i32
    %dma_wait3A_98 = tpu.memref_slice %arg6[%dma_wait3A_96, %dma_wait3A_97] : memref<64x768xf32, #tpu.memory_space<vmem>> -> memref<16x768xf32, #tpu.memory_space<vmem>>
    %dma_wait3A_99 = arith.constant 0 : i32
    %dma_wait3A_100 = tpu.memref_slice %arg4[%dma_wait3A_95, %mul3A_94, %dma_wait3A_99] : memref<4x512x768xf32, #tpu.memory_space<hbm>> -> memref<1x16x768xf32, #tpu.memory_space<hbm>>
    %dma_wait3A_101 = tpu.memref_squeeze %dma_wait3A_100 : memref<1x16x768xf32, #tpu.memory_space<hbm>> -> memref<16x768xf32, #tpu.memory_space<hbm>>
    %dma_wait3A_102 = arith.constant 0 : i32
    %dma_wait3A_103 = tpu.memref_slice %arg4[%dma_wait3A_95, %mul3A_94, %dma_wait3A_102] : memref<4x512x768xf32, #tpu.memory_space<hbm>> -> memref<1x16x768xf32, #tpu.memory_space<hbm>>
    %dma_wait3A_104 = tpu.memref_squeeze %dma_wait3A_103 : memref<1x16x768xf32, #tpu.memory_space<hbm>> -> memref<16x768xf32, #tpu.memory_space<hbm>>
    %dma_wait3A_105 = arith.constant 0 : i32
    %dma_wait3A_106 = arith.constant 0 : i32
    %dma_wait3A_107 = tpu.memref_slice %arg6[%dma_wait3A_105, %dma_wait3A_106] : memref<64x768xf32, #tpu.memory_space<vmem>> -> memref<16x768xf32, #tpu.memory_space<vmem>>
    tpu.wait_dma2 semaphore(%arg9 : memref<!tpu.dma_semaphore, #tpu.memory_space<semaphore_mem>>) src(%dma_wait3A_107 : memref<16x768xf32, #tpu.memory_space<vmem>>) dst(%dma_wait3A_104 : memref<16x768xf32, #tpu.memory_space<hbm>>)
    %mul3A_108 = arith.constant 16 : i32
    %mul3A_109 = arith.muli %add3A, %mul3A_108 : i32
    %dma_wait3A_110 = arith.constant 1 : i32
    %dma_wait3A_111 = arith.constant 16 : i32
    %dma_wait3A_112 = arith.constant 0 : i32
    %dma_wait3A_113 = tpu.memref_slice %arg6[%dma_wait3A_111, %dma_wait3A_112] : memref<64x768xf32, #tpu.memory_space<vmem>> -> memref<16x768xf32, #tpu.memory_space<vmem>>
    %dma_wait3A_114 = arith.constant 0 : i32
    %dma_wait3A_115 = tpu.memref_slice %arg4[%dma_wait3A_110, %mul3A_109, %dma_wait3A_114] : memref<4x512x768xf32, #tpu.memory_space<hbm>> -> memref<1x16x768xf32, #tpu.memory_space<hbm>>
    %dma_wait3A_116 = tpu.memref_squeeze %dma_wait3A_115 : memref<1x16x768xf32, #tpu.memory_space<hbm>> -> memref<16x768xf32, #tpu.memory_space<hbm>>
    %dma_wait3A_117 = arith.constant 0 : i32
    %dma_wait3A_118 = tpu.memref_slice %arg4[%dma_wait3A_110, %mul3A_109, %dma_wait3A_117] : memref<4x512x768xf32, #tpu.memory_space<hbm>> -> memref<1x16x768xf32, #tpu.memory_space<hbm>>
    %dma_wait3A_119 = tpu.memref_squeeze %dma_wait3A_118 : memref<1x16x768xf32, #tpu.memory_space<hbm>> -> memref<16x768xf32, #tpu.memory_space<hbm>>
    %dma_wait3A_120 = arith.constant 16 : i32
    %dma_wait3A_121 = arith.constant 0 : i32
    %dma_wait3A_122 = tpu.memref_slice %arg6[%dma_wait3A_120, %dma_wait3A_121] : memref<64x768xf32, #tpu.memory_space<vmem>> -> memref<16x768xf32, #tpu.memory_space<vmem>>
    tpu.wait_dma2 semaphore(%arg9 : memref<!tpu.dma_semaphore, #tpu.memory_space<semaphore_mem>>) src(%dma_wait3A_122 : memref<16x768xf32, #tpu.memory_space<vmem>>) dst(%dma_wait3A_119 : memref<16x768xf32, #tpu.memory_space<hbm>>)
    %mul3A_123 = arith.constant 16 : i32
    %mul3A_124 = arith.muli %add3A, %mul3A_123 : i32
    %dma_wait3A_125 = arith.constant 2 : i32
    %dma_wait3A_126 = arith.constant 32 : i32
    %dma_wait3A_127 = arith.constant 0 : i32
    %dma_wait3A_128 = tpu.memref_slice %arg6[%dma_wait3A_126, %dma_wait3A_127] : memref<64x768xf32, #tpu.memory_space<vmem>> -> memref<16x768xf32, #tpu.memory_space<vmem>>
    %dma_wait3A_129 = arith.constant 0 : i32
    %dma_wait3A_130 = tpu.memref_slice %arg4[%dma_wait3A_125, %mul3A_124, %dma_wait3A_129] : memref<4x512x768xf32, #tpu.memory_space<hbm>> -> memref<1x16x768xf32, #tpu.memory_space<hbm>>
    %dma_wait3A_131 = tpu.memref_squeeze %dma_wait3A_130 : memref<1x16x768xf32, #tpu.memory_space<hbm>> -> memref<16x768xf32, #tpu.memory_space<hbm>>
    %dma_wait3A_132 = arith.constant 0 : i32
    %dma_wait3A_133 = tpu.memref_slice %arg4[%dma_wait3A_125, %mul3A_124, %dma_wait3A_132] : memref<4x512x768xf32, #tpu.memory_space<hbm>> -> memref<1x16x768xf32, #tpu.memory_space<hbm>>
    %dma_wait3A_134 = tpu.memref_squeeze %dma_wait3A_133 : memref<1x16x768xf32, #tpu.memory_space<hbm>> -> memref<16x768xf32, #tpu.memory_space<hbm>>
    %dma_wait3A_135 = arith.constant 32 : i32
    %dma_wait3A_136 = arith.constant 0 : i32
    %dma_wait3A_137 = tpu.memref_slice %arg6[%dma_wait3A_135, %dma_wait3A_136] : memref<64x768xf32, #tpu.memory_space<vmem>> -> memref<16x768xf32, #tpu.memory_space<vmem>>
    tpu.wait_dma2 semaphore(%arg9 : memref<!tpu.dma_semaphore, #tpu.memory_space<semaphore_mem>>) src(%dma_wait3A_137 : memref<16x768xf32, #tpu.memory_space<vmem>>) dst(%dma_wait3A_134 : memref<16x768xf32, #tpu.memory_space<hbm>>)
    %mul3A_138 = arith.constant 16 : i32
    %mul3A_139 = arith.muli %add3A, %mul3A_138 : i32
    %dma_wait3A_140 = arith.constant 3 : i32
    %dma_wait3A_141 = arith.constant 48 : i32
    %dma_wait3A_142 = arith.constant 0 : i32
    %dma_wait3A_143 = tpu.memref_slice %arg6[%dma_wait3A_141, %dma_wait3A_142] : memref<64x768xf32, #tpu.memory_space<vmem>> -> memref<16x768xf32, #tpu.memory_space<vmem>>
    %dma_wait3A_144 = arith.constant 0 : i32
    %dma_wait3A_145 = tpu.memref_slice %arg4[%dma_wait3A_140, %mul3A_139, %dma_wait3A_144] : memref<4x512x768xf32, #tpu.memory_space<hbm>> -> memref<1x16x768xf32, #tpu.memory_space<hbm>>
    %dma_wait3A_146 = tpu.memref_squeeze %dma_wait3A_145 : memref<1x16x768xf32, #tpu.memory_space<hbm>> -> memref<16x768xf32, #tpu.memory_space<hbm>>
    %dma_wait3A_147 = arith.constant 0 : i32
    %dma_wait3A_148 = tpu.memref_slice %arg4[%dma_wait3A_140, %mul3A_139, %dma_wait3A_147] : memref<4x512x768xf32, #tpu.memory_space<hbm>> -> memref<1x16x768xf32, #tpu.memory_space<hbm>>
    %dma_wait3A_149 = tpu.memref_squeeze %dma_wait3A_148 : memref<1x16x768xf32, #tpu.memory_space<hbm>> -> memref<16x768xf32, #tpu.memory_space<hbm>>
    %dma_wait3A_150 = arith.constant 48 : i32
    %dma_wait3A_151 = arith.constant 0 : i32
    %dma_wait3A_152 = tpu.memref_slice %arg6[%dma_wait3A_150, %dma_wait3A_151] : memref<64x768xf32, #tpu.memory_space<vmem>> -> memref<16x768xf32, #tpu.memory_space<vmem>>
    tpu.wait_dma2 semaphore(%arg9 : memref<!tpu.dma_semaphore, #tpu.memory_space<semaphore_mem>>) src(%dma_wait3A_152 : memref<16x768xf32, #tpu.memory_space<vmem>>) dst(%dma_wait3A_149 : memref<16x768xf32, #tpu.memory_space<hbm>>)
    return
  }
}

#map = affine_map<(d0, d1) -> (0)>
#map1 = affine_map<(d0, d1) -> (0, 0)>
#map2 = affine_map<(d0, d1) -> (0, 0, 0)>
module attributes {stable_mosaic.version = 14 : i64} {
  func.func @_gather_kernel(%arg0: i32, %arg1: i32, %arg2: memref<2048xi32, #tpu.memory_space<hbm>>, %arg3: memref<50265x768xf32, #tpu.memory_space<hbm>>, %arg4: memref<4x512x768xf32, #tpu.memory_space<hbm>>, %arg5: memref<64xi32, #tpu.memory_space<vmem>>, %arg6: memref<64x768xf32, #tpu.memory_space<vmem>>, %arg7: memref<!tpu.dma_semaphore, #tpu.memory_space<semaphore_mem>>, %arg8: memref<!tpu.dma_semaphore, #tpu.memory_space<semaphore_mem>>, %arg9: memref<!tpu.dma_semaphore, #tpu.memory_space<semaphore_mem>>) attributes {dimension_semantics = [#tpu.dimension_semantics<core_parallel>, #tpu.dimension_semantics<subcore_parallel>], iteration_bounds = array<i64: 2, 16>, scalar_prefetch = 0 : i64, scratch_operands = 5 : i64, tpu.core_type = #tpu.core_type<sc_vector_subcore>, window_params = [{transform_indices = #map}, {transform_indices = #map1}, {transform_indices = #map2}]} {
    %mul3A = arith.constant 2 : i32
    %mul3A_0 = arith.muli %arg1, %mul3A : i32
    %add3A = arith.addi %mul3A_0, %arg0 : i32
    %mul3A_1 = arith.constant 64 : i32
    %mul3A_2 = arith.muli %add3A, %mul3A_1 : i32
    "tpu.region"() ({
      %run_scoped3A = tpu.sem_alloc : memref<!tpu.dma_semaphore, #tpu.memory_space<semaphore_mem>>
      %dma_start3A_153 = tpu.memref_slice %arg2[%mul3A_2] : memref<2048xi32, #tpu.memory_space<hbm>> -> memref<64xi32, #tpu.memory_space<hbm>>
      %dma_start3A_154 = tpu.memref_slice %arg2[%mul3A_2] : memref<2048xi32, #tpu.memory_space<hbm>> -> memref<64xi32, #tpu.memory_space<hbm>>
      tpu.enqueue_dma source(%dma_start3A_154 : memref<64xi32, #tpu.memory_space<hbm>>) target(%arg5 : memref<64xi32, #tpu.memory_space<vmem>>) target_semaphore(%run_scoped3A : memref<!tpu.dma_semaphore, #tpu.memory_space<semaphore_mem>>)
      %dma_wait3A_155 = tpu.memref_slice %arg2[%mul3A_2] : memref<2048xi32, #tpu.memory_space<hbm>> -> memref<64xi32, #tpu.memory_space<hbm>>
      %dma_wait3A_156 = tpu.memref_slice %arg2[%mul3A_2] : memref<2048xi32, #tpu.memory_space<hbm>> -> memref<64xi32, #tpu.memory_space<hbm>>
      tpu.wait_dma2 semaphore(%run_scoped3A : memref<!tpu.dma_semaphore, #tpu.memory_space<semaphore_mem>>) src(%dma_wait3A_156 : memref<64xi32, #tpu.memory_space<hbm>>) dst(%arg5 : memref<64xi32, #tpu.memory_space<vmem>>)
      tpu.yield
    }) : () -> ()
    %dma_start3A = arith.constant 0 : i32
    %dma_start3A_3 = arith.constant 0 : i32
    %dma_start3A_4 = tpu.memref_slice %arg6[%dma_start3A, %dma_start3A_3] : memref<64x768xf32, #tpu.memory_space<vmem>> -> memref<32x768xf32, #tpu.memory_space<vmem>>
    %dma_start3A_5 = arith.constant 0 : i32
    %dma_start3A_6 = tpu.memref_slice %arg5[%dma_start3A_5] : memref<64xi32, #tpu.memory_space<vmem>> -> memref<32xi32, #tpu.memory_space<vmem>>
    %dma_start3A_7 = arith.constant 0 : i32
    %dma_start3A_8 = arith.constant 0 : i32
    %dma_start3A_9 = tpu.memref_slice %arg3[%dma_start3A_7, %dma_start3A_8] : memref<50265x768xf32, #tpu.memory_space<hbm>> -> memref<50265x768xf32, #tpu.memory_space<hbm>>
    tpu.enqueue_indirect_dma source(%dma_start3A_9 : memref<50265x768xf32, #tpu.memory_space<hbm>>) target(%dma_start3A_4 : memref<32x768xf32, #tpu.memory_space<vmem>>) offsets(%dma_start3A_6 : memref<32xi32, #tpu.memory_space<vmem>>) semaphore(%arg7 : memref<!tpu.dma_semaphore, #tpu.memory_space<semaphore_mem>>)
    %dma_start3A_10 = arith.constant 32 : i32
    %dma_start3A_11 = arith.constant 0 : i32
    %dma_start3A_12 = tpu.memref_slice %arg6[%dma_start3A_10, %dma_start3A_11] : memref<64x768xf32, #tpu.memory_space<vmem>> -> memref<32x768xf32, #tpu.memory_space<vmem>>
    %dma_start3A_13 = arith.constant 32 : i32
    %dma_start3A_14 = tpu.memref_slice %arg5[%dma_start3A_13] : memref<64xi32, #tpu.memory_space<vmem>> -> memref<32xi32, #tpu.memory_space<vmem>>
    %dma_start3A_15 = arith.constant 0 : i32
    %dma_start3A_16 = arith.constant 0 : i32
    %dma_start3A_17 = tpu.memref_slice %arg3[%dma_start3A_15, %dma_start3A_16] : memref<50265x768xf32, #tpu.memory_space<hbm>> -> memref<50265x768xf32, #tpu.memory_space<hbm>>
    tpu.enqueue_indirect_dma source(%dma_start3A_17 : memref<50265x768xf32, #tpu.memory_space<hbm>>) target(%dma_start3A_12 : memref<32x768xf32, #tpu.memory_space<vmem>>) offsets(%dma_start3A_14 : memref<32xi32, #tpu.memory_space<vmem>>) semaphore(%arg8 : memref<!tpu.dma_semaphore, #tpu.memory_space<semaphore_mem>>)
    %dma_wait3A = arith.constant 0 : i32
    %dma_wait3A_18 = arith.constant 0 : i32
    %dma_wait3A_19 = tpu.memref_slice %arg6[%dma_wait3A, %dma_wait3A_18] : memref<64x768xf32, #tpu.memory_space<vmem>> -> memref<32x768xf32, #tpu.memory_space<vmem>>
    %dma_wait3A_20 = arith.constant 0 : i32
    %dma_wait3A_21 = tpu.memref_slice %arg5[%dma_wait3A_20] : memref<64xi32, #tpu.memory_space<vmem>> -> memref<32xi32, #tpu.memory_space<vmem>>
    %dma_wait3A_22 = arith.constant 0 : i32
    %dma_wait3A_23 = arith.constant 0 : i32
    %dma_wait3A_24 = tpu.memref_slice %arg3[%dma_wait3A_22, %dma_wait3A_23] : memref<50265x768xf32, #tpu.memory_space<hbm>> -> memref<50265x768xf32, #tpu.memory_space<hbm>>
    tpu.wait_indirect_dma semaphore(%arg7 : memref<!tpu.dma_semaphore, #tpu.memory_space<semaphore_mem>>) src(%dma_wait3A_24 : memref<50265x768xf32, #tpu.memory_space<hbm>>) dst(%dma_wait3A_19 : memref<32x768xf32, #tpu.memory_space<vmem>>)
    %mul3A_25 = arith.constant 16 : i32
    %mul3A_26 = arith.muli %add3A, %mul3A_25 : i32
    %dma_start3A_27 = arith.constant 0 : i32
    %dma_start3A_28 = arith.constant 0 : i32
    %dma_start3A_29 = arith.constant 0 : i32
    %dma_start3A_30 = tpu.memref_slice %arg6[%dma_start3A_28, %dma_start3A_29] : memref<64x768xf32, #tpu.memory_space<vmem>> -> memref<16x768xf32, #tpu.memory_space<vmem>>
    %dma_start3A_31 = arith.constant 0 : i32
    %dma_start3A_32 = tpu.memref_slice %arg4[%dma_start3A_27, %mul3A_26, %dma_start3A_31] : memref<4x512x768xf32, #tpu.memory_space<hbm>> -> memref<1x16x768xf32, #tpu.memory_space<hbm>>
    %dma_start3A_33 = tpu.memref_squeeze %dma_start3A_32 : memref<1x16x768xf32, #tpu.memory_space<hbm>> -> memref<16x768xf32, #tpu.memory_space<hbm>>
    %dma_start3A_34 = arith.constant 0 : i32
    %dma_start3A_35 = tpu.memref_slice %arg4[%dma_start3A_27, %mul3A_26, %dma_start3A_34] : memref<4x512x768xf32, #tpu.memory_space<hbm>> -> memref<1x16x768xf32, #tpu.memory_space<hbm>>
    %dma_start3A_36 = tpu.memref_squeeze %dma_start3A_35 : memref<1x16x768xf32, #tpu.memory_space<hbm>> -> memref<16x768xf32, #tpu.memory_space<hbm>>
    %dma_start3A_37 = arith.constant 0 : i32
    %dma_start3A_38 = arith.constant 0 : i32
    %dma_start3A_39 = tpu.memref_slice %arg6[%dma_start3A_37, %dma_start3A_38] : memref<64x768xf32, #tpu.memory_space<vmem>> -> memref<16x768xf32, #tpu.memory_space<vmem>>
    tpu.enqueue_dma source(%dma_start3A_39 : memref<16x768xf32, #tpu.memory_space<vmem>>) target(%dma_start3A_36 : memref<16x768xf32, #tpu.memory_space<hbm>>) target_semaphore(%arg9 : memref<!tpu.dma_semaphore, #tpu.memory_space<semaphore_mem>>)
    %mul3A_40 = arith.constant 16 : i32
    %mul3A_41 = arith.muli %add3A, %mul3A_40 : i32
    %dma_start3A_42 = arith.constant 1 : i32
    %dma_start3A_43 = arith.constant 16 : i32
    %dma_start3A_44 = arith.constant 0 : i32
    %dma_start3A_45 = tpu.memref_slice %arg6[%dma_start3A_43, %dma_start3A_44] : memref<64x768xf32, #tpu.memory_space<vmem>> -> memref<16x768xf32, #tpu.memory_space<vmem>>
    %dma_start3A_46 = arith.constant 0 : i32
    %dma_start3A_47 = tpu.memref_slice %arg4[%dma_start3A_42, %mul3A_41, %dma_start3A_46] : memref<4x512x768xf32, #tpu.memory_space<hbm>> -> memref<1x16x768xf32, #tpu.memory_space<hbm>>
    %dma_start3A_48 = tpu.memref_squeeze %dma_start3A_47 : memref<1x16x768xf32, #tpu.memory_space<hbm>> -> memref<16x768xf32, #tpu.memory_space<hbm>>
    %dma_start3A_49 = arith.constant 0 : i32
    %dma_start3A_50 = tpu.memref_slice %arg4[%dma_start3A_42, %mul3A_41, %dma_start3A_49] : memref<4x512x768xf32, #tpu.memory_space<hbm>> -> memref<1x16x768xf32, #tpu.memory_space<hbm>>
    %dma_start3A_51 = tpu.memref_squeeze %dma_start3A_50 : memref<1x16x768xf32, #tpu.memory_space<hbm>> -> memref<16x768xf32, #tpu.memory_space<hbm>>
    %dma_start3A_52 = arith.constant 16 : i32
    %dma_start3A_53 = arith.constant 0 : i32
    %dma_start3A_54 = tpu.memref_slice %arg6[%dma_start3A_52, %dma_start3A_53] : memref<64x768xf32, #tpu.memory_space<vmem>> -> memref<16x768xf32, #tpu.memory_space<vmem>>
    tpu.enqueue_dma source(%dma_start3A_54 : memref<16x768xf32, #tpu.memory_space<vmem>>) target(%dma_start3A_51 : memref<16x768xf32, #tpu.memory_space<hbm>>) target_semaphore(%arg9 : memref<!tpu.dma_semaphore, #tpu.memory_space<semaphore_mem>>)
    %dma_wait3A_55 = arith.constant 32 : i32
    %dma_wait3A_56 = arith.constant 0 : i32
    %dma_wait3A_57 = tpu.memref_slice %arg6[%dma_wait3A_55, %dma_wait3A_56] : memref<64x768xf32, #tpu.memory_space<vmem>> -> memref<32x768xf32, #tpu.memory_space<vmem>>
    %dma_wait3A_58 = arith.constant 32 : i32
    %dma_wait3A_59 = tpu.memref_slice %arg5[%dma_wait3A_58] : memref<64xi32, #tpu.memory_space<vmem>> -> memref<32xi32, #tpu.memory_space<vmem>>
    %dma_wait3A_60 = arith.constant 0 : i32
    %dma_wait3A_61 = arith.constant 0 : i32
    %dma_wait3A_62 = tpu.memref_slice %arg3[%dma_wait3A_60, %dma_wait3A_61] : memref<50265x768xf32, #tpu.memory_space<hbm>> -> memref<50265x768xf32, #tpu.memory_space<hbm>>
    tpu.wait_indirect_dma semaphore(%arg8 : memref<!tpu.dma_semaphore, #tpu.memory_space<semaphore_mem>>) src(%dma_wait3A_62 : memref<50265x768xf32, #tpu.memory_space<hbm>>) dst(%dma_wait3A_57 : memref<32x768xf32, #tpu.memory_space<vmem>>)
    %mul3A_63 = arith.constant 16 : i32
    %mul3A_64 = arith.muli %add3A, %mul3A_63 : i32
    %dma_start3A_65 = arith.constant 2 : i32
    %dma_start3A_66 = arith.constant 32 : i32
    %dma_start3A_67 = arith.constant 0 : i32
    %dma_start3A_68 = tpu.memref_slice %arg6[%dma_start3A_66, %dma_start3A_67] : memref<64x768xf32, #tpu.memory_space<vmem>> -> memref<16x768xf32, #tpu.memory_space<vmem>>
    %dma_start3A_69 = arith.constant 0 : i32
    %dma_start3A_70 = tpu.memref_slice %arg4[%dma_start3A_65, %mul3A_64, %dma_start3A_69] : memref<4x512x768xf32, #tpu.memory_space<hbm>> -> memref<1x16x768xf32, #tpu.memory_space<hbm>>
    %dma_start3A_71 = tpu.memref_squeeze %dma_start3A_70 : memref<1x16x768xf32, #tpu.memory_space<hbm>> -> memref<16x768xf32, #tpu.memory_space<hbm>>
    %dma_start3A_72 = arith.constant 0 : i32
    %dma_start3A_73 = tpu.memref_slice %arg4[%dma_start3A_65, %mul3A_64, %dma_start3A_72] : memref<4x512x768xf32, #tpu.memory_space<hbm>> -> memref<1x16x768xf32, #tpu.memory_space<hbm>>
    %dma_start3A_74 = tpu.memref_squeeze %dma_start3A_73 : memref<1x16x768xf32, #tpu.memory_space<hbm>> -> memref<16x768xf32, #tpu.memory_space<hbm>>
    %dma_start3A_75 = arith.constant 32 : i32
    %dma_start3A_76 = arith.constant 0 : i32
    %dma_start3A_77 = tpu.memref_slice %arg6[%dma_start3A_75, %dma_start3A_76] : memref<64x768xf32, #tpu.memory_space<vmem>> -> memref<16x768xf32, #tpu.memory_space<vmem>>
    tpu.enqueue_dma source(%dma_start3A_77 : memref<16x768xf32, #tpu.memory_space<vmem>>) target(%dma_start3A_74 : memref<16x768xf32, #tpu.memory_space<hbm>>) target_semaphore(%arg9 : memref<!tpu.dma_semaphore, #tpu.memory_space<semaphore_mem>>)
    %mul3A_78 = arith.constant 16 : i32
    %mul3A_79 = arith.muli %add3A, %mul3A_78 : i32
    %dma_start3A_80 = arith.constant 3 : i32
    %dma_start3A_81 = arith.constant 48 : i32
    %dma_start3A_82 = arith.constant 0 : i32
    %dma_start3A_83 = tpu.memref_slice %arg6[%dma_start3A_81, %dma_start3A_82] : memref<64x768xf32, #tpu.memory_space<vmem>> -> memref<16x768xf32, #tpu.memory_space<vmem>>
    %dma_start3A_84 = arith.constant 0 : i32
    %dma_start3A_85 = tpu.memref_slice %arg4[%dma_start3A_80, %mul3A_79, %dma_start3A_84] : memref<4x512x768xf32, #tpu.memory_space<hbm>> -> memref<1x16x768xf32, #tpu.memory_space<hbm>>
    %dma_start3A_86 = tpu.memref_squeeze %dma_start3A_85 : memref<1x16x768xf32, #tpu.memory_space<hbm>> -> memref<16x768xf32, #tpu.memory_space<hbm>>
    %dma_start3A_87 = arith.constant 0 : i32
    %dma_start3A_88 = tpu.memref_slice %arg4[%dma_start3A_80, %mul3A_79, %dma_start3A_87] : memref<4x512x768xf32, #tpu.memory_space<hbm>> -> memref<1x16x768xf32, #tpu.memory_space<hbm>>
    %dma_start3A_89 = tpu.memref_squeeze %dma_start3A_88 : memref<1x16x768xf32, #tpu.memory_space<hbm>> -> memref<16x768xf32, #tpu.memory_space<hbm>>
    %dma_start3A_90 = arith.constant 48 : i32
    %dma_start3A_91 = arith.constant 0 : i32
    %dma_start3A_92 = tpu.memref_slice %arg6[%dma_start3A_90, %dma_start3A_91] : memref<64x768xf32, #tpu.memory_space<vmem>> -> memref<16x768xf32, #tpu.memory_space<vmem>>
    tpu.enqueue_dma source(%dma_start3A_92 : memref<16x768xf32, #tpu.memory_space<vmem>>) target(%dma_start3A_89 : memref<16x768xf32, #tpu.memory_space<hbm>>) target_semaphore(%arg9 : memref<!tpu.dma_semaphore, #tpu.memory_space<semaphore_mem>>)
    %mul3A_93 = arith.constant 16 : i32
    %mul3A_94 = arith.muli %add3A, %mul3A_93 : i32
    %dma_wait3A_95 = arith.constant 0 : i32
    %dma_wait3A_96 = arith.constant 0 : i32
    %dma_wait3A_97 = arith.constant 0 : i32
    %dma_wait3A_98 = tpu.memref_slice %arg6[%dma_wait3A_96, %dma_wait3A_97] : memref<64x768xf32, #tpu.memory_space<vmem>> -> memref<16x768xf32, #tpu.memory_space<vmem>>
    %dma_wait3A_99 = arith.constant 0 : i32
    %dma_wait3A_100 = tpu.memref_slice %arg4[%dma_wait3A_95, %mul3A_94, %dma_wait3A_99] : memref<4x512x768xf32, #tpu.memory_space<hbm>> -> memref<1x16x768xf32, #tpu.memory_space<hbm>>
    %dma_wait3A_101 = tpu.memref_squeeze %dma_wait3A_100 : memref<1x16x768xf32, #tpu.memory_space<hbm>> -> memref<16x768xf32, #tpu.memory_space<hbm>>
    %dma_wait3A_102 = arith.constant 0 : i32
    %dma_wait3A_103 = tpu.memref_slice %arg4[%dma_wait3A_95, %mul3A_94, %dma_wait3A_102] : memref<4x512x768xf32, #tpu.memory_space<hbm>> -> memref<1x16x768xf32, #tpu.memory_space<hbm>>
    %dma_wait3A_104 = tpu.memref_squeeze %dma_wait3A_103 : memref<1x16x768xf32, #tpu.memory_space<hbm>> -> memref<16x768xf32, #tpu.memory_space<hbm>>
    %dma_wait3A_105 = arith.constant 0 : i32
    %dma_wait3A_106 = arith.constant 0 : i32
    %dma_wait3A_107 = tpu.memref_slice %arg6[%dma_wait3A_105, %dma_wait3A_106] : memref<64x768xf32, #tpu.memory_space<vmem>> -> memref<16x768xf32, #tpu.memory_space<vmem>>
    tpu.wait_dma2 semaphore(%arg9 : memref<!tpu.dma_semaphore, #tpu.memory_space<semaphore_mem>>) src(%dma_wait3A_107 : memref<16x768xf32, #tpu.memory_space<vmem>>) dst(%dma_wait3A_104 : memref<16x768xf32, #tpu.memory_space<hbm>>)
    %mul3A_108 = arith.constant 16 : i32
    %mul3A_109 = arith.muli %add3A, %mul3A_108 : i32
    %dma_wait3A_110 = arith.constant 1 : i32
    %dma_wait3A_111 = arith.constant 16 : i32
    %dma_wait3A_112 = arith.constant 0 : i32
    %dma_wait3A_113 = tpu.memref_slice %arg6[%dma_wait3A_111, %dma_wait3A_112] : memref<64x768xf32, #tpu.memory_space<vmem>> -> memref<16x768xf32, #tpu.memory_space<vmem>>
    %dma_wait3A_114 = arith.constant 0 : i32
    %dma_wait3A_115 = tpu.memref_slice %arg4[%dma_wait3A_110, %mul3A_109, %dma_wait3A_114] : memref<4x512x768xf32, #tpu.memory_space<hbm>> -> memref<1x16x768xf32, #tpu.memory_space<hbm>>
    %dma_wait3A_116 = tpu.memref_squeeze %dma_wait3A_115 : memref<1x16x768xf32, #tpu.memory_space<hbm>> -> memref<16x768xf32, #tpu.memory_space<hbm>>
    %dma_wait3A_117 = arith.constant 0 : i32
    %dma_wait3A_118 = tpu.memref_slice %arg4[%dma_wait3A_110, %mul3A_109, %dma_wait3A_117] : memref<4x512x768xf32, #tpu.memory_space<hbm>> -> memref<1x16x768xf32, #tpu.memory_space<hbm>>
    %dma_wait3A_119 = tpu.memref_squeeze %dma_wait3A_118 : memref<1x16x768xf32, #tpu.memory_space<hbm>> -> memref<16x768xf32, #tpu.memory_space<hbm>>
    %dma_wait3A_120 = arith.constant 16 : i32
    %dma_wait3A_121 = arith.constant 0 : i32
    %dma_wait3A_122 = tpu.memref_slice %arg6[%dma_wait3A_120, %dma_wait3A_121] : memref<64x768xf32, #tpu.memory_space<vmem>> -> memref<16x768xf32, #tpu.memory_space<vmem>>
    tpu.wait_dma2 semaphore(%arg9 : memref<!tpu.dma_semaphore, #tpu.memory_space<semaphore_mem>>) src(%dma_wait3A_122 : memref<16x768xf32, #tpu.memory_space<vmem>>) dst(%dma_wait3A_119 : memref<16x768xf32, #tpu.memory_space<hbm>>)
    %mul3A_123 = arith.constant 16 : i32
    %mul3A_124 = arith.muli %add3A, %mul3A_123 : i32
    %dma_wait3A_125 = arith.constant 2 : i32
    %dma_wait3A_126 = arith.constant 32 : i32
    %dma_wait3A_127 = arith.constant 0 : i32
    %dma_wait3A_128 = tpu.memref_slice %arg6[%dma_wait3A_126, %dma_wait3A_127] : memref<64x768xf32, #tpu.memory_space<vmem>> -> memref<16x768xf32, #tpu.memory_space<vmem>>
    %dma_wait3A_129 = arith.constant 0 : i32
    %dma_wait3A_130 = tpu.memref_slice %arg4[%dma_wait3A_125, %mul3A_124, %dma_wait3A_129] : memref<4x512x768xf32, #tpu.memory_space<hbm>> -> memref<1x16x768xf32, #tpu.memory_space<hbm>>
    %dma_wait3A_131 = tpu.memref_squeeze %dma_wait3A_130 : memref<1x16x768xf32, #tpu.memory_space<hbm>> -> memref<16x768xf32, #tpu.memory_space<hbm>>
    %dma_wait3A_132 = arith.constant 0 : i32
    %dma_wait3A_133 = tpu.memref_slice %arg4[%dma_wait3A_125, %mul3A_124, %dma_wait3A_132] : memref<4x512x768xf32, #tpu.memory_space<hbm>> -> memref<1x16x768xf32, #tpu.memory_space<hbm>>
    %dma_wait3A_134 = tpu.memref_squeeze %dma_wait3A_133 : memref<1x16x768xf32, #tpu.memory_space<hbm>> -> memref<16x768xf32, #tpu.memory_space<hbm>>
    %dma_wait3A_135 = arith.constant 32 : i32
    %dma_wait3A_136 = arith.constant 0 : i32
    %dma_wait3A_137 = tpu.memref_slice %arg6[%dma_wait3A_135, %dma_wait3A_136] : memref<64x768xf32, #tpu.memory_space<vmem>> -> memref<16x768xf32, #tpu.memory_space<vmem>>
    tpu.wait_dma2 semaphore(%arg9 : memref<!tpu.dma_semaphore, #tpu.memory_space<semaphore_mem>>) src(%dma_wait3A_137 : memref<16x768xf32, #tpu.memory_space<vmem>>) dst(%dma_wait3A_134 : memref<16x768xf32, #tpu.memory_space<hbm>>)
    %mul3A_138 = arith.constant 16 : i32
    %mul3A_139 = arith.muli %add3A, %mul3A_138 : i32
    %dma_wait3A_140 = arith.constant 3 : i32
    %dma_wait3A_141 = arith.constant 48 : i32
    %dma_wait3A_142 = arith.constant 0 : i32
    %dma_wait3A_143 = tpu.memref_slice %arg6[%dma_wait3A_141, %dma_wait3A_142] : memref<64x768xf32, #tpu.memory_space<vmem>> -> memref<16x768xf32, #tpu.memory_space<vmem>>
    %dma_wait3A_144 = arith.constant 0 : i32
    %dma_wait3A_145 = tpu.memref_slice %arg4[%dma_wait3A_140, %mul3A_139, %dma_wait3A_144] : memref<4x512x768xf32, #tpu.memory_space<hbm>> -> memref<1x16x768xf32, #tpu.memory_space<hbm>>
    %dma_wait3A_146 = tpu.memref_squeeze %dma_wait3A_145 : memref<1x16x768xf32, #tpu.memory_space<hbm>> -> memref<16x768xf32, #tpu.memory_space<hbm>>
    %dma_wait3A_147 = arith.constant 0 : i32
    %dma_wait3A_148 = tpu.memref_slice %arg4[%dma_wait3A_140, %mul3A_139, %dma_wait3A_147] : memref<4x512x768xf32, #tpu.memory_space<hbm>> -> memref<1x16x768xf32, #tpu.memory_space<hbm>>
    %dma_wait3A_149 = tpu.memref_squeeze %dma_wait3A_148 : memref<1x16x768xf32, #tpu.memory_space<hbm>> -> memref<16x768xf32, #tpu.memory_space<hbm>>
    %dma_wait3A_150 = arith.constant 48 : i32
    %dma_wait3A_151 = arith.constant 0 : i32
    %dma_wait3A_152 = tpu.memref_slice %arg6[%dma_wait3A_150, %dma_wait3A_151] : memref<64x768xf32, #tpu.memory_space<vmem>> -> memref<16x768xf32, #tpu.memory_space<vmem>>
    tpu.wait_dma2 semaphore(%arg9 : memref<!tpu.dma_semaphore, #tpu.memory_space<semaphore_mem>>) src(%dma_wait3A_152 : memref<16x768xf32, #tpu.memory_space<vmem>>) dst(%dma_wait3A_149 : memref<16x768xf32, #tpu.memory_space<hbm>>)
    return
  }
}

#map = affine_map<(d0, d1) -> (0)>
#map1 = affine_map<(d0, d1) -> (0, 0)>
#map2 = affine_map<(d0, d1) -> (0, 0, 0)>
module attributes {stable_mosaic.version = 14 : i64} {
  func.func @_gather_kernel(%arg0: i32, %arg1: i32, %arg2: memref<2048xi32, #tpu.memory_space<hbm>>, %arg3: memref<50265x768xf32, #tpu.memory_space<hbm>>, %arg4: memref<4x512x768xf32, #tpu.memory_space<hbm>>, %arg5: memref<64xi32, #tpu.memory_space<vmem>>, %arg6: memref<64x768xf32, #tpu.memory_space<vmem>>, %arg7: memref<!tpu.dma_semaphore, #tpu.memory_space<semaphore_mem>>, %arg8: memref<!tpu.dma_semaphore, #tpu.memory_space<semaphore_mem>>, %arg9: memref<!tpu.dma_semaphore, #tpu.memory_space<semaphore_mem>>) attributes {dimension_semantics = [#tpu.dimension_semantics<core_parallel>, #tpu.dimension_semantics<subcore_parallel>], iteration_bounds = array<i64: 2, 16>, scalar_prefetch = 0 : i64, scratch_operands = 5 : i64, tpu.core_type = #tpu.core_type<sc_vector_subcore>, window_params = [{transform_indices = #map}, {transform_indices = #map1}, {transform_indices = #map2}]} {
    %mul3A = arith.constant 2 : i32
    %mul3A_0 = arith.muli %arg1, %mul3A : i32
    %add3A = arith.addi %mul3A_0, %arg0 : i32
    %mul3A_1 = arith.constant 64 : i32
    %mul3A_2 = arith.muli %add3A, %mul3A_1 : i32
    "tpu.region"() ({
      %run_scoped3A = tpu.sem_alloc : memref<!tpu.dma_semaphore, #tpu.memory_space<semaphore_mem>>
      %dma_start3A_153 = tpu.memref_slice %arg2[%mul3A_2] : memref<2048xi32, #tpu.memory_space<hbm>> -> memref<64xi32, #tpu.memory_space<hbm>>
      %dma_start3A_154 = tpu.memref_slice %arg2[%mul3A_2] : memref<2048xi32, #tpu.memory_space<hbm>> -> memref<64xi32, #tpu.memory_space<hbm>>
      tpu.enqueue_dma source(%dma_start3A_154 : memref<64xi32, #tpu.memory_space<hbm>>) target(%arg5 : memref<64xi32, #tpu.memory_space<vmem>>) target_semaphore(%run_scoped3A : memref<!tpu.dma_semaphore, #tpu.memory_space<semaphore_mem>>)
      %dma_wait3A_155 = tpu.memref_slice %arg2[%mul3A_2] : memref<2048xi32, #tpu.memory_space<hbm>> -> memref<64xi32, #tpu.memory_space<hbm>>
      %dma_wait3A_156 = tpu.memref_slice %arg2[%mul3A_2] : memref<2048xi32, #tpu.memory_space<hbm>> -> memref<64xi32, #tpu.memory_space<hbm>>
      tpu.wait_dma2 semaphore(%run_scoped3A : memref<!tpu.dma_semaphore, #tpu.memory_space<semaphore_mem>>) src(%dma_wait3A_156 : memref<64xi32, #tpu.memory_space<hbm>>) dst(%arg5 : memref<64xi32, #tpu.memory_space<vmem>>)
      tpu.yield
    }) : () -> ()
    %dma_start3A = arith.constant 0 : i32
    %dma_start3A_3 = arith.constant 0 : i32
    %dma_start3A_4 = tpu.memref_slice %arg6[%dma_start3A, %dma_start3A_3] : memref<64x768xf32, #tpu.memory_space<vmem>> -> memref<32x768xf32, #tpu.memory_space<vmem>>
    %dma_start3A_5 = arith.constant 0 : i32
    %dma_start3A_6 = tpu.memref_slice %arg5[%dma_start3A_5] : memref<64xi32, #tpu.memory_space<vmem>> -> memref<32xi32, #tpu.memory_space<vmem>>
    %dma_start3A_7 = arith.constant 0 : i32
    %dma_start3A_8 = arith.constant 0 : i32
    %dma_start3A_9 = tpu.memref_slice %arg3[%dma_start3A_7, %dma_start3A_8] : memref<50265x768xf32, #tpu.memory_space<hbm>> -> memref<50265x768xf32, #tpu.memory_space<hbm>>
    tpu.enqueue_indirect_dma source(%dma_start3A_9 : memref<50265x768xf32, #tpu.memory_space<hbm>>) target(%dma_start3A_4 : memref<32x768xf32, #tpu.memory_space<vmem>>) offsets(%dma_start3A_6 : memref<32xi32, #tpu.memory_space<vmem>>) semaphore(%arg7 : memref<!tpu.dma_semaphore, #tpu.memory_space<semaphore_mem>>)
    %dma_start3A_10 = arith.constant 32 : i32
    %dma_start3A_11 = arith.constant 0 : i32
    %dma_start3A_12 = tpu.memref_slice %arg6[%dma_start3A_10, %dma_start3A_11] : memref<64x768xf32, #tpu.memory_space<vmem>> -> memref<32x768xf32, #tpu.memory_space<vmem>>
    %dma_start3A_13 = arith.constant 32 : i32
    %dma_start3A_14 = tpu.memref_slice %arg5[%dma_start3A_13] : memref<64xi32, #tpu.memory_space<vmem>> -> memref<32xi32, #tpu.memory_space<vmem>>
    %dma_start3A_15 = arith.constant 0 : i32
    %dma_start3A_16 = arith.constant 0 : i32
    %dma_start3A_17 = tpu.memref_slice %arg3[%dma_start3A_15, %dma_start3A_16] : memref<50265x768xf32, #tpu.memory_space<hbm>> -> memref<50265x768xf32, #tpu.memory_space<hbm>>
    tpu.enqueue_indirect_dma source(%dma_start3A_17 : memref<50265x768xf32, #tpu.memory_space<hbm>>) target(%dma_start3A_12 : memref<32x768xf32, #tpu.memory_space<vmem>>) offsets(%dma_start3A_14 : memref<32xi32, #tpu.memory_space<vmem>>) semaphore(%arg8 : memref<!tpu.dma_semaphore, #tpu.memory_space<semaphore_mem>>)
    %dma_wait3A = arith.constant 0 : i32
    %dma_wait3A_18 = arith.constant 0 : i32
    %dma_wait3A_19 = tpu.memref_slice %arg6[%dma_wait3A, %dma_wait3A_18] : memref<64x768xf32, #tpu.memory_space<vmem>> -> memref<32x768xf32, #tpu.memory_space<vmem>>
    %dma_wait3A_20 = arith.constant 0 : i32
    %dma_wait3A_21 = tpu.memref_slice %arg5[%dma_wait3A_20] : memref<64xi32, #tpu.memory_space<vmem>> -> memref<32xi32, #tpu.memory_space<vmem>>
    %dma_wait3A_22 = arith.constant 0 : i32
    %dma_wait3A_23 = arith.constant 0 : i32
    %dma_wait3A_24 = tpu.memref_slice %arg3[%dma_wait3A_22, %dma_wait3A_23] : memref<50265x768xf32, #tpu.memory_space<hbm>> -> memref<50265x768xf32, #tpu.memory_space<hbm>>
    tpu.wait_indirect_dma semaphore(%arg7 : memref<!tpu.dma_semaphore, #tpu.memory_space<semaphore_mem>>) src(%dma_wait3A_24 : memref<50265x768xf32, #tpu.memory_space<hbm>>) dst(%dma_wait3A_19 : memref<32x768xf32, #tpu.memory_space<vmem>>)
    %mul3A_25 = arith.constant 16 : i32
    %mul3A_26 = arith.muli %add3A, %mul3A_25 : i32
    %dma_start3A_27 = arith.constant 0 : i32
    %dma_start3A_28 = arith.constant 0 : i32
    %dma_start3A_29 = arith.constant 0 : i32
    %dma_start3A_30 = tpu.memref_slice %arg6[%dma_start3A_28, %dma_start3A_29] : memref<64x768xf32, #tpu.memory_space<vmem>> -> memref<16x768xf32, #tpu.memory_space<vmem>>
    %dma_start3A_31 = arith.constant 0 : i32
    %dma_start3A_32 = tpu.memref_slice %arg4[%dma_start3A_27, %mul3A_26, %dma_start3A_31] : memref<4x512x768xf32, #tpu.memory_space<hbm>> -> memref<1x16x768xf32, #tpu.memory_space<hbm>>
    %dma_start3A_33 = tpu.memref_squeeze %dma_start3A_32 : memref<1x16x768xf32, #tpu.memory_space<hbm>> -> memref<16x768xf32, #tpu.memory_space<hbm>>
    %dma_start3A_34 = arith.constant 0 : i32
    %dma_start3A_35 = tpu.memref_slice %arg4[%dma_start3A_27, %mul3A_26, %dma_start3A_34] : memref<4x512x768xf32, #tpu.memory_space<hbm>> -> memref<1x16x768xf32, #tpu.memory_space<hbm>>
    %dma_start3A_36 = tpu.memref_squeeze %dma_start3A_35 : memref<1x16x768xf32, #tpu.memory_space<hbm>> -> memref<16x768xf32, #tpu.memory_space<hbm>>
    %dma_start3A_37 = arith.constant 0 : i32
    %dma_start3A_38 = arith.constant 0 : i32
    %dma_start3A_39 = tpu.memref_slice %arg6[%dma_start3A_37, %dma_start3A_38] : memref<64x768xf32, #tpu.memory_space<vmem>> -> memref<16x768xf32, #tpu.memory_space<vmem>>
    tpu.enqueue_dma source(%dma_start3A_39 : memref<16x768xf32, #tpu.memory_space<vmem>>) target(%dma_start3A_36 : memref<16x768xf32, #tpu.memory_space<hbm>>) target_semaphore(%arg9 : memref<!tpu.dma_semaphore, #tpu.memory_space<semaphore_mem>>)
    %mul3A_40 = arith.constant 16 : i32
    %mul3A_41 = arith.muli %add3A, %mul3A_40 : i32
    %dma_start3A_42 = arith.constant 1 : i32
    %dma_start3A_43 = arith.constant 16 : i32
    %dma_start3A_44 = arith.constant 0 : i32
    %dma_start3A_45 = tpu.memref_slice %arg6[%dma_start3A_43, %dma_start3A_44] : memref<64x768xf32, #tpu.memory_space<vmem>> -> memref<16x768xf32, #tpu.memory_space<vmem>>
    %dma_start3A_46 = arith.constant 0 : i32
    %dma_start3A_47 = tpu.memref_slice %arg4[%dma_start3A_42, %mul3A_41, %dma_start3A_46] : memref<4x512x768xf32, #tpu.memory_space<hbm>> -> memref<1x16x768xf32, #tpu.memory_space<hbm>>
    %dma_start3A_48 = tpu.memref_squeeze %dma_start3A_47 : memref<1x16x768xf32, #tpu.memory_space<hbm>> -> memref<16x768xf32, #tpu.memory_space<hbm>>
    %dma_start3A_49 = arith.constant 0 : i32
    %dma_start3A_50 = tpu.memref_slice %arg4[%dma_start3A_42, %mul3A_41, %dma_start3A_49] : memref<4x512x768xf32, #tpu.memory_space<hbm>> -> memref<1x16x768xf32, #tpu.memory_space<hbm>>
    %dma_start3A_51 = tpu.memref_squeeze %dma_start3A_50 : memref<1x16x768xf32, #tpu.memory_space<hbm>> -> memref<16x768xf32, #tpu.memory_space<hbm>>
    %dma_start3A_52 = arith.constant 16 : i32
    %dma_start3A_53 = arith.constant 0 : i32
    %dma_start3A_54 = tpu.memref_slice %arg6[%dma_start3A_52, %dma_start3A_53] : memref<64x768xf32, #tpu.memory_space<vmem>> -> memref<16x768xf32, #tpu.memory_space<vmem>>
    tpu.enqueue_dma source(%dma_start3A_54 : memref<16x768xf32, #tpu.memory_space<vmem>>) target(%dma_start3A_51 : memref<16x768xf32, #tpu.memory_space<hbm>>) target_semaphore(%arg9 : memref<!tpu.dma_semaphore, #tpu.memory_space<semaphore_mem>>)
    %dma_wait3A_55 = arith.constant 32 : i32
    %dma_wait3A_56 = arith.constant 0 : i32
    %dma_wait3A_57 = tpu.memref_slice %arg6[%dma_wait3A_55, %dma_wait3A_56] : memref<64x768xf32, #tpu.memory_space<vmem>> -> memref<32x768xf32, #tpu.memory_space<vmem>>
    %dma_wait3A_58 = arith.constant 32 : i32
    %dma_wait3A_59 = tpu.memref_slice %arg5[%dma_wait3A_58] : memref<64xi32, #tpu.memory_space<vmem>> -> memref<32xi32, #tpu.memory_space<vmem>>
    %dma_wait3A_60 = arith.constant 0 : i32
    %dma_wait3A_61 = arith.constant 0 : i32
    %dma_wait3A_62 = tpu.memref_slice %arg3[%dma_wait3A_60, %dma_wait3A_61] : memref<50265x768xf32, #tpu.memory_space<hbm>> -> memref<50265x768xf32, #tpu.memory_space<hbm>>
    tpu.wait_indirect_dma semaphore(%arg8 : memref<!tpu.dma_semaphore, #tpu.memory_space<semaphore_mem>>) src(%dma_wait3A_62 : memref<50265x768xf32, #tpu.memory_space<hbm>>) dst(%dma_wait3A_57 : memref<32x768xf32, #tpu.memory_space<vmem>>)
    %mul3A_63 = arith.constant 16 : i32
    %mul3A_64 = arith.muli %add3A, %mul3A_63 : i32
    %dma_start3A_65 = arith.constant 2 : i32
    %dma_start3A_66 = arith.constant 32 : i32
    %dma_start3A_67 = arith.constant 0 : i32
    %dma_start3A_68 = tpu.memref_slice %arg6[%dma_start3A_66, %dma_start3A_67] : memref<64x768xf32, #tpu.memory_space<vmem>> -> memref<16x768xf32, #tpu.memory_space<vmem>>
    %dma_start3A_69 = arith.constant 0 : i32
    %dma_start3A_70 = tpu.memref_slice %arg4[%dma_start3A_65, %mul3A_64, %dma_start3A_69] : memref<4x512x768xf32, #tpu.memory_space<hbm>> -> memref<1x16x768xf32, #tpu.memory_space<hbm>>
    %dma_start3A_71 = tpu.memref_squeeze %dma_start3A_70 : memref<1x16x768xf32, #tpu.memory_space<hbm>> -> memref<16x768xf32, #tpu.memory_space<hbm>>
    %dma_start3A_72 = arith.constant 0 : i32
    %dma_start3A_73 = tpu.memref_slice %arg4[%dma_start3A_65, %mul3A_64, %dma_start3A_72] : memref<4x512x768xf32, #tpu.memory_space<hbm>> -> memref<1x16x768xf32, #tpu.memory_space<hbm>>
    %dma_start3A_74 = tpu.memref_squeeze %dma_start3A_73 : memref<1x16x768xf32, #tpu.memory_space<hbm>> -> memref<16x768xf32, #tpu.memory_space<hbm>>
    %dma_start3A_75 = arith.constant 32 : i32
    %dma_start3A_76 = arith.constant 0 : i32
    %dma_start3A_77 = tpu.memref_slice %arg6[%dma_start3A_75, %dma_start3A_76] : memref<64x768xf32, #tpu.memory_space<vmem>> -> memref<16x768xf32, #tpu.memory_space<vmem>>
    tpu.enqueue_dma source(%dma_start3A_77 : memref<16x768xf32, #tpu.memory_space<vmem>>) target(%dma_start3A_74 : memref<16x768xf32, #tpu.memory_space<hbm>>) target_semaphore(%arg9 : memref<!tpu.dma_semaphore, #tpu.memory_space<semaphore_mem>>)
    %mul3A_78 = arith.constant 16 : i32
    %mul3A_79 = arith.muli %add3A, %mul3A_78 : i32
    %dma_start3A_80 = arith.constant 3 : i32
    %dma_start3A_81 = arith.constant 48 : i32
    %dma_start3A_82 = arith.constant 0 : i32
    %dma_start3A_83 = tpu.memref_slice %arg6[%dma_start3A_81, %dma_start3A_82] : memref<64x768xf32, #tpu.memory_space<vmem>> -> memref<16x768xf32, #tpu.memory_space<vmem>>
    %dma_start3A_84 = arith.constant 0 : i32
    %dma_start3A_85 = tpu.memref_slice %arg4[%dma_start3A_80, %mul3A_79, %dma_start3A_84] : memref<4x512x768xf32, #tpu.memory_space<hbm>> -> memref<1x16x768xf32, #tpu.memory_space<hbm>>
    %dma_start3A_86 = tpu.memref_squeeze %dma_start3A_85 : memref<1x16x768xf32, #tpu.memory_space<hbm>> -> memref<16x768xf32, #tpu.memory_space<hbm>>
    %dma_start3A_87 = arith.constant 0 : i32
    %dma_start3A_88 = tpu.memref_slice %arg4[%dma_start3A_80, %mul3A_79, %dma_start3A_87] : memref<4x512x768xf32, #tpu.memory_space<hbm>> -> memref<1x16x768xf32, #tpu.memory_space<hbm>>
    %dma_start3A_89 = tpu.memref_squeeze %dma_start3A_88 : memref<1x16x768xf32, #tpu.memory_space<hbm>> -> memref<16x768xf32, #tpu.memory_space<hbm>>
    %dma_start3A_90 = arith.constant 48 : i32
    %dma_start3A_91 = arith.constant 0 : i32
    %dma_start3A_92 = tpu.memref_slice %arg6[%dma_start3A_90, %dma_start3A_91] : memref<64x768xf32, #tpu.memory_space<vmem>> -> memref<16x768xf32, #tpu.memory_space<vmem>>
    tpu.enqueue_dma source(%dma_start3A_92 : memref<16x768xf32, #tpu.memory_space<vmem>>) target(%dma_start3A_89 : memref<16x768xf32, #tpu.memory_space<hbm>>) target_semaphore(%arg9 : memref<!tpu.dma_semaphore, #tpu.memory_space<semaphore_mem>>)
    %mul3A_93 = arith.constant 16 : i32
    %mul3A_94 = arith.muli %add3A, %mul3A_93 : i32
    %dma_wait3A_95 = arith.constant 0 : i32
    %dma_wait3A_96 = arith.constant 0 : i32
    %dma_wait3A_97 = arith.constant 0 : i32
    %dma_wait3A_98 = tpu.memref_slice %arg6[%dma_wait3A_96, %dma_wait3A_97] : memref<64x768xf32, #tpu.memory_space<vmem>> -> memref<16x768xf32, #tpu.memory_space<vmem>>
    %dma_wait3A_99 = arith.constant 0 : i32
    %dma_wait3A_100 = tpu.memref_slice %arg4[%dma_wait3A_95, %mul3A_94, %dma_wait3A_99] : memref<4x512x768xf32, #tpu.memory_space<hbm>> -> memref<1x16x768xf32, #tpu.memory_space<hbm>>
    %dma_wait3A_101 = tpu.memref_squeeze %dma_wait3A_100 : memref<1x16x768xf32, #tpu.memory_space<hbm>> -> memref<16x768xf32, #tpu.memory_space<hbm>>
    %dma_wait3A_102 = arith.constant 0 : i32
    %dma_wait3A_103 = tpu.memref_slice %arg4[%dma_wait3A_95, %mul3A_94, %dma_wait3A_102] : memref<4x512x768xf32, #tpu.memory_space<hbm>> -> memref<1x16x768xf32, #tpu.memory_space<hbm>>
    %dma_wait3A_104 = tpu.memref_squeeze %dma_wait3A_103 : memref<1x16x768xf32, #tpu.memory_space<hbm>> -> memref<16x768xf32, #tpu.memory_space<hbm>>
    %dma_wait3A_105 = arith.constant 0 : i32
    %dma_wait3A_106 = arith.constant 0 : i32
    %dma_wait3A_107 = tpu.memref_slice %arg6[%dma_wait3A_105, %dma_wait3A_106] : memref<64x768xf32, #tpu.memory_space<vmem>> -> memref<16x768xf32, #tpu.memory_space<vmem>>
    tpu.wait_dma2 semaphore(%arg9 : memref<!tpu.dma_semaphore, #tpu.memory_space<semaphore_mem>>) src(%dma_wait3A_107 : memref<16x768xf32, #tpu.memory_space<vmem>>) dst(%dma_wait3A_104 : memref<16x768xf32, #tpu.memory_space<hbm>>)
    %mul3A_108 = arith.constant 16 : i32
    %mul3A_109 = arith.muli %add3A, %mul3A_108 : i32
    %dma_wait3A_110 = arith.constant 1 : i32
    %dma_wait3A_111 = arith.constant 16 : i32
    %dma_wait3A_112 = arith.constant 0 : i32
    %dma_wait3A_113 = tpu.memref_slice %arg6[%dma_wait3A_111, %dma_wait3A_112] : memref<64x768xf32, #tpu.memory_space<vmem>> -> memref<16x768xf32, #tpu.memory_space<vmem>>
    %dma_wait3A_114 = arith.constant 0 : i32
    %dma_wait3A_115 = tpu.memref_slice %arg4[%dma_wait3A_110, %mul3A_109, %dma_wait3A_114] : memref<4x512x768xf32, #tpu.memory_space<hbm>> -> memref<1x16x768xf32, #tpu.memory_space<hbm>>
    %dma_wait3A_116 = tpu.memref_squeeze %dma_wait3A_115 : memref<1x16x768xf32, #tpu.memory_space<hbm>> -> memref<16x768xf32, #tpu.memory_space<hbm>>
    %dma_wait3A_117 = arith.constant 0 : i32
    %dma_wait3A_118 = tpu.memref_slice %arg4[%dma_wait3A_110, %mul3A_109, %dma_wait3A_117] : memref<4x512x768xf32, #tpu.memory_space<hbm>> -> memref<1x16x768xf32, #tpu.memory_space<hbm>>
    %dma_wait3A_119 = tpu.memref_squeeze %dma_wait3A_118 : memref<1x16x768xf32, #tpu.memory_space<hbm>> -> memref<16x768xf32, #tpu.memory_space<hbm>>
    %dma_wait3A_120 = arith.constant 16 : i32
    %dma_wait3A_121 = arith.constant 0 : i32
    %dma_wait3A_122 = tpu.memref_slice %arg6[%dma_wait3A_120, %dma_wait3A_121] : memref<64x768xf32, #tpu.memory_space<vmem>> -> memref<16x768xf32, #tpu.memory_space<vmem>>
    tpu.wait_dma2 semaphore(%arg9 : memref<!tpu.dma_semaphore, #tpu.memory_space<semaphore_mem>>) src(%dma_wait3A_122 : memref<16x768xf32, #tpu.memory_space<vmem>>) dst(%dma_wait3A_119 : memref<16x768xf32, #tpu.memory_space<hbm>>)
    %mul3A_123 = arith.constant 16 : i32
    %mul3A_124 = arith.muli %add3A, %mul3A_123 : i32
    %dma_wait3A_125 = arith.constant 2 : i32
    %dma_wait3A_126 = arith.constant 32 : i32
    %dma_wait3A_127 = arith.constant 0 : i32
    %dma_wait3A_128 = tpu.memref_slice %arg6[%dma_wait3A_126, %dma_wait3A_127] : memref<64x768xf32, #tpu.memory_space<vmem>> -> memref<16x768xf32, #tpu.memory_space<vmem>>
    %dma_wait3A_129 = arith.constant 0 : i32
    %dma_wait3A_130 = tpu.memref_slice %arg4[%dma_wait3A_125, %mul3A_124, %dma_wait3A_129] : memref<4x512x768xf32, #tpu.memory_space<hbm>> -> memref<1x16x768xf32, #tpu.memory_space<hbm>>
    %dma_wait3A_131 = tpu.memref_squeeze %dma_wait3A_130 : memref<1x16x768xf32, #tpu.memory_space<hbm>> -> memref<16x768xf32, #tpu.memory_space<hbm>>
    %dma_wait3A_132 = arith.constant 0 : i32
    %dma_wait3A_133 = tpu.memref_slice %arg4[%dma_wait3A_125, %mul3A_124, %dma_wait3A_132] : memref<4x512x768xf32, #tpu.memory_space<hbm>> -> memref<1x16x768xf32, #tpu.memory_space<hbm>>
    %dma_wait3A_134 = tpu.memref_squeeze %dma_wait3A_133 : memref<1x16x768xf32, #tpu.memory_space<hbm>> -> memref<16x768xf32, #tpu.memory_space<hbm>>
    %dma_wait3A_135 = arith.constant 32 : i32
    %dma_wait3A_136 = arith.constant 0 : i32
    %dma_wait3A_137 = tpu.memref_slice %arg6[%dma_wait3A_135, %dma_wait3A_136] : memref<64x768xf32, #tpu.memory_space<vmem>> -> memref<16x768xf32, #tpu.memory_space<vmem>>
    tpu.wait_dma2 semaphore(%arg9 : memref<!tpu.dma_semaphore, #tpu.memory_space<semaphore_mem>>) src(%dma_wait3A_137 : memref<16x768xf32, #tpu.memory_space<vmem>>) dst(%dma_wait3A_134 : memref<16x768xf32, #tpu.memory_space<hbm>>)
    %mul3A_138 = arith.constant 16 : i32
    %mul3A_139 = arith.muli %add3A, %mul3A_138 : i32
    %dma_wait3A_140 = arith.constant 3 : i32
    %dma_wait3A_141 = arith.constant 48 : i32
    %dma_wait3A_142 = arith.constant 0 : i32
    %dma_wait3A_143 = tpu.memref_slice %arg6[%dma_wait3A_141, %dma_wait3A_142] : memref<64x768xf32, #tpu.memory_space<vmem>> -> memref<16x768xf32, #tpu.memory_space<vmem>>
    %dma_wait3A_144 = arith.constant 0 : i32
    %dma_wait3A_145 = tpu.memref_slice %arg4[%dma_wait3A_140, %mul3A_139, %dma_wait3A_144] : memref<4x512x768xf32, #tpu.memory_space<hbm>> -> memref<1x16x768xf32, #tpu.memory_space<hbm>>
    %dma_wait3A_146 = tpu.memref_squeeze %dma_wait3A_145 : memref<1x16x768xf32, #tpu.memory_space<hbm>> -> memref<16x768xf32, #tpu.memory_space<hbm>>
    %dma_wait3A_147 = arith.constant 0 : i32
    %dma_wait3A_148 = tpu.memref_slice %arg4[%dma_wait3A_140, %mul3A_139, %dma_wait3A_147] : memref<4x512x768xf32, #tpu.memory_space<hbm>> -> memref<1x16x768xf32, #tpu.memory_space<hbm>>
    %dma_wait3A_149 = tpu.memref_squeeze %dma_wait3A_148 : memref<1x16x768xf32, #tpu.memory_space<hbm>> -> memref<16x768xf32, #tpu.memory_space<hbm>>
    %dma_wait3A_150 = arith.constant 48 : i32
    %dma_wait3A_151 = arith.constant 0 : i32
    %dma_wait3A_152 = tpu.memref_slice %arg6[%dma_wait3A_150, %dma_wait3A_151] : memref<64x768xf32, #tpu.memory_space<vmem>> -> memref<16x768xf32, #tpu.memory_space<vmem>>
    tpu.wait_dma2 semaphore(%arg9 : memref<!tpu.dma_semaphore, #tpu.memory_space<semaphore_mem>>) src(%dma_wait3A_152 : memref<16x768xf32, #tpu.memory_space<vmem>>) dst(%dma_wait3A_149 : memref<16x768xf32, #tpu.memory_space<hbm>>)
    return
  }
}

module attributes {stable_mosaic.version = 14 : i64} {
  func.func @_ln_body(%arg0: i32, %arg1: memref<2x512x768xf32, #tpu.memory_space<vmem>>, %arg2: memref<512x768xf32, #tpu.memory_space<vmem>>, %arg3: memref<1x768xf32, #tpu.memory_space<vmem>>, %arg4: memref<768xf32, #tpu.memory_space<vmem>>, %arg5: memref<768xf32, #tpu.memory_space<vmem>>, %arg6: memref<2x512x768xf32, #tpu.memory_space<vmem>>) attributes {dimension_semantics = [#tpu.dimension_semantics<arbitrary>], iteration_bounds = array<i64: 2>, scalar_prefetch = 0 : i64, scratch_operands = 0 : i64, tpu.core_type = #tpu.core_type<tc>, window_params = [{transform_indices = @transform_0, window_bounds = array<i64: 2, 512, 768>}, {transform_indices = @transform_1, window_bounds = array<i64: 512, 768>}, {pipeline_mode = #tpu.pipeline_mode<synchronous>, transform_indices = @transform_2, window_bounds = array<i64: 1, 768>}, {pipeline_mode = #tpu.pipeline_mode<synchronous>, transform_indices = @transform_3, window_bounds = array<i64: 768>}, {pipeline_mode = #tpu.pipeline_mode<synchronous>, transform_indices = @transform_4, window_bounds = array<i64: 768>}, {transform_indices = @transform_5, window_bounds = array<i64: 2, 512, 768>}]} {
    %get3A = arith.constant 0 : index
    %get3A_0 = arith.constant 0 : index
    %get3A_1 = arith.constant 0 : index
    %get3A_2 = vector.load %arg1[%get3A, %get3A_0, %get3A_1] : memref<2x512x768xf32, #tpu.memory_space<vmem>>, vector<2x512x768xf32>
    %get3A_3 = arith.constant 0 : index
    %get3A_4 = arith.constant 0 : index
    %get3A_5 = vector.load %arg2[%get3A_3, %get3A_4] : memref<512x768xf32, #tpu.memory_space<vmem>>, vector<512x768xf32>
    %broadcast_in_dim3A = vector.shape_cast %get3A_5 : vector<512x768xf32> to vector<1x512x768xf32>
    %add3A = vector.broadcast %broadcast_in_dim3A : vector<1x512x768xf32> to vector<2x512x768xf32>
    %add3A_6 = arith.addf %get3A_2, %add3A : vector<2x512x768xf32>
    %get3A_7 = arith.constant 0 : index
    %get3A_8 = arith.constant 0 : index
    %get3A_9 = vector.load %arg3[%get3A_7, %get3A_8] : memref<1x768xf32, #tpu.memory_space<vmem>>, vector<1x768xf32>
    %get3A_10 = vector.shape_cast %get3A_9 : vector<1x768xf32> to vector<768xf32>
    %broadcast_in_dim3A_11 = vector.shape_cast %get3A_10 : vector<768xf32> to vector<1x1x768xf32>
    %add3A_12 = vector.broadcast %broadcast_in_dim3A_11 : vector<1x1x768xf32> to vector<2x512x768xf32>
    %add3A_13 = arith.addf %add3A_6, %add3A_12 : vector<2x512x768xf32>
    %reduce_sum3A = arith.constant dense<0.000000e+00> : vector<2x512xf32>
    %reduce_sum3A_14 = vector.multi_reduction <add>, %add3A_13, %reduce_sum3A [2] : vector<2x512x768xf32> to vector<2x512xf32>
    %broadcast_in_dim3A_15 = vector.shape_cast %reduce_sum3A_14 : vector<2x512xf32> to vector<2x512x1xf32>
    %div3A = arith.constant 7.680000e+02 : f32
    %div3A_16 = vector.broadcast %div3A : f32 to vector<2x512x1xf32>
    %div3A_17 = arith.divf %broadcast_in_dim3A_15, %div3A_16 : vector<2x512x1xf32>
    %sub3A = vector.broadcast %div3A_17 : vector<2x512x1xf32> to vector<2x512x768xf32>
    %sub3A_18 = arith.subf %add3A_13, %sub3A : vector<2x512x768xf32>
    %mul3A = arith.mulf %sub3A_18, %sub3A_18 : vector<2x512x768xf32>
    %reduce_sum3A_19 = arith.constant dense<0.000000e+00> : vector<2x512xf32>
    %reduce_sum3A_20 = vector.multi_reduction <add>, %mul3A, %reduce_sum3A_19 [2] : vector<2x512x768xf32> to vector<2x512xf32>
    %broadcast_in_dim3A_21 = vector.shape_cast %reduce_sum3A_20 : vector<2x512xf32> to vector<2x512x1xf32>
    %div3A_22 = arith.constant 7.680000e+02 : f32
    %div3A_23 = vector.broadcast %div3A_22 : f32 to vector<2x512x1xf32>
    %div3A_24 = arith.divf %broadcast_in_dim3A_21, %div3A_23 : vector<2x512x1xf32>
    %add3A_25 = arith.constant 9.99999974E-6 : f32
    %add3A_26 = vector.broadcast %add3A_25 : f32 to vector<2x512x1xf32>
    %add3A_27 = arith.addf %div3A_24, %add3A_26 : vector<2x512x1xf32>
    %rsqrt3A = math.rsqrt %add3A_27 : vector<2x512x1xf32>
    %mul3A_28 = vector.broadcast %rsqrt3A : vector<2x512x1xf32> to vector<2x512x768xf32>
    %mul3A_29 = arith.mulf %sub3A_18, %mul3A_28 : vector<2x512x768xf32>
    %get3A_30 = arith.constant 0 : index
    %get3A_31 = vector.load %arg4[%get3A_30] : memref<768xf32, #tpu.memory_space<vmem>>, vector<768xf32>
    %broadcast_in_dim3A_32 = vector.shape_cast %get3A_31 : vector<768xf32> to vector<1x1x768xf32>
    %mul3A_33 = vector.broadcast %broadcast_in_dim3A_32 : vector<1x1x768xf32> to vector<2x512x768xf32>
    %mul3A_34 = arith.mulf %mul3A_29, %mul3A_33 : vector<2x512x768xf32>
    %get3A_35 = arith.constant 0 : index
    %get3A_36 = vector.load %arg5[%get3A_35] : memref<768xf32, #tpu.memory_space<vmem>>, vector<768xf32>
    %broadcast_in_dim3A_37 = vector.shape_cast %get3A_36 : vector<768xf32> to vector<1x1x768xf32>
    %add3A_38 = vector.broadcast %broadcast_in_dim3A_37 : vector<1x1x768xf32> to vector<2x512x768xf32>
    %add3A_39 = arith.addf %mul3A_34, %add3A_38 : vector<2x512x768xf32>
    %swap3A = arith.constant 0 : index
    %swap3A_40 = arith.constant 0 : index
    %swap3A_41 = arith.constant 0 : index
    %swap3A_42 = vector.load %arg6[%swap3A, %swap3A_40, %swap3A_41] : memref<2x512x768xf32, #tpu.memory_space<vmem>>, vector<2x512x768xf32>
    tpu.vector_store %arg6[%swap3A, %swap3A_40, %swap3A_41], %add3A_39 {strides = array<i32>} : memref<2x512x768xf32, #tpu.memory_space<vmem>>, vector<2x512x768xf32>,
    return
  }
  func.func @transform_0(%arg0: i32) -> (i32, i32, i32) {
    %jit3A = arith.constant 1 : i32
    %div3A = arith.divsi %arg0, %jit3A : i32
    %sign3A = arith.constant 0 : i32
    %sign3A_0 = arith.cmpi sgt, %arg0, %sign3A : i32
    %sign3A_1 = arith.extui %sign3A_0 : i1 to i32
    %sign3A_2 = arith.constant 0 : i32
    %sign3A_3 = arith.cmpi slt, %arg0, %sign3A_2 : i32
    %sign3A_4 = arith.extui %sign3A_3 : i1 to i32
    %sign3A_5 = arith.subi %sign3A_1, %sign3A_4 : i32
    %sign3A_6 = arith.constant 0 : i32
    %sign3A_7 = arith.cmpi sgt, %jit3A, %sign3A_6 : i32
    %sign3A_8 = arith.extui %sign3A_7 : i1 to i32
    %sign3A_9 = arith.constant 0 : i32
    %sign3A_10 = arith.cmpi slt, %jit3A, %sign3A_9 : i32
    %sign3A_11 = arith.extui %sign3A_10 : i1 to i32
    %sign3A_12 = arith.subi %sign3A_8, %sign3A_11 : i32
    %ne3A = arith.cmpi ne, %sign3A_5, %sign3A_12 : i32
    %rem3A = arith.remsi %arg0, %jit3A : i32
    %ne3A_13 = arith.constant 0 : i32
    %ne3A_14 = arith.cmpi ne, %rem3A, %ne3A_13 : i32
    %and3A = arith.andi %ne3A, %ne3A_14 : i1
    %sub3A = arith.constant 1 : i32
    %sub3A_15 = arith.subi %div3A, %sub3A : i32
    %select_n3A = arith.select %and3A, %sub3A_15, %div3A : i32
    %jit3A_16 = arith.constant 1 : i32
    %eq3A = arith.constant 0 : i32
    %eq3A_17 = arith.cmpi eq, %jit3A_16, %eq3A : i32
    %jit3A_18 = arith.constant 1 : i32
    %select_n3A_19 = arith.select %eq3A_17, %jit3A_18, %jit3A_16 : i32
    %rem3A_20 = arith.remsi %arg0, %select_n3A_19 : i32
    %ne3A_21 = arith.constant 0 : i32
    %ne3A_22 = arith.cmpi ne, %rem3A_20, %ne3A_21 : i32
    %lt3A = arith.constant 0 : i32
    %lt3A_23 = arith.cmpi slt, %rem3A_20, %lt3A : i32
    %lt3A_24 = arith.constant 0 : i32
    %lt3A_25 = arith.cmpi slt, %select_n3A_19, %lt3A_24 : i32
    %ne3A_26 = arith.xori %lt3A_23, %lt3A_25 : i1
    %and3A_27 = arith.andi %ne3A_26, %ne3A_22 : i1
    %add3A = arith.addi %rem3A_20, %select_n3A_19 : i32
    %select_n3A_28 = arith.select %and3A_27, %add3A, %rem3A_20 : i32
    %c0_i32 = arith.constant 0 : i32
    %c0_i32_29 = arith.constant 0 : i32
    return %select_n3A, %select_n3A_28, %c0_i32 : i32, i32, i32
  }
  func.func @transform_1(%arg0: i32) -> (i32, i32) {
    %jit3A = arith.constant 1 : i32
    %eq3A = arith.constant 0 : i32
    %eq3A_0 = arith.cmpi eq, %jit3A, %eq3A : i32
    %jit3A_1 = arith.constant 1 : i32
    %select_n3A = arith.select %eq3A_0, %jit3A_1, %jit3A : i32
    %rem3A = arith.remsi %arg0, %select_n3A : i32
    %ne3A = arith.constant 0 : i32
    %ne3A_2 = arith.cmpi ne, %rem3A, %ne3A : i32
    %lt3A = arith.constant 0 : i32
    %lt3A_3 = arith.cmpi slt, %rem3A, %lt3A : i32
    %lt3A_4 = arith.constant 0 : i32
    %lt3A_5 = arith.cmpi slt, %select_n3A, %lt3A_4 : i32
    %ne3A_6 = arith.xori %lt3A_3, %lt3A_5 : i1
    %and3A = arith.andi %ne3A_6, %ne3A_2 : i1
    %add3A = arith.addi %rem3A, %select_n3A : i32
    %select_n3A_7 = arith.select %and3A, %add3A, %rem3A : i32
    %add3A_8 = arith.constant 0 : i32
    %add3A_9 = arith.addi %add3A_8, %select_n3A_7 : i32
    %c0_i32 = arith.constant 0 : i32
    %c0_i32_10 = arith.constant 0 : i32
    return %add3A_9, %c0_i32 : i32, i32
  }
  func.func @transform_2(%arg0: i32) -> (i32, i32) {
    %c0_i32 = arith.constant 0 : i32
    %c0_i32_0 = arith.constant 0 : i32
    %c0_i32_1 = arith.constant 0 : i32
    return %c0_i32, %c0_i32_0 : i32, i32
  }
  func.func @transform_3(%arg0: i32) -> i32 {
    %c0_i32 = arith.constant 0 : i32
    %c0_i32_0 = arith.constant 0 : i32
    return %c0_i32 : i32
  }
  func.func @transform_4(%arg0: i32) -> i32 {
    %c0_i32 = arith.constant 0 : i32
    %c0_i32_0 = arith.constant 0 : i32
    return %c0_i32 : i32
  }
  func.func @transform_5(%arg0: i32) -> (i32, i32, i32) {
    %jit3A = arith.constant 1 : i32
    %div3A = arith.divsi %arg0, %jit3A : i32
    %sign3A = arith.constant 0 : i32
    %sign3A_0 = arith.cmpi sgt, %arg0, %sign3A : i32
    %sign3A_1 = arith.extui %sign3A_0 : i1 to i32
    %sign3A_2 = arith.constant 0 : i32
    %sign3A_3 = arith.cmpi slt, %arg0, %sign3A_2 : i32
    %sign3A_4 = arith.extui %sign3A_3 : i1 to i32
    %sign3A_5 = arith.subi %sign3A_1, %sign3A_4 : i32
    %sign3A_6 = arith.constant 0 : i32
    %sign3A_7 = arith.cmpi sgt, %jit3A, %sign3A_6 : i32
    %sign3A_8 = arith.extui %sign3A_7 : i1 to i32
    %sign3A_9 = arith.constant 0 : i32
    %sign3A_10 = arith.cmpi slt, %jit3A, %sign3A_9 : i32
    %sign3A_11 = arith.extui %sign3A_10 : i1 to i32
    %sign3A_12 = arith.subi %sign3A_8, %sign3A_11 : i32
    %ne3A = arith.cmpi ne, %sign3A_5, %sign3A_12 : i32
    %rem3A = arith.remsi %arg0, %jit3A : i32
    %ne3A_13 = arith.constant 0 : i32
    %ne3A_14 = arith.cmpi ne, %rem3A, %ne3A_13 : i32
    %and3A = arith.andi %ne3A, %ne3A_14 : i1
    %sub3A = arith.constant 1 : i32
    %sub3A_15 = arith.subi %div3A, %sub3A : i32
    %select_n3A = arith.select %and3A, %sub3A_15, %div3A : i32
    %jit3A_16 = arith.constant 1 : i32
    %eq3A = arith.constant 0 : i32
    %eq3A_17 = arith.cmpi eq, %jit3A_16, %eq3A : i32
    %jit3A_18 = arith.constant 1 : i32
    %select_n3A_19 = arith.select %eq3A_17, %jit3A_18, %jit3A_16 : i32
    %rem3A_20 = arith.remsi %arg0, %select_n3A_19 : i32
    %ne3A_21 = arith.constant 0 : i32
    %ne3A_22 = arith.cmpi ne, %rem3A_20, %ne3A_21 : i32
    %lt3A = arith.constant 0 : i32
    %lt3A_23 = arith.cmpi slt, %rem3A_20, %lt3A : i32
    %lt3A_24 = arith.constant 0 : i32
    %lt3A_25 = arith.cmpi slt, %select_n3A_19, %lt3A_24 : i32
    %ne3A_26 = arith.xori %lt3A_23, %lt3A_25 : i1
    %and3A_27 = arith.andi %ne3A_26, %ne3A_22 : i1
    %add3A = arith.addi %rem3A_20, %select_n3A_19 : i32
    %select_n3A_28 = arith.select %and3A_27, %add3A, %rem3A_20 : i32
    %add3A_29 = arith.constant 0 : i32
    %add3A_30 = arith.addi %add3A_29, %select_n3A_28 : i32
    %c0_i32 = arith.constant 0 : i32
    %c0_i32_31 = arith.constant 0 : i32
    return %select_n3A, %add3A_30, %c0_i32 : i32, i32, i32
  }
}

module attributes {stable_mosaic.version = 14 : i64} {
  func.func @_ln_body(%arg0: i32, %arg1: memref<1x8x128xf32, #tpu.memory_space<vmem>>, %arg2: memref<2x512x768xf32, #tpu.memory_space<vmem>>, %arg3: memref<512x768xf32, #tpu.memory_space<vmem>>, %arg4: memref<1x768xf32, #tpu.memory_space<vmem>>, %arg5: memref<768xf32, #tpu.memory_space<vmem>>, %arg6: memref<768xf32, #tpu.memory_space<vmem>>, %arg7: memref<2x512x768xf32, #tpu.memory_space<vmem>>) attributes {dimension_semantics = [#tpu.dimension_semantics<arbitrary>], iteration_bounds = array<i64: 2>, scalar_prefetch = 0 : i64, scratch_operands = 0 : i64, tpu.core_type = #tpu.core_type<tc>, window_params = [{transform_indices = @transform_0, window_bounds = array<i64: 1, 8, 128>}, {transform_indices = @transform_1, window_bounds = array<i64: 2, 512, 768>}, {transform_indices = @transform_2, window_bounds = array<i64: 512, 768>}, {pipeline_mode = #tpu.pipeline_mode<synchronous>, transform_indices = @transform_3, window_bounds = array<i64: 1, 768>}, {pipeline_mode = #tpu.pipeline_mode<synchronous>, transform_indices = @transform_4, window_bounds = array<i64: 768>}, {pipeline_mode = #tpu.pipeline_mode<synchronous>, transform_indices = @transform_5, window_bounds = array<i64: 768>}, {transform_indices = @transform_6, window_bounds = array<i64: 2, 512, 768>}]} {
    %get3A = arith.constant 0 : index
    %get3A_0 = arith.constant 0 : index
    %get3A_1 = arith.constant 0 : index
    %get3A_2 = vector.load %arg2[%get3A, %get3A_0, %get3A_1] : memref<2x512x768xf32, #tpu.memory_space<vmem>>, vector<2x512x768xf32>
    %get3A_3 = arith.constant 0 : index
    %get3A_4 = arith.constant 0 : index
    %get3A_5 = vector.load %arg3[%get3A_3, %get3A_4] : memref<512x768xf32, #tpu.memory_space<vmem>>, vector<512x768xf32>
    %broadcast_in_dim3A = vector.shape_cast %get3A_5 : vector<512x768xf32> to vector<1x512x768xf32>
    %add3A = vector.broadcast %broadcast_in_dim3A : vector<1x512x768xf32> to vector<2x512x768xf32>
    %add3A_6 = arith.addf %get3A_2, %add3A : vector<2x512x768xf32>
    %get3A_7 = arith.constant 0 : index
    %get3A_8 = arith.constant 0 : index
    %get3A_9 = vector.load %arg4[%get3A_7, %get3A_8] : memref<1x768xf32, #tpu.memory_space<vmem>>, vector<1x768xf32>
    %get3A_10 = vector.shape_cast %get3A_9 : vector<1x768xf32> to vector<768xf32>
    %broadcast_in_dim3A_11 = vector.shape_cast %get3A_10 : vector<768xf32> to vector<1x1x768xf32>
    %add3A_12 = vector.broadcast %broadcast_in_dim3A_11 : vector<1x1x768xf32> to vector<2x512x768xf32>
    %add3A_13 = arith.addf %add3A_6, %add3A_12 : vector<2x512x768xf32>
    %reduce_sum3A = arith.constant dense<0.000000e+00> : vector<2x512xf32>
    %reduce_sum3A_14 = vector.multi_reduction <add>, %add3A_13, %reduce_sum3A [2] : vector<2x512x768xf32> to vector<2x512xf32>
    %broadcast_in_dim3A_15 = vector.shape_cast %reduce_sum3A_14 : vector<2x512xf32> to vector<2x512x1xf32>
    %div3A = arith.constant 7.680000e+02 : f32
    %div3A_16 = vector.broadcast %div3A : f32 to vector<2x512x1xf32>
    %div3A_17 = arith.divf %broadcast_in_dim3A_15, %div3A_16 : vector<2x512x1xf32>
    %sub3A = vector.broadcast %div3A_17 : vector<2x512x1xf32> to vector<2x512x768xf32>
    %sub3A_18 = arith.subf %add3A_13, %sub3A : vector<2x512x768xf32>
    %mul3A = arith.mulf %sub3A_18, %sub3A_18 : vector<2x512x768xf32>
    %reduce_sum3A_19 = arith.constant dense<0.000000e+00> : vector<2x512xf32>
    %reduce_sum3A_20 = vector.multi_reduction <add>, %mul3A, %reduce_sum3A_19 [2] : vector<2x512x768xf32> to vector<2x512xf32>
    %broadcast_in_dim3A_21 = vector.shape_cast %reduce_sum3A_20 : vector<2x512xf32> to vector<2x512x1xf32>
    %div3A_22 = arith.constant 7.680000e+02 : f32
    %div3A_23 = vector.broadcast %div3A_22 : f32 to vector<2x512x1xf32>
    %div3A_24 = arith.divf %broadcast_in_dim3A_21, %div3A_23 : vector<2x512x1xf32>
    %add3A_25 = arith.constant 9.99999974E-6 : f32
    %add3A_26 = vector.broadcast %add3A_25 : f32 to vector<2x512x1xf32>
    %add3A_27 = arith.addf %div3A_24, %add3A_26 : vector<2x512x1xf32>
    %rsqrt3A = math.rsqrt %add3A_27 : vector<2x512x1xf32>
    %mul3A_28 = vector.broadcast %rsqrt3A : vector<2x512x1xf32> to vector<2x512x768xf32>
    %mul3A_29 = arith.mulf %sub3A_18, %mul3A_28 : vector<2x512x768xf32>
    %get3A_30 = arith.constant 0 : index
    %get3A_31 = vector.load %arg5[%get3A_30] : memref<768xf32, #tpu.memory_space<vmem>>, vector<768xf32>
    %broadcast_in_dim3A_32 = vector.shape_cast %get3A_31 : vector<768xf32> to vector<1x1x768xf32>
    %mul3A_33 = vector.broadcast %broadcast_in_dim3A_32 : vector<1x1x768xf32> to vector<2x512x768xf32>
    %mul3A_34 = arith.mulf %mul3A_29, %mul3A_33 : vector<2x512x768xf32>
    %get3A_35 = arith.constant 0 : index
    %get3A_36 = vector.load %arg6[%get3A_35] : memref<768xf32, #tpu.memory_space<vmem>>, vector<768xf32>
    %broadcast_in_dim3A_37 = vector.shape_cast %get3A_36 : vector<768xf32> to vector<1x1x768xf32>
    %add3A_38 = vector.broadcast %broadcast_in_dim3A_37 : vector<1x1x768xf32> to vector<2x512x768xf32>
    %add3A_39 = arith.addf %mul3A_34, %add3A_38 : vector<2x512x768xf32>
    %swap3A = arith.constant 0 : index
    %swap3A_40 = arith.constant 0 : index
    %swap3A_41 = arith.constant 0 : index
    %swap3A_42 = vector.load %arg7[%swap3A, %swap3A_40, %swap3A_41] : memref<2x512x768xf32, #tpu.memory_space<vmem>>, vector<2x512x768xf32>
    tpu.vector_store %arg7[%swap3A, %swap3A_40, %swap3A_41], %add3A_39 {strides = array<i32>} : memref<2x512x768xf32, #tpu.memory_space<vmem>>, vector<2x512x768xf32>,
    return
  }
  func.func @transform_0(%arg0: i32) -> (i32, i32, i32) {
    %c0_i32 = arith.constant 0 : i32
    %c0_i32_0 = arith.constant 0 : i32
    %c0_i32_1 = arith.constant 0 : i32
    %c0_i32_2 = arith.constant 0 : i32
    return %c0_i32, %c0_i32_0, %c0_i32_1 : i32, i32, i32
  }
  func.func @transform_1(%arg0: i32) -> (i32, i32, i32) {
    %jit3A = arith.constant 1 : i32
    %div3A = arith.divsi %arg0, %jit3A : i32
    %sign3A = arith.constant 0 : i32
    %sign3A_0 = arith.cmpi sgt, %arg0, %sign3A : i32
    %sign3A_1 = arith.extui %sign3A_0 : i1 to i32
    %sign3A_2 = arith.constant 0 : i32
    %sign3A_3 = arith.cmpi slt, %arg0, %sign3A_2 : i32
    %sign3A_4 = arith.extui %sign3A_3 : i1 to i32
    %sign3A_5 = arith.subi %sign3A_1, %sign3A_4 : i32
    %sign3A_6 = arith.constant 0 : i32
    %sign3A_7 = arith.cmpi sgt, %jit3A, %sign3A_6 : i32
    %sign3A_8 = arith.extui %sign3A_7 : i1 to i32
    %sign3A_9 = arith.constant 0 : i32
    %sign3A_10 = arith.cmpi slt, %jit3A, %sign3A_9 : i32
    %sign3A_11 = arith.extui %sign3A_10 : i1 to i32
    %sign3A_12 = arith.subi %sign3A_8, %sign3A_11 : i32
    %ne3A = arith.cmpi ne, %sign3A_5, %sign3A_12 : i32
    %rem3A = arith.remsi %arg0, %jit3A : i32
    %ne3A_13 = arith.constant 0 : i32
    %ne3A_14 = arith.cmpi ne, %rem3A, %ne3A_13 : i32
    %and3A = arith.andi %ne3A, %ne3A_14 : i1
    %sub3A = arith.constant 1 : i32
    %sub3A_15 = arith.subi %div3A, %sub3A : i32
    %select_n3A = arith.select %and3A, %sub3A_15, %div3A : i32
    %jit3A_16 = arith.constant 1 : i32
    %eq3A = arith.constant 0 : i32
    %eq3A_17 = arith.cmpi eq, %jit3A_16, %eq3A : i32
    %jit3A_18 = arith.constant 1 : i32
    %select_n3A_19 = arith.select %eq3A_17, %jit3A_18, %jit3A_16 : i32
    %rem3A_20 = arith.remsi %arg0, %select_n3A_19 : i32
    %ne3A_21 = arith.constant 0 : i32
    %ne3A_22 = arith.cmpi ne, %rem3A_20, %ne3A_21 : i32
    %lt3A = arith.constant 0 : i32
    %lt3A_23 = arith.cmpi slt, %rem3A_20, %lt3A : i32
    %lt3A_24 = arith.constant 0 : i32
    %lt3A_25 = arith.cmpi slt, %select_n3A_19, %lt3A_24 : i32
    %ne3A_26 = arith.xori %lt3A_23, %lt3A_25 : i1
    %and3A_27 = arith.andi %ne3A_26, %ne3A_22 : i1
    %add3A = arith.addi %rem3A_20, %select_n3A_19 : i32
    %select_n3A_28 = arith.select %and3A_27, %add3A, %rem3A_20 : i32
    %c0_i32 = arith.constant 0 : i32
    %c0_i32_29 = arith.constant 0 : i32
    return %select_n3A, %select_n3A_28, %c0_i32 : i32, i32, i32
  }
  func.func @transform_2(%arg0: i32) -> (i32, i32) {
    %jit3A = arith.constant 1 : i32
    %eq3A = arith.constant 0 : i32
    %eq3A_0 = arith.cmpi eq, %jit3A, %eq3A : i32
    %jit3A_1 = arith.constant 1 : i32
    %select_n3A = arith.select %eq3A_0, %jit3A_1, %jit3A : i32
    %rem3A = arith.remsi %arg0, %select_n3A : i32
    %ne3A = arith.constant 0 : i32
    %ne3A_2 = arith.cmpi ne, %rem3A, %ne3A : i32
    %lt3A = arith.constant 0 : i32
    %lt3A_3 = arith.cmpi slt, %rem3A, %lt3A : i32
    %lt3A_4 = arith.constant 0 : i32
    %lt3A_5 = arith.cmpi slt, %select_n3A, %lt3A_4 : i32
    %ne3A_6 = arith.xori %lt3A_3, %lt3A_5 : i1
    %and3A = arith.andi %ne3A_6, %ne3A_2 : i1
    %add3A = arith.addi %rem3A, %select_n3A : i32
    %select_n3A_7 = arith.select %and3A, %add3A, %rem3A : i32
    %add3A_8 = arith.constant 3 : i32
    %add3A_9 = arith.addi %add3A_8, %select_n3A_7 : i32
    %c0_i32 = arith.constant 0 : i32
    %c0_i32_10 = arith.constant 0 : i32
    return %add3A_9, %c0_i32 : i32, i32
  }
  func.func @transform_3(%arg0: i32) -> (i32, i32) {
    %c0_i32 = arith.constant 0 : i32
    %c0_i32_0 = arith.constant 0 : i32
    %c0_i32_1 = arith.constant 0 : i32
    return %c0_i32, %c0_i32_0 : i32, i32
  }
  func.func @transform_4(%arg0: i32) -> i32 {
    %c0_i32 = arith.constant 0 : i32
    %c0_i32_0 = arith.constant 0 : i32
    return %c0_i32 : i32
  }
  func.func @transform_5(%arg0: i32) -> i32 {
    %c0_i32 = arith.constant 0 : i32
    %c0_i32_0 = arith.constant 0 : i32
    return %c0_i32 : i32
  }
  func.func @transform_6(%arg0: i32) -> (i32, i32, i32) {
    %jit3A = arith.constant 1 : i32
    %div3A = arith.divsi %arg0, %jit3A : i32
    %sign3A = arith.constant 0 : i32
    %sign3A_0 = arith.cmpi sgt, %arg0, %sign3A : i32
    %sign3A_1 = arith.extui %sign3A_0 : i1 to i32
    %sign3A_2 = arith.constant 0 : i32
    %sign3A_3 = arith.cmpi slt, %arg0, %sign3A_2 : i32
    %sign3A_4 = arith.extui %sign3A_3 : i1 to i32
    %sign3A_5 = arith.subi %sign3A_1, %sign3A_4 : i32
    %sign3A_6 = arith.constant 0 : i32
    %sign3A_7 = arith.cmpi sgt, %jit3A, %sign3A_6 : i32
    %sign3A_8 = arith.extui %sign3A_7 : i1 to i32
    %sign3A_9 = arith.constant 0 : i32
    %sign3A_10 = arith.cmpi slt, %jit3A, %sign3A_9 : i32
    %sign3A_11 = arith.extui %sign3A_10 : i1 to i32
    %sign3A_12 = arith.subi %sign3A_8, %sign3A_11 : i32
    %ne3A = arith.cmpi ne, %sign3A_5, %sign3A_12 : i32
    %rem3A = arith.remsi %arg0, %jit3A : i32
    %ne3A_13 = arith.constant 0 : i32
    %ne3A_14 = arith.cmpi ne, %rem3A, %ne3A_13 : i32
    %and3A = arith.andi %ne3A, %ne3A_14 : i1
    %sub3A = arith.constant 1 : i32
    %sub3A_15 = arith.subi %div3A, %sub3A : i32
    %select_n3A = arith.select %and3A, %sub3A_15, %div3A : i32
    %jit3A_16 = arith.constant 1 : i32
    %eq3A = arith.constant 0 : i32
    %eq3A_17 = arith.cmpi eq, %jit3A_16, %eq3A : i32
    %jit3A_18 = arith.constant 1 : i32
    %select_n3A_19 = arith.select %eq3A_17, %jit3A_18, %jit3A_16 : i32
    %rem3A_20 = arith.remsi %arg0, %select_n3A_19 : i32
    %ne3A_21 = arith.constant 0 : i32
    %ne3A_22 = arith.cmpi ne, %rem3A_20, %ne3A_21 : i32
    %lt3A = arith.constant 0 : i32
    %lt3A_23 = arith.cmpi slt, %rem3A_20, %lt3A : i32
    %lt3A_24 = arith.constant 0 : i32
    %lt3A_25 = arith.cmpi slt, %select_n3A_19, %lt3A_24 : i32
    %ne3A_26 = arith.xori %lt3A_23, %lt3A_25 : i1
    %and3A_27 = arith.andi %ne3A_26, %ne3A_22 : i1
    %add3A = arith.addi %rem3A_20, %select_n3A_19 : i32
    %select_n3A_28 = arith.select %and3A_27, %add3A, %rem3A_20 : i32
    %add3A_29 = arith.constant 3 : i32
    %add3A_30 = arith.addi %add3A_29, %select_n3A_28 : i32
    %c0_i32 = arith.constant 0 : i32
    %c0_i32_31 = arith.constant 0 : i32
    return %select_n3A, %add3A_30, %c0_i32 : i32, i32, i32
  }
}

module attributes {stable_mosaic.version = 14 : i64} {
  func.func @_ln_body(%arg0: i32, %arg1: memref<1x8x128xf32, #tpu.memory_space<vmem>>, %arg2: memref<2x512x768xf32, #tpu.memory_space<vmem>>, %arg3: memref<512x768xf32, #tpu.memory_space<vmem>>, %arg4: memref<1x768xf32, #tpu.memory_space<vmem>>, %arg5: memref<768xf32, #tpu.memory_space<vmem>>, %arg6: memref<768xf32, #tpu.memory_space<vmem>>, %arg7: memref<2x512x768xf32, #tpu.memory_space<vmem>>) attributes {dimension_semantics = [#tpu.dimension_semantics<arbitrary>], iteration_bounds = array<i64: 2>, scalar_prefetch = 0 : i64, scratch_operands = 0 : i64, tpu.core_type = #tpu.core_type<tc>, window_params = [{transform_indices = @transform_0, window_bounds = array<i64: 1, 8, 128>}, {transform_indices = @transform_1, window_bounds = array<i64: 2, 512, 768>}, {transform_indices = @transform_2, window_bounds = array<i64: 512, 768>}, {pipeline_mode = #tpu.pipeline_mode<synchronous>, transform_indices = @transform_3, window_bounds = array<i64: 1, 768>}, {pipeline_mode = #tpu.pipeline_mode<synchronous>, transform_indices = @transform_4, window_bounds = array<i64: 768>}, {pipeline_mode = #tpu.pipeline_mode<synchronous>, transform_indices = @transform_5, window_bounds = array<i64: 768>}, {transform_indices = @transform_6, window_bounds = array<i64: 2, 512, 768>}]} {
    %get3A = arith.constant 0 : index
    %get3A_0 = arith.constant 0 : index
    %get3A_1 = arith.constant 0 : index
    %get3A_2 = vector.load %arg2[%get3A, %get3A_0, %get3A_1] : memref<2x512x768xf32, #tpu.memory_space<vmem>>, vector<2x512x768xf32>
    %get3A_3 = arith.constant 0 : index
    %get3A_4 = arith.constant 0 : index
    %get3A_5 = vector.load %arg3[%get3A_3, %get3A_4] : memref<512x768xf32, #tpu.memory_space<vmem>>, vector<512x768xf32>
    %broadcast_in_dim3A = vector.shape_cast %get3A_5 : vector<512x768xf32> to vector<1x512x768xf32>
    %add3A = vector.broadcast %broadcast_in_dim3A : vector<1x512x768xf32> to vector<2x512x768xf32>
    %add3A_6 = arith.addf %get3A_2, %add3A : vector<2x512x768xf32>
    %get3A_7 = arith.constant 0 : index
    %get3A_8 = arith.constant 0 : index
    %get3A_9 = vector.load %arg4[%get3A_7, %get3A_8] : memref<1x768xf32, #tpu.memory_space<vmem>>, vector<1x768xf32>
    %get3A_10 = vector.shape_cast %get3A_9 : vector<1x768xf32> to vector<768xf32>
    %broadcast_in_dim3A_11 = vector.shape_cast %get3A_10 : vector<768xf32> to vector<1x1x768xf32>
    %add3A_12 = vector.broadcast %broadcast_in_dim3A_11 : vector<1x1x768xf32> to vector<2x512x768xf32>
    %add3A_13 = arith.addf %add3A_6, %add3A_12 : vector<2x512x768xf32>
    %reduce_sum3A = arith.constant dense<0.000000e+00> : vector<2x512xf32>
    %reduce_sum3A_14 = vector.multi_reduction <add>, %add3A_13, %reduce_sum3A [2] : vector<2x512x768xf32> to vector<2x512xf32>
    %broadcast_in_dim3A_15 = vector.shape_cast %reduce_sum3A_14 : vector<2x512xf32> to vector<2x512x1xf32>
    %div3A = arith.constant 7.680000e+02 : f32
    %div3A_16 = vector.broadcast %div3A : f32 to vector<2x512x1xf32>
    %div3A_17 = arith.divf %broadcast_in_dim3A_15, %div3A_16 : vector<2x512x1xf32>
    %sub3A = vector.broadcast %div3A_17 : vector<2x512x1xf32> to vector<2x512x768xf32>
    %sub3A_18 = arith.subf %add3A_13, %sub3A : vector<2x512x768xf32>
    %mul3A = arith.mulf %sub3A_18, %sub3A_18 : vector<2x512x768xf32>
    %reduce_sum3A_19 = arith.constant dense<0.000000e+00> : vector<2x512xf32>
    %reduce_sum3A_20 = vector.multi_reduction <add>, %mul3A, %reduce_sum3A_19 [2] : vector<2x512x768xf32> to vector<2x512xf32>
    %broadcast_in_dim3A_21 = vector.shape_cast %reduce_sum3A_20 : vector<2x512xf32> to vector<2x512x1xf32>
    %div3A_22 = arith.constant 7.680000e+02 : f32
    %div3A_23 = vector.broadcast %div3A_22 : f32 to vector<2x512x1xf32>
    %div3A_24 = arith.divf %broadcast_in_dim3A_21, %div3A_23 : vector<2x512x1xf32>
    %add3A_25 = arith.constant 9.99999974E-6 : f32
    %add3A_26 = vector.broadcast %add3A_25 : f32 to vector<2x512x1xf32>
    %add3A_27 = arith.addf %div3A_24, %add3A_26 : vector<2x512x1xf32>
    %rsqrt3A = math.rsqrt %add3A_27 : vector<2x512x1xf32>
    %mul3A_28 = vector.broadcast %rsqrt3A : vector<2x512x1xf32> to vector<2x512x768xf32>
    %mul3A_29 = arith.mulf %sub3A_18, %mul3A_28 : vector<2x512x768xf32>
    %get3A_30 = arith.constant 0 : index
    %get3A_31 = vector.load %arg5[%get3A_30] : memref<768xf32, #tpu.memory_space<vmem>>, vector<768xf32>
    %broadcast_in_dim3A_32 = vector.shape_cast %get3A_31 : vector<768xf32> to vector<1x1x768xf32>
    %mul3A_33 = vector.broadcast %broadcast_in_dim3A_32 : vector<1x1x768xf32> to vector<2x512x768xf32>
    %mul3A_34 = arith.mulf %mul3A_29, %mul3A_33 : vector<2x512x768xf32>
    %get3A_35 = arith.constant 0 : index
    %get3A_36 = vector.load %arg6[%get3A_35] : memref<768xf32, #tpu.memory_space<vmem>>, vector<768xf32>
    %broadcast_in_dim3A_37 = vector.shape_cast %get3A_36 : vector<768xf32> to vector<1x1x768xf32>
    %add3A_38 = vector.broadcast %broadcast_in_dim3A_37 : vector<1x1x768xf32> to vector<2x512x768xf32>
    %add3A_39 = arith.addf %mul3A_34, %add3A_38 : vector<2x512x768xf32>
    %swap3A = arith.constant 0 : index
    %swap3A_40 = arith.constant 0 : index
    %swap3A_41 = arith.constant 0 : index
    %swap3A_42 = vector.load %arg7[%swap3A, %swap3A_40, %swap3A_41] : memref<2x512x768xf32, #tpu.memory_space<vmem>>, vector<2x512x768xf32>
    tpu.vector_store %arg7[%swap3A, %swap3A_40, %swap3A_41], %add3A_39 {strides = array<i32>} : memref<2x512x768xf32, #tpu.memory_space<vmem>>, vector<2x512x768xf32>,
    return
  }
  func.func @transform_0(%arg0: i32) -> (i32, i32, i32) {
    %c0_i32 = arith.constant 0 : i32
    %c0_i32_0 = arith.constant 0 : i32
    %c0_i32_1 = arith.constant 0 : i32
    %c0_i32_2 = arith.constant 0 : i32
    return %c0_i32, %c0_i32_0, %c0_i32_1 : i32, i32, i32
  }
  func.func @transform_1(%arg0: i32) -> (i32, i32, i32) {
    %jit3A = arith.constant 1 : i32
    %div3A = arith.divsi %arg0, %jit3A : i32
    %sign3A = arith.constant 0 : i32
    %sign3A_0 = arith.cmpi sgt, %arg0, %sign3A : i32
    %sign3A_1 = arith.extui %sign3A_0 : i1 to i32
    %sign3A_2 = arith.constant 0 : i32
    %sign3A_3 = arith.cmpi slt, %arg0, %sign3A_2 : i32
    %sign3A_4 = arith.extui %sign3A_3 : i1 to i32
    %sign3A_5 = arith.subi %sign3A_1, %sign3A_4 : i32
    %sign3A_6 = arith.constant 0 : i32
    %sign3A_7 = arith.cmpi sgt, %jit3A, %sign3A_6 : i32
    %sign3A_8 = arith.extui %sign3A_7 : i1 to i32
    %sign3A_9 = arith.constant 0 : i32
    %sign3A_10 = arith.cmpi slt, %jit3A, %sign3A_9 : i32
    %sign3A_11 = arith.extui %sign3A_10 : i1 to i32
    %sign3A_12 = arith.subi %sign3A_8, %sign3A_11 : i32
    %ne3A = arith.cmpi ne, %sign3A_5, %sign3A_12 : i32
    %rem3A = arith.remsi %arg0, %jit3A : i32
    %ne3A_13 = arith.constant 0 : i32
    %ne3A_14 = arith.cmpi ne, %rem3A, %ne3A_13 : i32
    %and3A = arith.andi %ne3A, %ne3A_14 : i1
    %sub3A = arith.constant 1 : i32
    %sub3A_15 = arith.subi %div3A, %sub3A : i32
    %select_n3A = arith.select %and3A, %sub3A_15, %div3A : i32
    %jit3A_16 = arith.constant 1 : i32
    %eq3A = arith.constant 0 : i32
    %eq3A_17 = arith.cmpi eq, %jit3A_16, %eq3A : i32
    %jit3A_18 = arith.constant 1 : i32
    %select_n3A_19 = arith.select %eq3A_17, %jit3A_18, %jit3A_16 : i32
    %rem3A_20 = arith.remsi %arg0, %select_n3A_19 : i32
    %ne3A_21 = arith.constant 0 : i32
    %ne3A_22 = arith.cmpi ne, %rem3A_20, %ne3A_21 : i32
    %lt3A = arith.constant 0 : i32
    %lt3A_23 = arith.cmpi slt, %rem3A_20, %lt3A : i32
    %lt3A_24 = arith.constant 0 : i32
    %lt3A_25 = arith.cmpi slt, %select_n3A_19, %lt3A_24 : i32
    %ne3A_26 = arith.xori %lt3A_23, %lt3A_25 : i1
    %and3A_27 = arith.andi %ne3A_26, %ne3A_22 : i1
    %add3A = arith.addi %rem3A_20, %select_n3A_19 : i32
    %select_n3A_28 = arith.select %and3A_27, %add3A, %rem3A_20 : i32
    %c0_i32 = arith.constant 0 : i32
    %c0_i32_29 = arith.constant 0 : i32
    return %select_n3A, %select_n3A_28, %c0_i32 : i32, i32, i32
  }
  func.func @transform_2(%arg0: i32) -> (i32, i32) {
    %jit3A = arith.constant 1 : i32
    %eq3A = arith.constant 0 : i32
    %eq3A_0 = arith.cmpi eq, %jit3A, %eq3A : i32
    %jit3A_1 = arith.constant 1 : i32
    %select_n3A = arith.select %eq3A_0, %jit3A_1, %jit3A : i32
    %rem3A = arith.remsi %arg0, %select_n3A : i32
    %ne3A = arith.constant 0 : i32
    %ne3A_2 = arith.cmpi ne, %rem3A, %ne3A : i32
    %lt3A = arith.constant 0 : i32
    %lt3A_3 = arith.cmpi slt, %rem3A, %lt3A : i32
    %lt3A_4 = arith.constant 0 : i32
    %lt3A_5 = arith.cmpi slt, %select_n3A, %lt3A_4 : i32
    %ne3A_6 = arith.xori %lt3A_3, %lt3A_5 : i1
    %and3A = arith.andi %ne3A_6, %ne3A_2 : i1
    %add3A = arith.addi %rem3A, %select_n3A : i32
    %select_n3A_7 = arith.select %and3A, %add3A, %rem3A : i32
    %add3A_8 = arith.constant 2 : i32
    %add3A_9 = arith.addi %add3A_8, %select_n3A_7 : i32
    %c0_i32 = arith.constant 0 : i32
    %c0_i32_10 = arith.constant 0 : i32
    return %add3A_9, %c0_i32 : i32, i32
  }
  func.func @transform_3(%arg0: i32) -> (i32, i32) {
    %c0_i32 = arith.constant 0 : i32
    %c0_i32_0 = arith.constant 0 : i32
    %c0_i32_1 = arith.constant 0 : i32
    return %c0_i32, %c0_i32_0 : i32, i32
  }
  func.func @transform_4(%arg0: i32) -> i32 {
    %c0_i32 = arith.constant 0 : i32
    %c0_i32_0 = arith.constant 0 : i32
    return %c0_i32 : i32
  }
  func.func @transform_5(%arg0: i32) -> i32 {
    %c0_i32 = arith.constant 0 : i32
    %c0_i32_0 = arith.constant 0 : i32
    return %c0_i32 : i32
  }
  func.func @transform_6(%arg0: i32) -> (i32, i32, i32) {
    %jit3A = arith.constant 1 : i32
    %div3A = arith.divsi %arg0, %jit3A : i32
    %sign3A = arith.constant 0 : i32
    %sign3A_0 = arith.cmpi sgt, %arg0, %sign3A : i32
    %sign3A_1 = arith.extui %sign3A_0 : i1 to i32
    %sign3A_2 = arith.constant 0 : i32
    %sign3A_3 = arith.cmpi slt, %arg0, %sign3A_2 : i32
    %sign3A_4 = arith.extui %sign3A_3 : i1 to i32
    %sign3A_5 = arith.subi %sign3A_1, %sign3A_4 : i32
    %sign3A_6 = arith.constant 0 : i32
    %sign3A_7 = arith.cmpi sgt, %jit3A, %sign3A_6 : i32
    %sign3A_8 = arith.extui %sign3A_7 : i1 to i32
    %sign3A_9 = arith.constant 0 : i32
    %sign3A_10 = arith.cmpi slt, %jit3A, %sign3A_9 : i32
    %sign3A_11 = arith.extui %sign3A_10 : i1 to i32
    %sign3A_12 = arith.subi %sign3A_8, %sign3A_11 : i32
    %ne3A = arith.cmpi ne, %sign3A_5, %sign3A_12 : i32
    %rem3A = arith.remsi %arg0, %jit3A : i32
    %ne3A_13 = arith.constant 0 : i32
    %ne3A_14 = arith.cmpi ne, %rem3A, %ne3A_13 : i32
    %and3A = arith.andi %ne3A, %ne3A_14 : i1
    %sub3A = arith.constant 1 : i32
    %sub3A_15 = arith.subi %div3A, %sub3A : i32
    %select_n3A = arith.select %and3A, %sub3A_15, %div3A : i32
    %jit3A_16 = arith.constant 1 : i32
    %eq3A = arith.constant 0 : i32
    %eq3A_17 = arith.cmpi eq, %jit3A_16, %eq3A : i32
    %jit3A_18 = arith.constant 1 : i32
    %select_n3A_19 = arith.select %eq3A_17, %jit3A_18, %jit3A_16 : i32
    %rem3A_20 = arith.remsi %arg0, %select_n3A_19 : i32
    %ne3A_21 = arith.constant 0 : i32
    %ne3A_22 = arith.cmpi ne, %rem3A_20, %ne3A_21 : i32
    %lt3A = arith.constant 0 : i32
    %lt3A_23 = arith.cmpi slt, %rem3A_20, %lt3A : i32
    %lt3A_24 = arith.constant 0 : i32
    %lt3A_25 = arith.cmpi slt, %select_n3A_19, %lt3A_24 : i32
    %ne3A_26 = arith.xori %lt3A_23, %lt3A_25 : i1
    %and3A_27 = arith.andi %ne3A_26, %ne3A_22 : i1
    %add3A = arith.addi %rem3A_20, %select_n3A_19 : i32
    %select_n3A_28 = arith.select %and3A_27, %add3A, %rem3A_20 : i32
    %add3A_29 = arith.constant 2 : i32
    %add3A_30 = arith.addi %add3A_29, %select_n3A_28 : i32
    %c0_i32 = arith.constant 0 : i32
    %c0_i32_31 = arith.constant 0 : i32
    return %select_n3A, %add3A_30, %c0_i32 : i32, i32, i32
  }
}

module attributes {stable_mosaic.version = 14 : i64} {
  func.func @_ln_body(%arg0: i32, %arg1: memref<1x8x128xf32, #tpu.memory_space<vmem>>, %arg2: memref<2x512x768xf32, #tpu.memory_space<vmem>>, %arg3: memref<512x768xf32, #tpu.memory_space<vmem>>, %arg4: memref<1x768xf32, #tpu.memory_space<vmem>>, %arg5: memref<768xf32, #tpu.memory_space<vmem>>, %arg6: memref<768xf32, #tpu.memory_space<vmem>>, %arg7: memref<2x512x768xf32, #tpu.memory_space<vmem>>) attributes {dimension_semantics = [#tpu.dimension_semantics<arbitrary>], iteration_bounds = array<i64: 2>, scalar_prefetch = 0 : i64, scratch_operands = 0 : i64, tpu.core_type = #tpu.core_type<tc>, window_params = [{transform_indices = @transform_0, window_bounds = array<i64: 1, 8, 128>}, {transform_indices = @transform_1, window_bounds = array<i64: 2, 512, 768>}, {transform_indices = @transform_2, window_bounds = array<i64: 512, 768>}, {pipeline_mode = #tpu.pipeline_mode<synchronous>, transform_indices = @transform_3, window_bounds = array<i64: 1, 768>}, {pipeline_mode = #tpu.pipeline_mode<synchronous>, transform_indices = @transform_4, window_bounds = array<i64: 768>}, {pipeline_mode = #tpu.pipeline_mode<synchronous>, transform_indices = @transform_5, window_bounds = array<i64: 768>}, {transform_indices = @transform_6, window_bounds = array<i64: 2, 512, 768>}]} {
    %get3A = arith.constant 0 : index
    %get3A_0 = arith.constant 0 : index
    %get3A_1 = arith.constant 0 : index
    %get3A_2 = vector.load %arg2[%get3A, %get3A_0, %get3A_1] : memref<2x512x768xf32, #tpu.memory_space<vmem>>, vector<2x512x768xf32>
    %get3A_3 = arith.constant 0 : index
    %get3A_4 = arith.constant 0 : index
    %get3A_5 = vector.load %arg3[%get3A_3, %get3A_4] : memref<512x768xf32, #tpu.memory_space<vmem>>, vector<512x768xf32>
    %broadcast_in_dim3A = vector.shape_cast %get3A_5 : vector<512x768xf32> to vector<1x512x768xf32>
    %add3A = vector.broadcast %broadcast_in_dim3A : vector<1x512x768xf32> to vector<2x512x768xf32>
    %add3A_6 = arith.addf %get3A_2, %add3A : vector<2x512x768xf32>
    %get3A_7 = arith.constant 0 : index
    %get3A_8 = arith.constant 0 : index
    %get3A_9 = vector.load %arg4[%get3A_7, %get3A_8] : memref<1x768xf32, #tpu.memory_space<vmem>>, vector<1x768xf32>
    %get3A_10 = vector.shape_cast %get3A_9 : vector<1x768xf32> to vector<768xf32>
    %broadcast_in_dim3A_11 = vector.shape_cast %get3A_10 : vector<768xf32> to vector<1x1x768xf32>
    %add3A_12 = vector.broadcast %broadcast_in_dim3A_11 : vector<1x1x768xf32> to vector<2x512x768xf32>
    %add3A_13 = arith.addf %add3A_6, %add3A_12 : vector<2x512x768xf32>
    %reduce_sum3A = arith.constant dense<0.000000e+00> : vector<2x512xf32>
    %reduce_sum3A_14 = vector.multi_reduction <add>, %add3A_13, %reduce_sum3A [2] : vector<2x512x768xf32> to vector<2x512xf32>
    %broadcast_in_dim3A_15 = vector.shape_cast %reduce_sum3A_14 : vector<2x512xf32> to vector<2x512x1xf32>
    %div3A = arith.constant 7.680000e+02 : f32
    %div3A_16 = vector.broadcast %div3A : f32 to vector<2x512x1xf32>
    %div3A_17 = arith.divf %broadcast_in_dim3A_15, %div3A_16 : vector<2x512x1xf32>
    %sub3A = vector.broadcast %div3A_17 : vector<2x512x1xf32> to vector<2x512x768xf32>
    %sub3A_18 = arith.subf %add3A_13, %sub3A : vector<2x512x768xf32>
    %mul3A = arith.mulf %sub3A_18, %sub3A_18 : vector<2x512x768xf32>
    %reduce_sum3A_19 = arith.constant dense<0.000000e+00> : vector<2x512xf32>
    %reduce_sum3A_20 = vector.multi_reduction <add>, %mul3A, %reduce_sum3A_19 [2] : vector<2x512x768xf32> to vector<2x512xf32>
    %broadcast_in_dim3A_21 = vector.shape_cast %reduce_sum3A_20 : vector<2x512xf32> to vector<2x512x1xf32>
    %div3A_22 = arith.constant 7.680000e+02 : f32
    %div3A_23 = vector.broadcast %div3A_22 : f32 to vector<2x512x1xf32>
    %div3A_24 = arith.divf %broadcast_in_dim3A_21, %div3A_23 : vector<2x512x1xf32>
    %add3A_25 = arith.constant 9.99999974E-6 : f32
    %add3A_26 = vector.broadcast %add3A_25 : f32 to vector<2x512x1xf32>
    %add3A_27 = arith.addf %div3A_24, %add3A_26 : vector<2x512x1xf32>
    %rsqrt3A = math.rsqrt %add3A_27 : vector<2x512x1xf32>
    %mul3A_28 = vector.broadcast %rsqrt3A : vector<2x512x1xf32> to vector<2x512x768xf32>
    %mul3A_29 = arith.mulf %sub3A_18, %mul3A_28 : vector<2x512x768xf32>
    %get3A_30 = arith.constant 0 : index
    %get3A_31 = vector.load %arg5[%get3A_30] : memref<768xf32, #tpu.memory_space<vmem>>, vector<768xf32>
    %broadcast_in_dim3A_32 = vector.shape_cast %get3A_31 : vector<768xf32> to vector<1x1x768xf32>
    %mul3A_33 = vector.broadcast %broadcast_in_dim3A_32 : vector<1x1x768xf32> to vector<2x512x768xf32>
    %mul3A_34 = arith.mulf %mul3A_29, %mul3A_33 : vector<2x512x768xf32>
    %get3A_35 = arith.constant 0 : index
    %get3A_36 = vector.load %arg6[%get3A_35] : memref<768xf32, #tpu.memory_space<vmem>>, vector<768xf32>
    %broadcast_in_dim3A_37 = vector.shape_cast %get3A_36 : vector<768xf32> to vector<1x1x768xf32>
    %add3A_38 = vector.broadcast %broadcast_in_dim3A_37 : vector<1x1x768xf32> to vector<2x512x768xf32>
    %add3A_39 = arith.addf %mul3A_34, %add3A_38 : vector<2x512x768xf32>
    %swap3A = arith.constant 0 : index
    %swap3A_40 = arith.constant 0 : index
    %swap3A_41 = arith.constant 0 : index
    %swap3A_42 = vector.load %arg7[%swap3A, %swap3A_40, %swap3A_41] : memref<2x512x768xf32, #tpu.memory_space<vmem>>, vector<2x512x768xf32>
    tpu.vector_store %arg7[%swap3A, %swap3A_40, %swap3A_41], %add3A_39 {strides = array<i32>} : memref<2x512x768xf32, #tpu.memory_space<vmem>>, vector<2x512x768xf32>,
    return
  }
  func.func @transform_0(%arg0: i32) -> (i32, i32, i32) {
    %c0_i32 = arith.constant 0 : i32
    %c0_i32_0 = arith.constant 0 : i32
    %c0_i32_1 = arith.constant 0 : i32
    %c0_i32_2 = arith.constant 0 : i32
    return %c0_i32, %c0_i32_0, %c0_i32_1 : i32, i32, i32
  }
  func.func @transform_1(%arg0: i32) -> (i32, i32, i32) {
    %jit3A = arith.constant 1 : i32
    %div3A = arith.divsi %arg0, %jit3A : i32
    %sign3A = arith.constant 0 : i32
    %sign3A_0 = arith.cmpi sgt, %arg0, %sign3A : i32
    %sign3A_1 = arith.extui %sign3A_0 : i1 to i32
    %sign3A_2 = arith.constant 0 : i32
    %sign3A_3 = arith.cmpi slt, %arg0, %sign3A_2 : i32
    %sign3A_4 = arith.extui %sign3A_3 : i1 to i32
    %sign3A_5 = arith.subi %sign3A_1, %sign3A_4 : i32
    %sign3A_6 = arith.constant 0 : i32
    %sign3A_7 = arith.cmpi sgt, %jit3A, %sign3A_6 : i32
    %sign3A_8 = arith.extui %sign3A_7 : i1 to i32
    %sign3A_9 = arith.constant 0 : i32
    %sign3A_10 = arith.cmpi slt, %jit3A, %sign3A_9 : i32
    %sign3A_11 = arith.extui %sign3A_10 : i1 to i32
    %sign3A_12 = arith.subi %sign3A_8, %sign3A_11 : i32
    %ne3A = arith.cmpi ne, %sign3A_5, %sign3A_12 : i32
    %rem3A = arith.remsi %arg0, %jit3A : i32
    %ne3A_13 = arith.constant 0 : i32
    %ne3A_14 = arith.cmpi ne, %rem3A, %ne3A_13 : i32
    %and3A = arith.andi %ne3A, %ne3A_14 : i1
    %sub3A = arith.constant 1 : i32
    %sub3A_15 = arith.subi %div3A, %sub3A : i32
    %select_n3A = arith.select %and3A, %sub3A_15, %div3A : i32
    %jit3A_16 = arith.constant 1 : i32
    %eq3A = arith.constant 0 : i32
    %eq3A_17 = arith.cmpi eq, %jit3A_16, %eq3A : i32
    %jit3A_18 = arith.constant 1 : i32
    %select_n3A_19 = arith.select %eq3A_17, %jit3A_18, %jit3A_16 : i32
    %rem3A_20 = arith.remsi %arg0, %select_n3A_19 : i32
    %ne3A_21 = arith.constant 0 : i32
    %ne3A_22 = arith.cmpi ne, %rem3A_20, %ne3A_21 : i32
    %lt3A = arith.constant 0 : i32
    %lt3A_23 = arith.cmpi slt, %rem3A_20, %lt3A : i32
    %lt3A_24 = arith.constant 0 : i32
    %lt3A_25 = arith.cmpi slt, %select_n3A_19, %lt3A_24 : i32
    %ne3A_26 = arith.xori %lt3A_23, %lt3A_25 : i1
    %and3A_27 = arith.andi %ne3A_26, %ne3A_22 : i1
    %add3A = arith.addi %rem3A_20, %select_n3A_19 : i32
    %select_n3A_28 = arith.select %and3A_27, %add3A, %rem3A_20 : i32
    %c0_i32 = arith.constant 0 : i32
    %c0_i32_29 = arith.constant 0 : i32
    return %select_n3A, %select_n3A_28, %c0_i32 : i32, i32, i32
  }
  func.func @transform_2(%arg0: i32) -> (i32, i32) {
    %jit3A = arith.constant 1 : i32
    %eq3A = arith.constant 0 : i32
    %eq3A_0 = arith.cmpi eq, %jit3A, %eq3A : i32
    %jit3A_1 = arith.constant 1 : i32
    %select_n3A = arith.select %eq3A_0, %jit3A_1, %jit3A : i32
    %rem3A = arith.remsi %arg0, %select_n3A : i32
    %ne3A = arith.constant 0 : i32
    %ne3A_2 = arith.cmpi ne, %rem3A, %ne3A : i32
    %lt3A = arith.constant 0 : i32
    %lt3A_3 = arith.cmpi slt, %rem3A, %lt3A : i32
    %lt3A_4 = arith.constant 0 : i32
    %lt3A_5 = arith.cmpi slt, %select_n3A, %lt3A_4 : i32
    %ne3A_6 = arith.xori %lt3A_3, %lt3A_5 : i1
    %and3A = arith.andi %ne3A_6, %ne3A_2 : i1
    %add3A = arith.addi %rem3A, %select_n3A : i32
    %select_n3A_7 = arith.select %and3A, %add3A, %rem3A : i32
    %add3A_8 = arith.constant 1 : i32
    %add3A_9 = arith.addi %add3A_8, %select_n3A_7 : i32
    %c0_i32 = arith.constant 0 : i32
    %c0_i32_10 = arith.constant 0 : i32
    return %add3A_9, %c0_i32 : i32, i32
  }
  func.func @transform_3(%arg0: i32) -> (i32, i32) {
    %c0_i32 = arith.constant 0 : i32
    %c0_i32_0 = arith.constant 0 : i32
    %c0_i32_1 = arith.constant 0 : i32
    return %c0_i32, %c0_i32_0 : i32, i32
  }
  func.func @transform_4(%arg0: i32) -> i32 {
    %c0_i32 = arith.constant 0 : i32
    %c0_i32_0 = arith.constant 0 : i32
    return %c0_i32 : i32
  }
  func.func @transform_5(%arg0: i32) -> i32 {
    %c0_i32 = arith.constant 0 : i32
    %c0_i32_0 = arith.constant 0 : i32
    return %c0_i32 : i32
  }
  func.func @transform_6(%arg0: i32) -> (i32, i32, i32) {
    %jit3A = arith.constant 1 : i32
    %div3A = arith.divsi %arg0, %jit3A : i32
    %sign3A = arith.constant 0 : i32
    %sign3A_0 = arith.cmpi sgt, %arg0, %sign3A : i32
    %sign3A_1 = arith.extui %sign3A_0 : i1 to i32
    %sign3A_2 = arith.constant 0 : i32
    %sign3A_3 = arith.cmpi slt, %arg0, %sign3A_2 : i32
    %sign3A_4 = arith.extui %sign3A_3 : i1 to i32
    %sign3A_5 = arith.subi %sign3A_1, %sign3A_4 : i32
    %sign3A_6 = arith.constant 0 : i32
    %sign3A_7 = arith.cmpi sgt, %jit3A, %sign3A_6 : i32
    %sign3A_8 = arith.extui %sign3A_7 : i1 to i32
    %sign3A_9 = arith.constant 0 : i32
    %sign3A_10 = arith.cmpi slt, %jit3A, %sign3A_9 : i32
    %sign3A_11 = arith.extui %sign3A_10 : i1 to i32
    %sign3A_12 = arith.subi %sign3A_8, %sign3A_11 : i32
    %ne3A = arith.cmpi ne, %sign3A_5, %sign3A_12 : i32
    %rem3A = arith.remsi %arg0, %jit3A : i32
    %ne3A_13 = arith.constant 0 : i32
    %ne3A_14 = arith.cmpi ne, %rem3A, %ne3A_13 : i32
    %and3A = arith.andi %ne3A, %ne3A_14 : i1
    %sub3A = arith.constant 1 : i32
    %sub3A_15 = arith.subi %div3A, %sub3A : i32
    %select_n3A = arith.select %and3A, %sub3A_15, %div3A : i32
    %jit3A_16 = arith.constant 1 : i32
    %eq3A = arith.constant 0 : i32
    %eq3A_17 = arith.cmpi eq, %jit3A_16, %eq3A : i32
    %jit3A_18 = arith.constant 1 : i32
    %select_n3A_19 = arith.select %eq3A_17, %jit3A_18, %jit3A_16 : i32
    %rem3A_20 = arith.remsi %arg0, %select_n3A_19 : i32
    %ne3A_21 = arith.constant 0 : i32
    %ne3A_22 = arith.cmpi ne, %rem3A_20, %ne3A_21 : i32
    %lt3A = arith.constant 0 : i32
    %lt3A_23 = arith.cmpi slt, %rem3A_20, %lt3A : i32
    %lt3A_24 = arith.constant 0 : i32
    %lt3A_25 = arith.cmpi slt, %select_n3A_19, %lt3A_24 : i32
    %ne3A_26 = arith.xori %lt3A_23, %lt3A_25 : i1
    %and3A_27 = arith.andi %ne3A_26, %ne3A_22 : i1
    %add3A = arith.addi %rem3A_20, %select_n3A_19 : i32
    %select_n3A_28 = arith.select %and3A_27, %add3A, %rem3A_20 : i32
    %add3A_29 = arith.constant 1 : i32
    %add3A_30 = arith.addi %add3A_29, %select_n3A_28 : i32
    %c0_i32 = arith.constant 0 : i32
    %c0_i32_31 = arith.constant 0 : i32
    return %select_n3A, %add3A_30, %c0_i32 : i32, i32, i32
  }
}

</mosaic_0001>

<sc_bundles>
// kernel: kernel.10.cloned.1.call-start
scs
__scs_entry_jumppad:
0x0: {  	(pc) =	sbr.rel $0x88, $3  }
0x1: {  	(tag) =	ssettag $0x0;
	lr =	simm.s32 $0x1  }
0x2: {  	[smem:$0x3F9B] =	sst lr;
	_ =	strace $0xD0000000  }
0x3: {  	_ = 	snop  }
0x4: {  	_ = 	snop  }
0x5: {  	_ = 	snop  }
0x6: {  	_ = 	snop  }
0x7: {  	_ = 	snop  }
__scs_overlays_trampoline_lowered:
0x8: {  	[smem:$0x3FAA] =	sst s0  }
0x9: {  	[smem:$0x3FAB] =	sst s1  }
0xa: {  	[smem:$0x3FAC] =	sst s2  }
0xb: {  	[smem:$0x3FAD] =	sst s3  }
0xc: {  	[smem:$0x3FAE] =	sst s4  }
0xd: {  	[smem:$0x3FAF] =	sst s5  }
0xe: {  	[smem:$0x3FB0] =	sst s6  }
0xf: {  	[smem:$0x3FB1] =	sst s7  }
0x10: {  	[smem:$0x3FB2] =	sst s8  }
0x11: {  	[smem:$0x3FB3] =	sst s9;
	s0 =	simm.s32 @!p0 $0x0  }
0x12: {  	s1 =	sld [smem:$0x3F99];
	s0 =	simm.s32 @p0 $0x1  }
0x13: {  	[smem:$0x3FB4] =	sst s0;
	s0 =	simm.s32 @!p1 $0x0  }
0x14: {  	s2 =	sld [smem:$0x3F98];
	s0 =	simm.s32 @p1 $0x1  }
0x15: {  	[smem:$0x3FB5] =	sst s0;
	s0 =	simm.s32 @!p2 $0x0  }
0x16: {  	s3 =	sld [smem:$0x3FDB];
	s0 =	simm.s32 @p2 $0x1  }
0x17: {  	s4 =	simm.s32 $0x1BF5;
	[smem:$0x3FB7] =	sst s0  }
0x18: {  	s0 =	sld [smem:$0x3F9A];
	_ =	swait.ge [sflag:s4], $0x0  }
0x19: {  	s7 =	sld [smem:$0x3F9B]  }
0x1a: {  	s8 =	sadd.s32 $0xFFFFE003, lr  }
0x1b: {  	s9 =	sadd.s32 $0xFFFFFEF7, lr;
	s5 =	simm.s32 $0xFFFFFFFF;
	p2 =	slt.u32 s8, $0xFFFFF086  }
0x1c: {  	p1 =	slt.u32 s9, $0xF7A;
	s5 =	simm.s32 @!p2 $0x0  }
0x1d: {  	s5 =	simm.s32 @p1 $0x1;
	p0 =	seq.s32 s7, s2  }
0x1e: {  	s7 =	smul.u32 @!p0 $0xF7A, s2;
	p2 =	seq.s32 @!p0 s5, $0x0  }
0x1f: {  	s9 =	smul.u32 $0xF7A, s1;
	s8 =	simm.s32 @!p0 $0x1BF5;
	p2 =	por !p2, p0  }
0x20: {  	[sflag:s8] =	ssyncset.s32 @!p0 $0xFFFFF086;
	s6 =	sadd.s32 @!p0 s3, s7;
	s7 =	simm.s32 @!p0 $0x108  }
0x21: {  	s3 =	sadd.s32 s3, s9;
	s6 =	sadd.s32 @!p0 $0x88, s6;
	s7 =	simm.s32 @p2 $0x1082  }
0x22: {  	[simem:s7], [sflag:s8] =	dma.local @!p0 [hbm:s6], $0xF7A  }
0x23: {  	s9 =	sor.u32 $0xD0000000, s2;
	s6 =	simm.s32 $0x108;
	_ =	swait.ge @!p0 [sflag:s8], $0x0  }
0x24: {  	s3 =	sadd.s32 $0x88, s3;
	s6 =	simm.s32 @!p1 $0x1082;
	[sflag:s4] =	ssyncset.s32 $0xFFFFF086  }
0x25: {  	[simem:s6], [sflag:s4] =	dma.local [hbm:s3], $0xF7A  }
0x26: {  	[smem:$0x3F9B] =	sst s1;
	(tag) =	ssettag s2;
	_ =	strace s9  }
0x27: {  	s1 =	sld [smem:$0x3FAB]  }
0x28: {  	s2 =	sld [smem:$0x3FAC]  }
0x29: {  	s4 =	sld [smem:$0x3FAE]  }
0x2a: {  	p0 =	seq.s32 s5, $0x0;
	s5 =	sld [smem:$0x3FAF]  }
0x2b: {  	s6 =	sld [smem:$0x3FB0]  }
0x2c: {  	s7 =	sld [smem:$0x3FB1]  }
0x2d: {  	s3 =	simm.s32 $0x108;
	s8 =	sld [smem:$0x3FB2]  }
0x2e: {  	s3 =	simm.s32 @!p0 $0x1082;
	s9 =	sld [smem:$0x3FB3]  }
0x2f: {  	lr =	sadd.s32 s0, s3;
	s0 =	sld [smem:$0x3FAA]  }
0x30: {  	s3 =	sld [smem:$0x3FAD]  }
0x31: {  	[smem:$0x3FB6] =	sst s10  }
0x32: {  	s10 =	sld [smem:$0x3FB4];
	_ =	sdelay $0x3  }
0x33: {  	p0 =	seq.s32 s10, $0x1;
	s10 =	sld [smem:$0x3FB6];
	_ =	sdelay $0x3  }
0x34: {  	[smem:$0x3FB6] =	sst s10  }
0x35: {  	s10 =	sld [smem:$0x3FB5];
	_ =	sdelay $0x3  }
0x36: {  	p1 =	seq.s32 s10, $0x1;
	s10 =	sld [smem:$0x3FB6];
	_ =	sdelay $0x3  }
0x37: {  	[smem:$0x3FB6] =	sst s10  }
0x38: {  	s10 =	sld [smem:$0x3FB7]  }
0x39: {  	_ = 	snop;
	(pc) =	sbr.ind lr, $3  }
0x3a: {  	_ = 	snop  }
0x3b: {  	_ = 	snop  }
0x3c: {  	p2 =	seq.s32 s10, $0x1;
	s10 =	sld [smem:$0x3FB6]  }
0x3d: {  	_ =	shalt  }
0x3e: {  	_ =	shalt  }
0x3f: {  	_ =	shalt  }
0x40: {  	_ =	shalt  }
0x41: {  	_ =	shalt  }
0x42: {  	_ =	shalt  }
0x43: {  	_ =	shalt  }
0x44: {  	_ =	shalt  }
0x45: {  	_ =	shalt  }
0x46: {  	_ =	shalt  }
0x47: {  	_ =	shalt  }
0x48: {  	_ =	shalt  }
0x49: {  	_ =	shalt  }
0x4a: {  	_ =	shalt  }
0x4b: {  	_ =	shalt  }
0x4c: {  	_ =	shalt  }
0x4d: {  	_ =	shalt  }
0x4e: {  	_ =	shalt  }
0x4f: {  	_ =	shalt  }
0x50: {  	_ =	shalt  }
0x51: {  	_ =	shalt  }
0x52: {  	_ =	shalt  }
0x53: {  	_ =	shalt  }
0x54: {  	_ =	shalt  }
0x55: {  	_ =	shalt  }
0x56: {  	_ =	shalt  }
0x57: {  	_ =	shalt  }
0x58: {  	_ =	shalt  }
0x59: {  	_ =	shalt  }
0x5a: {  	_ =	shalt  }
0x5b: {  	_ =	shalt  }
0x5c: {  	_ =	shalt  }
0x5d: {  	_ =	shalt  }
0x5e: {  	_ =	shalt  }
0x5f: {  	_ =	shalt  }
0x60: {  	_ =	shalt  }
0x61: {  	_ =	shalt  }
0x62: {  	_ =	shalt  }
0x63: {  	_ =	shalt  }
0x64: {  	_ =	shalt  }
0x65: {  	_ =	shalt  }
0x66: {  	_ =	shalt  }
0x67: {  	_ =	shalt  }
0x68: {  	_ =	shalt  }
0x69: {  	_ =	shalt  }
0x6a: {  	_ =	shalt  }
0x6b: {  	_ =	shalt  }
0x6c: {  	_ =	shalt  }
0x6d: {  	_ =	shalt  }
0x6e: {  	_ =	shalt  }
0x6f: {  	_ =	shalt  }
0x70: {  	_ =	shalt  }
0x71: {  	_ =	shalt  }
0x72: {  	_ =	shalt  }
0x73: {  	_ =	shalt  }
0x74: {  	_ =	shalt  }
0x75: {  	_ =	shalt  }
0x76: {  	_ =	shalt  }
0x77: {  	_ =	shalt  }
0x78: {  	_ =	shalt  }
0x79: {  	_ =	shalt  }
0x7a: {  	_ =	shalt  }
0x7b: {  	_ =	shalt  }
0x7c: {  	_ =	shalt  }
0x7d: {  	_ =	shalt  }
0x7e: {  	_ =	shalt  }
0x7f: {  	_ =	shalt  }
0x80: {  	_ =	shalt  }
0x81: {  	_ =	shalt  }
0x82: {  	_ =	shalt  }
0x83: {  	_ =	shalt  }
0x84: {  	_ =	shalt  }
0x85: {  	_ =	shalt  }
0x86: {  	_ =	shalt  }
0x87: {  	_ =	shalt  }
.Lfunc_end0:
.L_simem_size_0:
called_computation_lowered:
.L_overlay_start_0:
0x88: {  	s2 =	sld [smem:$0x3FD9]  }
0x89: {  	s3 =	sld [smem:$0x3FFE];
	_ =	sdelay $0x1  }
0x8a: {  	s1 =	srdreg.scid  }
0x8b: {  	s0 =	sand.u32 $0x1, s1  }
0x8c: {  	s17 =	sshll.u32 s0, $0xA;
	s2 =	sadd.s32 s3, s2  }
0x8d: {  	s2 =	sadd.s32 s2, s17  }
0x8e: {  	[smem:$0x3FC2] =	sst s2  }
0x8f: {  	_ = 	snop  }
0x90: {  	s2 =	sld [smem:$0x3FC8]  }
0x91: {  	s18 =	sld [smem:$0x3FD0];
	(tm) =	ssettm $0x1  }
0x92: {  	s4 =	sld [smem:$0x3FFB];
	_ =	sdelay $0x3  }
0x93: {  	_ =	strace s4  }
0x94: {  	s4 =	sld [smem:$0x3FFC];
	_ =	sdelay $0x3  }
0x95: {  	_ =	strace s4  }
0x96: {  	s4 =	sld [smem:$0x3FFD];
	_ =	sdelay $0x3  }
0x97: {  	_ =	strace s4  }
0x98: {  	_ =	strace $0x8FFFFFFF  }
0x99: {  	s19 =	sld [smem:$0x3FDB];
	_ =	sdelay $0x1  }
0x9a: {  	s5 =	simm.s32 $_scs_section_size  }
0x9b: {  	s6 =	simm.s32 $_size__tile_overlayer_lowered;
	s7 =	simm.s32 $_tile_overlayer_lowered  }
0x9c: {  	s22 =	simm.s32 $0x1BFF;
	s21 =	sshll.u32 s7, $0x1;
	s4 =	sadd.s32 s5, s19  }
0x9d: {  	s8 =	simm.s32 $0x0;
	s20 =	sshll.u32 s6, $0x1;
	s6 =	sadd.s32 s21, s4  }
0x9e: {  	[timem:s8], [sflag:s22] =	dma.local [hbm:s6], s20  }
0x9f: {  	_ =	swait.ge [sflag:s22], s20  }
0xa0: {  	s5 =	ssub.s32 $0x0, s20;
	[sflag:s22] =	ssyncset.done $0x0  }
0xa1: {  	[sflag:s22] =	ssyncadd.s32 s5;
	_ =	sdelay $0x1  }
0xa2: {  	s23 =	simm.s32 $0x1B8B  }
0xa3: {  	_ =	swait.ge [sflag:s23], $0x1  }
0xa4: {  	[sflag:s23] =	ssyncset.done $0x0  }
0xa5: {  	s25 =	simm.s32 $0x1B8E;
	s24 =	sld [smem:$0x3FFE];
	[sflag:s23] =	ssyncadd.s32 $0xFFFFFFFF  }
0xa6: {  	s26 =	simm.s32 $execute0_lowered;
	[smem:$0x3FD2] =	sst s25  }
0xa7: {  	s6 =	sshll.u32 s26, $0x1;
	_ =	strace $0x80000046;
	[dreg:$0x1] =	wrdreg $0xFFFFFFFF  }
0xa8: {  	s28 =	simm.s32 $_size_execute0_lowered;
	s4 =	sadd.s32 s4, s6;
	[dreg:$0x0] =	wrdreg $0x0  }
0xa9: {  	s6 =	sshll.u32 s28, $0x1;
	[dreg:$0x2] =	wrdreg s4  }
0xaa: {  	[dreg:$0x3] =	wrdreg s6  }
0xab: {  	[dreg:$0x4] =	wrdreg $0xC0  }
0xac: {  	_ =	task [dreg:s8], $0x5FFFF  }
0xad: {  	[dreg:$0x1] =	wrdreg $0xFFFFFFFF  }
0xae: {  	[dreg:$0x0] =	wrdreg $0x60  }
0xaf: {  	[dreg:$0x2] =	wrdreg s24  }
0xb0: {  	[dreg:$0x3] =	wrdreg s2  }
0xb1: {  	[dreg:$0x4] =	wrdreg s18  }
0xb2: {  	[dreg:$0x5] =	wrdreg $0x9  }
0xb3: {  	_ =	task.clear_ibuf [dreg:s8], $0x6FFFF;
	_ =	strace $0x90000046  }
0xb4: {  	s29 =	simm.s32 $0x9;
	_ =	strace $0x80000048  }
0xb5: {  	_ =	swait.ge [sflag:s29], $0x1  }
0xb6: {  	[sflag:s29] =	ssyncadd.s32 $0xFFFFFFFF  }
0xb7: {  	_ =	strace $0x90000048  }
0xb8: {  	_ =	sfence  }
0xb9: {  	s30 =	sld [smem:$0x0];
	_ =	sdelay $0x2  }
0xba: {  	s31 =	sshll.u32 s1, $0xD;
	s1 =	sshrl.u32 s1, $0x2  }
0xbb: {  	s3 =	sand.u32 $0x4000, s31;
	s1 =	sadd.s32 s1, s30  }
0xbc: {  	s0 =	sor.u32 s3, s0;
	s1 =	sshll.u32 s1, $0x11  }
0xbd: {  	s0 =	sor.u32 s1, s0  }
0xbe: {  	s0 =	sadd.s32 $0x8F2B, s0  }
0xbf: {  	[sflag:s0] =	ssyncadd.remote.s32 $0x1  }
0xc0: {  	_ =	sfence.sel $0xFFFF  }
0xc1: {  	[dreg:$0x0] =	wrdreg $0xFFFFFFFF;
	(pc) =	sbr.abs _section_cstart, $3  }
0xc2: {  	[dreg:$0x1] =	wrdreg $0xFFFFFFFF  }
0xc3: {  	_ =	task.clear_ibuf [dreg:s8], $0x2FFFF;
	_ =	strace $0x9FFFFFFF  }
0xc4: {  	(tm) =	ssettm $0x7FFFFFFF  }
0xc5: {  	_ =	shalt  }
tec
execute0_lowered:
.L_overlay_start_1:
0x0: {  	(tag) =	ssettag $0x1  }
0x1: {  	s1 =	srdreg.scid;
	s4 =	rddreg [dreg:$0x0]  }
0x2: {  	s0 =	stileid.u32;
	s2 =	rddreg [dreg:$0x1]  }
0x3: {  	s6 =	rddreg [dreg:$0x2];
	s24 =	simm.s32 $0x880;
	s8 =	simm.s32 $0x1080  }
0x4: {  	s25 =	simm.s32 $0x1880;
	s26 =	simm.s32 $0x2080;
	s9 =	simm.s32 $0x80  }
0x5: {  	s11 =	simm.s32 $0x3080;
	s12 =	simm.s32 $0x3880;
	s13 =	simm.s32 $0x4080  }
0x6: {  	s14 =	simm.s32 $0x4880;
	s15 =	simm.s32 $0x5080;
	s16 =	simm.s32 $0x5880  }
0x7: {  	s17 =	simm.s32 $0x6080;
	s18 =	simm.s32 $0x6880;
	s28 =	simm.s32 $0xB080  }
0x8: {  	s29 =	simm.s32 $0xB880;
	s1 =	sand.u32 $0x1, s1;
	s3 =	sshll.u32 s0, $0x1  }
0x9: {  	s30 =	simm.s32 $0x1;
	s5 =	sor.u32 s1, s3;
	s3 =	simm.s32 $0x0  }
0xa: {  	s31 =	simm.s32 $0x2;
	s1 =	ssub.s32 $0x2, s1;
	[smem:$0x7FF] =	sst s3  }
0xb: {  	s7 =	smul.u32 $0x3000, s5;
	_ =	strace $0x80000047;
	[dreg:$0x8] =	wrdreg s24  }
0xc: {  	s5 =	sshll.u32 s5, $0x3;
	s21 =	sshrl.u32 s1, $0x1;
	[dreg:$0x9] =	wrdreg s8  }
0xd: {  	s4 =	sadd.s32 s5, s4;
	s1 =	ssub.s32 s1, s21;
	[dreg:$0xa] =	wrdreg s25  }
0xe: {  	s8 =	simm.s32 $0x4;
	[dreg:$0xb] =	wrdreg s26;
	s21 =	simm.s32 $0x8080  }
0xf: {  	s24 =	simm.s32 $0x9880;
	s25 =	simm.s32 $0xA080;
	s26 =	simm.s32 $0xA880  }
0x10: {  	s19 =	sshrl.u32 s7, $0x3;
	s20 =	sadd.s32 $0x2A00, s4;
	s7 =	smax.u32 s1, $0x1  }
0x11: {  	s1 =	simm.s32 $0x3;
	s4 =	sadd.s32 s6, s19;
	[dreg:$0x4] =	wrdreg s20  }
0x12: {  	s6 =	sadd.s32 $0x200, s2;
	s19 =	simm.s32 $0x7080;
	s5 =	sadd.s32 $0xC000, s4  }
0x13: {  	v2 =	vlaneseq.u32;
	s20 =	simm.s32 $0x7880;
	s22 =	sadd.s32 $0x18000, s4;
	[dreg:$0x5] =	wrdreg s5  }
0x14: {  	vm0 =	vmmov $0xffff;
	v1 =	vshrl.u32 v2, $0x3;
	s23 =	sadd.s32 $0x24000, s4;
	[dreg:$0x6] =	wrdreg s22;
	s5 =	sadd.s32 $0x100, s2  }
0x15: {  	v0 =	vand.u32 $0x7, v2;
	v2 =	vor.u32 $0x8, v2;
	v1 =	vmul.u32 $0x8, v1;
	[dreg:$0x7] =	wrdreg s23;
	s22 =	simm.s32 $0x8880;
	s23 =	simm.s32 $0x9080  }
.LBB2_1:
0x16: {  	s0 =	rddreg [dreg:$0x4]  }
0x17: {  	[tilespmem:s3], [sflag:$0x4] =	stream.linear.gather [hbm4b:s0+s3], $0x40, $0x38;
	[tilespmem:$0xC080] =	vst v63  }
0x18: {  	_ =	swait.ge [sflag:s8], $0x40  }
0x19: {  	[sflag:s8] =	ssyncset.done $0x0  }
0x1a: {  	[sflag:s8] =	ssyncadd.s32 $0xFFFFFFC0  }
0x1b: {  	v3 =	vld [tilespmem:$0x0];
	_ =	sdelay $0x4  }
0x1c: {  	v4 =	vshrl.u32 v3, $0x3  }
0x1d: {  	v4 =	vmul.u32 $0x30, v4  }
0x1e: {  	v3 =	vand.u32 $0x7, v3  }
0x1f: {  	v3 =	vor.u32 v3, v4  }
0x20: {  	v4 =	vperm.xlane v3, v0;
	_ =	sdelay $0x1  }
0x21: {  	v4 =	vadd.s32 v1, v4;
	_ =	sdelay $0x3  }
0x22: {  	v3 =	vperm.xlane v3, v2  }
0x23: {  	[tilespmem:s9], [sflag:$0x1] =	stream.indirect_vreg.gather [hbm4b:s2+s3], $0x80, v4, vm0, $0xb8;
	[tilespmem:$0xC080] =	vst v63  }
0x24: {  	s0 =	rddreg [dreg:$0x8];
	v3 =	vadd.s32 v1, v3  }
0x25: {  	[tilespmem:s0], [sflag:$0x1] =	stream.indirect_vreg.gather [hbm4b:s5+s3], $0x80, v4, vm0, $0xb8;
	[tilespmem:$0xC080] =	vst v63  }
0x26: {  	s10 =	rddreg [dreg:$0x9]  }
0x27: {  	[tilespmem:s10], [sflag:$0x1] =	stream.indirect_vreg.gather [hbm4b:s6+s3], $0x80, v4, vm0, $0xb8;
	[tilespmem:$0xC080] =	vst v63  }
0x28: {  	s0 =	rddreg [dreg:$0xa]  }
0x29: {  	[tilespmem:s0], [sflag:$0x1] =	stream.indirect_vreg.gather [hbm4b:s2+s3], $0x80, v3, vm0, $0xb8;
	[tilespmem:$0xC080] =	vst v63  }
0x2a: {  	s10 =	rddreg [dreg:$0xb]  }
0x2b: {  	[tilespmem:s10], [sflag:$0x1] =	stream.indirect_vreg.gather [hbm4b:s5+s3], $0x80, v3, vm0, $0xb8;
	[tilespmem:$0xC080] =	vst v63  }
0x2c: {  	s10 =	simm.s32 $0x2880  }
0x2d: {  	[tilespmem:s10], [sflag:$0x1] =	stream.indirect_vreg.gather [hbm4b:s6+s3], $0x80, v3, vm0, $0xb8;
	[tilespmem:$0xC080] =	vst v63  }
0x2e: {  	v3 =	vld [tilespmem:$0x10];
	_ =	sdelay $0x4  }
0x2f: {  	v61 =	vshrl.u32 v3, $0x3  }
0x30: {  	v4 =	vmul.u32 $0x30, v61  }
0x31: {  	v3 =	vand.u32 $0x7, v3  }
0x32: {  	v3 =	vor.u32 v3, v4  }
0x33: {  	v4 =	vperm.xlane v3, v0;
	_ =	sdelay $0x1  }
0x34: {  	v4 =	vadd.s32 v1, v4;
	_ =	sdelay $0x3  }
0x35: {  	v3 =	vperm.xlane v3, v2  }
0x36: {  	[tilespmem:s11], [sflag:$0x1] =	stream.indirect_vreg.gather [hbm4b:s2+s3], $0x80, v4, vm0, $0xb8;
	[tilespmem:$0xC080] =	vst v63  }
0x37: {  	v3 =	vadd.s32 v1, v3  }
0x38: {  	[tilespmem:s12], [sflag:$0x1] =	stream.indirect_vreg.gather [hbm4b:s5+s3], $0x80, v4, vm0, $0xb8;
	[tilespmem:$0xC080] =	vst v63  }
0x39: {  	_ = 	snop  }
0x3a: {  	[tilespmem:s13], [sflag:$0x1] =	stream.indirect_vreg.gather [hbm4b:s6+s3], $0x80, v4, vm0, $0xb8;
	[tilespmem:$0xC080] =	vst v63  }
0x3b: {  	_ = 	snop  }
0x3c: {  	[tilespmem:s14], [sflag:$0x1] =	stream.indirect_vreg.gather [hbm4b:s2+s3], $0x80, v3, vm0, $0xb8;
	[tilespmem:$0xC080] =	vst v63  }
0x3d: {  	_ = 	snop  }
0x3e: {  	[tilespmem:s15], [sflag:$0x1] =	stream.indirect_vreg.gather [hbm4b:s5+s3], $0x80, v3, vm0, $0xb8;
	[tilespmem:$0xC080] =	vst v63  }
0x3f: {  	_ = 	snop  }
0x40: {  	[tilespmem:s16], [sflag:$0x1] =	stream.indirect_vreg.gather [hbm4b:s6+s3], $0x80, v3, vm0, $0xb8;
	[tilespmem:$0xC080] =	vst v63  }
0x41: {  	v3 =	vld [tilespmem:$0x20];
	_ =	sdelay $0x4  }
0x42: {  	v62 =	vshrl.u32 v3, $0x3  }
0x43: {  	v4 =	vmul.u32 $0x30, v62  }
0x44: {  	v3 =	vand.u32 $0x7, v3  }
0x45: {  	v3 =	vor.u32 v3, v4  }
0x46: {  	v4 =	vperm.xlane v3, v0;
	_ =	sdelay $0x1  }
0x47: {  	v4 =	vadd.s32 v1, v4;
	_ =	sdelay $0x3  }
0x48: {  	v3 =	vperm.xlane v3, v2  }
0x49: {  	[tilespmem:s17], [sflag:$0x2] =	stream.indirect_vreg.gather [hbm4b:s2+s3], $0x80, v4, vm0, $0xb8;
	[tilespmem:$0xC080] =	vst v63  }
0x4a: {  	v3 =	vadd.s32 v1, v3  }
0x4b: {  	[tilespmem:s18], [sflag:$0x2] =	stream.indirect_vreg.gather [hbm4b:s5+s3], $0x80, v4, vm0, $0xb8;
	[tilespmem:$0xC080] =	vst v63  }
0x4c: {  	_ = 	snop  }
0x4d: {  	[tilespmem:s19], [sflag:$0x2] =	stream.indirect_vreg.gather [hbm4b:s6+s3], $0x80, v4, vm0, $0xb8;
	[tilespmem:$0xC080] =	vst v63  }
0x4e: {  	_ = 	snop  }
0x4f: {  	[tilespmem:s20], [sflag:$0x2] =	stream.indirect_vreg.gather [hbm4b:s2+s3], $0x80, v3, vm0, $0xb8;
	[tilespmem:$0xC080] =	vst v63  }
0x50: {  	_ = 	snop  }
0x51: {  	[tilespmem:s21], [sflag:$0x2] =	stream.indirect_vreg.gather [hbm4b:s5+s3], $0x80, v3, vm0, $0xb8;
	[tilespmem:$0xC080] =	vst v63  }
0x52: {  	_ = 	snop  }
0x53: {  	[tilespmem:s22], [sflag:$0x2] =	stream.indirect_vreg.gather [hbm4b:s6+s3], $0x80, v3, vm0, $0xb8;
	[tilespmem:$0xC080] =	vst v63  }
0x54: {  	v3 =	vld [tilespmem:$0x30];
	_ =	sdelay $0x4  }
0x55: {  	v63 =	vshrl.u32 v3, $0x3  }
0x56: {  	v4 =	vmul.u32 $0x30, v63  }
0x57: {  	v3 =	vand.u32 $0x7, v3  }
0x58: {  	v3 =	vor.u32 v3, v4  }
0x59: {  	v4 =	vperm.xlane v3, v0;
	_ =	sdelay $0x1  }
0x5a: {  	v4 =	vadd.s32 v1, v4;
	_ =	sdelay $0x3  }
0x5b: {  	v3 =	vperm.xlane v3, v2  }
0x5c: {  	[tilespmem:s23], [sflag:$0x2] =	stream.indirect_vreg.gather [hbm4b:s2+s3], $0x80, v4, vm0, $0xb8;
	[tilespmem:$0xC080] =	vst v63  }
0x5d: {  	v3 =	vadd.s32 v1, v3  }
0x5e: {  	[tilespmem:s24], [sflag:$0x2] =	stream.indirect_vreg.gather [hbm4b:s5+s3], $0x80, v4, vm0, $0xb8;
	[tilespmem:$0xC080] =	vst v63  }
0x5f: {  	_ = 	snop  }
0x60: {  	[tilespmem:s25], [sflag:$0x2] =	stream.indirect_vreg.gather [hbm4b:s6+s3], $0x80, v4, vm0, $0xb8;
	[tilespmem:$0xC080] =	vst v63  }
0x61: {  	_ = 	snop  }
0x62: {  	[tilespmem:s26], [sflag:$0x2] =	stream.indirect_vreg.gather [hbm4b:s2+s3], $0x80, v3, vm0, $0xb8;
	[tilespmem:$0xC080] =	vst v63  }
0x63: {  	_ = 	snop  }
0x64: {  	[tilespmem:s28], [sflag:$0x2] =	stream.indirect_vreg.gather [hbm4b:s5+s3], $0x80, v3, vm0, $0xb8;
	[tilespmem:$0xC080] =	vst v63  }
0x65: {  	_ = 	snop  }
0x66: {  	[tilespmem:s29], [sflag:$0x2] =	stream.indirect_vreg.gather [hbm4b:s6+s3], $0x80, v3, vm0, $0xb8;
	[tilespmem:$0xC080] =	vst v63  }
0x67: {  	_ =	swait.ge [sflag:s30], $0x6000  }
0x68: {  	[sflag:s30] =	ssyncset.done $0x0  }
0x69: {  	[sflag:s30] =	ssyncadd.s32 $0xFFFFA000  }
0x6a: {  	[hbm4b:s4+s3] =	stream.linear.scatter [tilespmem:s9], [sflag:$0x3], $0x3000, $0x38;
	[tilespmem:$0xC080] =	vst v63  }
0x6b: {  	s10 =	rddreg [dreg:$0x5]  }
0x6c: {  	[hbm4b:s10+s3] =	stream.linear.scatter [tilespmem:s11], [sflag:$0x3], $0x3000, $0x38;
	[tilespmem:$0xC080] =	vst v63  }
0x6d: {  	_ =	swait.ge [sflag:s31], $0x6000  }
0x6e: {  	[sflag:s31] =	ssyncset.done $0x0  }
0x6f: {  	s0 =	rddreg [dreg:$0x6];
	[sflag:s31] =	ssyncadd.s32 $0xFFFFA000  }
0x70: {  	[hbm4b:s0+s3] =	stream.linear.scatter [tilespmem:s17], [sflag:$0x3], $0x3000, $0x38;
	[tilespmem:$0xC080] =	vst v63  }
0x71: {  	s10 =	rddreg [dreg:$0x7]  }
0x72: {  	[hbm4b:s10+s3] =	stream.linear.scatter [tilespmem:s23], [sflag:$0x3], $0x3000, $0x38;
	[tilespmem:$0xC080] =	vst v63  }
0x73: {  	_ =	swait.ge [sflag:s1], $0x3000  }
0x74: {  	[sflag:s1] =	ssyncset.done $0x0  }
0x75: {  	[sflag:s1] =	ssyncadd.s32 $0xFFFFD000  }
0x76: {  	_ =	swait.ge [sflag:s1], $0x3000  }
0x77: {  	[sflag:s1] =	ssyncset.done $0x0  }
0x78: {  	[sflag:s1] =	ssyncadd.s32 $0xFFFFD000  }
0x79: {  	p0 =	sne.s32 s7, $0x1;
	_ =	swait.ge [sflag:s1], $0x3000  }
.Ltmp0:
0x7a: {  	[sflag:s1] =	ssyncset.done $0x0;
	(pc) =	sbr.rel @p0 .LBB2_1-.Ltmp0, $4  }
0x7b: {  	[sflag:s1] =	ssyncadd.s32 $0xFFFFD000  }
0x7c: {  	_ =	swait.ge [sflag:s1], $0x3000  }
0x7d: {  	[sflag:s1] =	ssyncset.done $0x0  }
0x7e: {  	s7 =	sadd.s32 $0xFFFFFFFF, s7;
	[sflag:s1] =	ssyncadd.s32 $0xFFFFD000  }
0x7f: {  	_ =	sfence.sel $0x180000  }
0x80: {  	[bflag:$0x0] =	sbarrier.arrive $0xFFFF  }
0x81: {  	_ =	strace $0x90000047  }
0x82: {  	s0 =	stileid.u32;
	[bflag:$0x2] =	sbarrier.arrive $0xFFFF  }
0x83: {  	p0 =	sne.s32 s0, $0x0;
	s0 =	rddreg [dreg:$0x3]  }
0x84: {  	s0 =	sadd.s32 @!p0 $0x100000, s0  }
0x85: {  	[sflag:s0] =	ssyncadd.tile.s32 @!p0 $0x1;
	_ =	shalt  }
.Lfunc_end2:
_tile_overlayer_lowered:
.L_overlay_start_2:
0x86: {  	(tag) =	ssettag $0x2  }
0x87: {  	s0 =	rddreg [dreg:$0x0];
	s2 =	stileid.u32  }
0x88: {  	s1 =	rddreg [dreg:$0x1];
	p0 =	sne.s32 s2, $0x0  }
0x89: {  	s3 =	rddreg [dreg:$0x2];
	[bflag:$0x3] =	sbarrier.arrive $0xFFFF;
	s2 =	simm.s32 @!p0 $0x1C04  }
0x8a: {  	[timem:s3], [sflag:s2] =	dma.local @!p0 [hbm:s0], s1  }
0x8b: {  	s0 =	simm.s32 @!p0 $0x4  }
0x8c: {  	_ =	swait.ge @!p0 [sflag:s0], s1  }
0x8d: {  	s1 =	ssub.s32 @!p0 $0x0, s1;
	[sflag:s0] =	ssyncset.done @!p0 $0x0  }
0x8e: {  	[sflag:s0] =	ssyncadd.s32 @!p0 s1  }
0x8f: {  	[bflag:$0x3] =	sbarrier.arrive $0xFFFF  }
0x90: {  	_ =	shalt  }

// kernel: kernel.13.cloned.1.call-start
scs
__scs_entry_jumppad:
0x0: {  	(pc) =	sbr.rel $0x88, $3  }
0x1: {  	(tag) =	ssettag $0x0;
	lr =	simm.s32 $0x1  }
0x2: {  	[smem:$0x3F9B] =	sst lr;
	_ =	strace $0xD0000000  }
0x3: {  	_ = 	snop  }
0x4: {  	_ = 	snop  }
0x5: {  	_ = 	snop  }
0x6: {  	_ = 	snop  }
0x7: {  	_ = 	snop  }
__scs_overlays_trampoline_lowered:
0x8: {  	[smem:$0x3FAA] =	sst s0  }
0x9: {  	[smem:$0x3FAB] =	sst s1  }
0xa: {  	[smem:$0x3FAC] =	sst s2  }
0xb: {  	[smem:$0x3FAD] =	sst s3  }
0xc: {  	[smem:$0x3FAE] =	sst s4  }
0xd: {  	[smem:$0x3FAF] =	sst s5  }
0xe: {  	[smem:$0x3FB0] =	sst s6  }
0xf: {  	[smem:$0x3FB1] =	sst s7  }
0x10: {  	[smem:$0x3FB2] =	sst s8  }
0x11: {  	[smem:$0x3FB3] =	sst s9;
	s0 =	simm.s32 @!p0 $0x0  }
0x12: {  	s1 =	sld [smem:$0x3F99];
	s0 =	simm.s32 @p0 $0x1  }
0x13: {  	[smem:$0x3FB4] =	sst s0;
	s0 =	simm.s32 @!p1 $0x0  }
0x14: {  	s2 =	sld [smem:$0x3F98];
	s0 =	simm.s32 @p1 $0x1  }
0x15: {  	[smem:$0x3FB5] =	sst s0;
	s0 =	simm.s32 @!p2 $0x0  }
0x16: {  	s3 =	sld [smem:$0x3FDB];
	s0 =	simm.s32 @p2 $0x1  }
0x17: {  	s4 =	simm.s32 $0x1BF5;
	[smem:$0x3FB7] =	sst s0  }
0x18: {  	s0 =	sld [smem:$0x3F9A];
	_ =	swait.ge [sflag:s4], $0x0  }
0x19: {  	s7 =	sld [smem:$0x3F9B]  }
0x1a: {  	s8 =	sadd.s32 $0xFFFFE003, lr  }
0x1b: {  	s9 =	sadd.s32 $0xFFFFFEF7, lr;
	s5 =	simm.s32 $0xFFFFFFFF;
	p2 =	slt.u32 s8, $0xFFFFF086  }
0x1c: {  	p1 =	slt.u32 s9, $0xF7A;
	s5 =	simm.s32 @!p2 $0x0  }
0x1d: {  	s5 =	simm.s32 @p1 $0x1;
	p0 =	seq.s32 s7, s2  }
0x1e: {  	s7 =	smul.u32 @!p0 $0xF7A, s2;
	p2 =	seq.s32 @!p0 s5, $0x0  }
0x1f: {  	s9 =	smul.u32 $0xF7A, s1;
	s8 =	simm.s32 @!p0 $0x1BF5;
	p2 =	por !p2, p0  }
0x20: {  	[sflag:s8] =	ssyncset.s32 @!p0 $0xFFFFF086;
	s6 =	sadd.s32 @!p0 s3, s7;
	s7 =	simm.s32 @!p0 $0x108  }
0x21: {  	s3 =	sadd.s32 s3, s9;
	s6 =	sadd.s32 @!p0 $0x88, s6;
	s7 =	simm.s32 @p2 $0x1082  }
0x22: {  	[simem:s7], [sflag:s8] =	dma.local @!p0 [hbm:s6], $0xF7A  }
0x23: {  	s9 =	sor.u32 $0xD0000000, s2;
	s6 =	simm.s32 $0x108;
	_ =	swait.ge @!p0 [sflag:s8], $0x0  }
0x24: {  	s3 =	sadd.s32 $0x88, s3;
	s6 =	simm.s32 @!p1 $0x1082;
	[sflag:s4] =	ssyncset.s32 $0xFFFFF086  }
0x25: {  	[simem:s6], [sflag:s4] =	dma.local [hbm:s3], $0xF7A  }
0x26: {  	[smem:$0x3F9B] =	sst s1;
	(tag) =	ssettag s2;
	_ =	strace s9  }
0x27: {  	s1 =	sld [smem:$0x3FAB]  }
0x28: {  	s2 =	sld [smem:$0x3FAC]  }
0x29: {  	s4 =	sld [smem:$0x3FAE]  }
0x2a: {  	p0 =	seq.s32 s5, $0x0;
	s5 =	sld [smem:$0x3FAF]  }
0x2b: {  	s6 =	sld [smem:$0x3FB0]  }
0x2c: {  	s7 =	sld [smem:$0x3FB1]  }
0x2d: {  	s3 =	simm.s32 $0x108;
	s8 =	sld [smem:$0x3FB2]  }
0x2e: {  	s3 =	simm.s32 @!p0 $0x1082;
	s9 =	sld [smem:$0x3FB3]  }
0x2f: {  	lr =	sadd.s32 s0, s3;
	s0 =	sld [smem:$0x3FAA]  }
0x30: {  	s3 =	sld [smem:$0x3FAD]  }
0x31: {  	[smem:$0x3FB6] =	sst s10  }
0x32: {  	s10 =	sld [smem:$0x3FB4];
	_ =	sdelay $0x3  }
0x33: {  	p0 =	seq.s32 s10, $0x1;
	s10 =	sld [smem:$0x3FB6];
	_ =	sdelay $0x3  }
0x34: {  	[smem:$0x3FB6] =	sst s10  }
0x35: {  	s10 =	sld [smem:$0x3FB5];
	_ =	sdelay $0x3  }
0x36: {  	p1 =	seq.s32 s10, $0x1;
	s10 =	sld [smem:$0x3FB6];
	_ =	sdelay $0x3  }
0x37: {  	[smem:$0x3FB6] =	sst s10  }
0x38: {  	s10 =	sld [smem:$0x3FB7]  }
0x39: {  	_ = 	snop;
	(pc) =	sbr.ind lr, $3  }
0x3a: {  	_ = 	snop  }
0x3b: {  	_ = 	snop  }
0x3c: {  	p2 =	seq.s32 s10, $0x1;
	s10 =	sld [smem:$0x3FB6]  }
0x3d: {  	_ =	shalt  }
0x3e: {  	_ =	shalt  }
0x3f: {  	_ =	shalt  }
0x40: {  	_ =	shalt  }
0x41: {  	_ =	shalt  }
0x42: {  	_ =	shalt  }
0x43: {  	_ =	shalt  }
0x44: {  	_ =	shalt  }
0x45: {  	_ =	shalt  }
0x46: {  	_ =	shalt  }
0x47: {  	_ =	shalt  }
0x48: {  	_ =	shalt  }
0x49: {  	_ =	shalt  }
0x4a: {  	_ =	shalt  }
0x4b: {  	_ =	shalt  }
0x4c: {  	_ =	shalt  }
0x4d: {  	_ =	shalt  }
0x4e: {  	_ =	shalt  }
0x4f: {  	_ =	shalt  }
0x50: {  	_ =	shalt  }
0x51: {  	_ =	shalt  }
0x52: {  	_ =	shalt  }
0x53: {  	_ =	shalt  }
0x54: {  	_ =	shalt  }
0x55: {  	_ =	shalt  }
0x56: {  	_ =	shalt  }
0x57: {  	_ =	shalt  }
0x58: {  	_ =	shalt  }
0x59: {  	_ =	shalt  }
0x5a: {  	_ =	shalt  }
0x5b: {  	_ =	shalt  }
0x5c: {  	_ =	shalt  }
0x5d: {  	_ =	shalt  }
0x5e: {  	_ =	shalt  }
0x5f: {  	_ =	shalt  }
0x60: {  	_ =	shalt  }
0x61: {  	_ =	shalt  }
0x62: {  	_ =	shalt  }
0x63: {  	_ =	shalt  }
0x64: {  	_ =	shalt  }
0x65: {  	_ =	shalt  }
0x66: {  	_ =	shalt  }
0x67: {  	_ =	shalt  }
0x68: {  	_ =	shalt  }
0x69: {  	_ =	shalt  }
0x6a: {  	_ =	shalt  }
0x6b: {  	_ =	shalt  }
0x6c: {  	_ =	shalt  }
0x6d: {  	_ =	shalt  }
0x6e: {  	_ =	shalt  }
0x6f: {  	_ =	shalt  }
0x70: {  	_ =	shalt  }
0x71: {  	_ =	shalt  }
0x72: {  	_ =	shalt  }
0x73: {  	_ =	shalt  }
0x74: {  	_ =	shalt  }
0x75: {  	_ =	shalt  }
0x76: {  	_ =	shalt  }
0x77: {  	_ =	shalt  }
0x78: {  	_ =	shalt  }
0x79: {  	_ =	shalt  }
0x7a: {  	_ =	shalt  }
0x7b: {  	_ =	shalt  }
0x7c: {  	_ =	shalt  }
0x7d: {  	_ =	shalt  }
0x7e: {  	_ =	shalt  }
0x7f: {  	_ =	shalt  }
0x80: {  	_ =	shalt  }
0x81: {  	_ =	shalt  }
0x82: {  	_ =	shalt  }
0x83: {  	_ =	shalt  }
0x84: {  	_ =	shalt  }
0x85: {  	_ =	shalt  }
0x86: {  	_ =	shalt  }
0x87: {  	_ =	shalt  }
.Lfunc_end0:
.L_simem_size_0:
called_computation.1_lowered:
.L_overlay_start_0:
0x88: {  	s2 =	sld [smem:$0x3FD9]  }
0x89: {  	s3 =	sld [smem:$0x3FFE];
	_ =	sdelay $0x1  }
0x8a: {  	s1 =	srdreg.scid  }
0x8b: {  	s0 =	sand.u32 $0x1, s1  }
0x8c: {  	s17 =	sshll.u32 s0, $0xA;
	s2 =	sadd.s32 s3, s2  }
0x8d: {  	s2 =	sadd.s32 s2, s17  }
0x8e: {  	[smem:$0x3FC2] =	sst s2  }
0x8f: {  	_ = 	snop  }
0x90: {  	s18 =	sld [smem:$0x3FC8];
	(tm) =	ssettm $0x1  }
0x91: {  	s19 =	sld [smem:$0x3FFB];
	_ =	sdelay $0x3  }
0x92: {  	_ =	strace s19  }
0x93: {  	s2 =	sld [smem:$0x3FFC];
	_ =	sdelay $0x3  }
0x94: {  	_ =	strace s2  }
0x95: {  	s2 =	sld [smem:$0x3FFD];
	_ =	sdelay $0x3  }
0x96: {  	_ =	strace s2  }
0x97: {  	_ =	strace $0x8FFFFFFF  }
0x98: {  	s20 =	sld [smem:$0x3FDB];
	_ =	sdelay $0x1  }
0x99: {  	s4 =	simm.s32 $_scs_section_size  }
0x9a: {  	s5 =	simm.s32 $_size__tile_overlayer_lowered;
	s6 =	simm.s32 $_tile_overlayer_lowered  }
0x9b: {  	s7 =	simm.s32 $0x1BFF;
	s21 =	sshll.u32 s6, $0x1;
	s4 =	sadd.s32 s4, s20  }
0x9c: {  	s22 =	simm.s32 $0x0;
	s5 =	sshll.u32 s5, $0x1;
	s6 =	sadd.s32 s21, s4  }
0x9d: {  	[timem:s22], [sflag:s7] =	dma.local [hbm:s6], s5  }
0x9e: {  	_ =	swait.ge [sflag:s7], s5  }
0x9f: {  	s5 =	ssub.s32 $0x0, s5;
	[sflag:s7] =	ssyncset.done $0x0  }
0xa0: {  	[sflag:s7] =	ssyncadd.s32 s5;
	_ =	sdelay $0x1  }
0xa1: {  	s23 =	simm.s32 $0x1B8B  }
0xa2: {  	_ =	swait.ge [sflag:s23], $0x1  }
0xa3: {  	[sflag:s23] =	ssyncset.done $0x0  }
0xa4: {  	[sflag:s23] =	ssyncadd.s32 $0xFFFFFFFF  }
0xa5: {  	s5 =	sld [smem:$0x0]  }
0xa6: {  	s6 =	sand.u32 $0xFFFFFFFE, s1  }
0xa7: {  	p0 =	sne.s32 s1, s6  }
0xa8: {  	s6 =	sshll.u32 @p0 s6, $0xE  }
0xa9: {  	s6 =	sadd.s32 @p0 $0x11B8D, s6;
	s7 =	sshll.u32 @p0 s5, $0x11  }
0xaa: {  	s6 =	sor.u32 @p0 s7, s6  }
0xab: {  	[sflag:s6] =	ssyncadd.remote.s32 @p0 $0x1;
	_ =	sdelay $0x1  }
0xac: {  	s6 =	simm.s32 @p0 $0x1B8D  }
0xad: {  	_ =	swait.eq @p0 [sflag:s6], $0x1  }
0xae: {  	[sflag:s6] =	ssyncadd.s32 @p0 $0xFFFFFFFF  }
0xaf: {  	s7 =	sshll.u32 @!p0 s1, $0xE  }
0xb0: {  	s7 =	sor.u32 @!p0 $0x4000, s7;
	s6 =	simm.s32 @!p0 $0x1B8D  }
0xb1: {  	s5 =	sshll.u32 @!p0 s5, $0x11;
	s7 =	sadd.s32 @!p0 $0x11B8D, s7;
	_ =	swait.eq @!p0 [sflag:s6], $0x1  }
0xb2: {  	s5 =	sor.u32 @!p0 s5, s7;
	[sflag:s6] =	ssyncadd.s32 @!p0 $0xFFFFFFFF  }
0xb3: {  	s25 =	simm.s32 $0x1B8E;
	s24 =	sld [smem:$0x3FFE];
	[sflag:s5] =	ssyncadd.remote.s32 @!p0 $0x1  }
0xb4: {  	s26 =	simm.s32 $execute0_lowered;
	[smem:$0x3FD2] =	sst s25  }
0xb5: {  	s6 =	sshll.u32 s26, $0x1;
	_ =	strace $0x80000049;
	[dreg:$0x1] =	wrdreg $0xFFFFFFFF  }
0xb6: {  	s28 =	simm.s32 $_size_execute0_lowered;
	s4 =	sadd.s32 s4, s6;
	[dreg:$0x0] =	wrdreg $0x0  }
0xb7: {  	s6 =	sshll.u32 s28, $0x1;
	[dreg:$0x2] =	wrdreg s4  }
0xb8: {  	[dreg:$0x3] =	wrdreg s6  }
0xb9: {  	[dreg:$0x4] =	wrdreg $0xC0  }
0xba: {  	_ =	task [dreg:s22], $0x5FFFF  }
0xbb: {  	[dreg:$0x1] =	wrdreg $0xFFFFFFFF  }
0xbc: {  	[dreg:$0x0] =	wrdreg $0x60  }
0xbd: {  	[dreg:$0x2] =	wrdreg s24  }
0xbe: {  	[dreg:$0x3] =	wrdreg s18  }
0xbf: {  	[dreg:$0x4] =	wrdreg $0xA  }
0xc0: {  	_ =	task.clear_ibuf [dreg:s22], $0x5FFFF;
	_ =	strace $0x90000049  }
0xc1: {  	s29 =	simm.s32 $0xA;
	_ =	strace $0x8000004B  }
0xc2: {  	_ =	swait.ge [sflag:s29], $0x1  }
0xc3: {  	[sflag:s29] =	ssyncadd.s32 $0xFFFFFFFF  }
0xc4: {  	_ =	strace $0x9000004B  }
0xc5: {  	_ =	sfence  }
0xc6: {  	s30 =	sld [smem:$0x0];
	_ =	sdelay $0x2  }
0xc7: {  	s31 =	sshll.u32 s1, $0xD;
	s1 =	sshrl.u32 s1, $0x2  }
0xc8: {  	s4 =	sand.u32 $0x4000, s31;
	s1 =	sadd.s32 s1, s30  }
0xc9: {  	s0 =	sor.u32 s4, s0;
	s1 =	sshll.u32 s1, $0x11  }
0xca: {  	s0 =	sor.u32 s1, s0  }
0xcb: {  	s0 =	sadd.s32 $0x8F2B, s0  }
0xcc: {  	[sflag:s0] =	ssyncadd.remote.s32 $0x1  }
0xcd: {  	_ =	sfence.sel $0xFFFF  }
0xce: {  	[dreg:$0x0] =	wrdreg $0xFFFFFFFF;
	(pc) =	sbr.abs _section_cstart, $3  }
0xcf: {  	[dreg:$0x1] =	wrdreg $0xFFFFFFFF  }
0xd0: {  	_ =	task.clear_ibuf [dreg:s22], $0x2FFFF;
	_ =	strace $0x9FFFFFFF  }
0xd1: {  	(tm) =	ssettm $0x7FFFFFFF  }
tec
execute0_lowered:
.L_overlay_start_1:
0x0: {  	(tag) =	ssettag $0x1  }
0x1: {  	s1 =	srdreg.scid;
	s4 =	rddreg [dreg:$0x0]  }
0x2: {  	s0 =	stileid.u32;
	s2 =	rddreg [dreg:$0x1]  }
0x3: {  	s24 =	simm.s32 $0x880;
	s25 =	simm.s32 $0x1080;
	s8 =	simm.s32 $0x80  }
0x4: {  	s26 =	simm.s32 $0x1880;
	s10 =	simm.s32 $0x2880;
	s11 =	simm.s32 $0x3080  }
0x5: {  	s12 =	simm.s32 $0x3880;
	s13 =	simm.s32 $0x4080;
	s14 =	simm.s32 $0x4880  }
0x6: {  	s15 =	simm.s32 $0x5080;
	s16 =	simm.s32 $0x5880;
	s17 =	simm.s32 $0x6080  }
0x7: {  	s18 =	simm.s32 $0x6880;
	s19 =	simm.s32 $0x7080;
	s28 =	simm.s32 $0xB080  }
0x8: {  	s29 =	simm.s32 $0xB880;
	s1 =	sand.u32 $0x1, s1;
	s3 =	sshll.u32 s0, $0x1  }
0x9: {  	s30 =	simm.s32 $0x1;
	s5 =	sor.u32 s1, s3;
	s3 =	simm.s32 $0x0  }
0xa: {  	s31 =	simm.s32 $0x2;
	s1 =	ssub.s32 $0x2, s1;
	[smem:$0x7FF] =	sst s3  }
0xb: {  	s6 =	smul.u32 $0x3000, s5;
	_ =	strace $0x8000004A;
	[dreg:$0x8] =	wrdreg s24  }
0xc: {  	s5 =	sshll.u32 s5, $0x3;
	s21 =	sshrl.u32 s1, $0x1;
	[dreg:$0x9] =	wrdreg s25  }
0xd: {  	s5 =	sadd.s32 s5, s4;
	s1 =	ssub.s32 s1, s21;
	[dreg:$0xa] =	wrdreg s26  }
0xe: {  	s21 =	simm.s32 $0x8080;
	s24 =	simm.s32 $0x9880;
	s6 =	sshrl.u32 s6, $0x3  }
0xf: {  	s25 =	simm.s32 $0xA080;
	s20 =	sadd.s32 $0x2C00, s5;
	s6 =	sadd.s32 s6, s4  }
0x10: {  	s26 =	simm.s32 $0xA880;
	[dreg:$0x3] =	wrdreg s20;
	s22 =	sadd.s32 $0x2E00, s6  }
0x11: {  	s5 =	sadd.s32 $0x200, s2;
	s23 =	sadd.s32 $0xEE00, s6;
	[dreg:$0x4] =	wrdreg s22  }
0x12: {  	s4 =	sadd.s32 $0x100, s2;
	s7 =	sadd.s32 $0x1AE00, s6;
	[dreg:$0x5] =	wrdreg s23  }
0x13: {  	v2 =	vlaneseq.u32;
	s20 =	simm.s32 $0x7880;
	s6 =	sadd.s32 $0x26E00, s6;
	[dreg:$0x6] =	wrdreg s7  }
0x14: {  	vm0 =	vmmov $0xffff;
	v1 =	vshrl.u32 v2, $0x3;
	[dreg:$0x7] =	wrdreg s6;
	s6 =	smax.u32 s1, $0x1;
	s7 =	simm.s32 $0x4  }
0x15: {  	v0 =	vand.u32 $0x7, v2;
	v2 =	vor.u32 $0x8, v2;
	v1 =	vmul.u32 $0x8, v1;
	s22 =	simm.s32 $0x8880;
	s23 =	simm.s32 $0x9080;
	s1 =	simm.s32 $0x3  }
.LBB2_1:
0x16: {  	s0 =	rddreg [dreg:$0x3]  }
0x17: {  	[tilespmem:s3], [sflag:$0x4] =	stream.linear.gather [hbm4b:s0+s3], $0x40, $0x38;
	[tilespmem:$0xC080] =	vst v63  }
0x18: {  	_ =	swait.ge [sflag:s7], $0x40  }
0x19: {  	[sflag:s7] =	ssyncset.done $0x0  }
0x1a: {  	[sflag:s7] =	ssyncadd.s32 $0xFFFFFFC0  }
0x1b: {  	v3 =	vld [tilespmem:$0x0];
	_ =	sdelay $0x4  }
0x1c: {  	v4 =	vshrl.u32 v3, $0x3  }
0x1d: {  	v4 =	vmul.u32 $0x30, v4  }
0x1e: {  	v3 =	vand.u32 $0x7, v3  }
0x1f: {  	v3 =	vor.u32 v3, v4  }
0x20: {  	v4 =	vperm.xlane v3, v0;
	_ =	sdelay $0x1  }
0x21: {  	v4 =	vadd.s32 v1, v4;
	_ =	sdelay $0x3  }
0x22: {  	v3 =	vperm.xlane v3, v2  }
0x23: {  	[tilespmem:s8], [sflag:$0x1] =	stream.indirect_vreg.gather [hbm4b:s2+s3], $0x80, v4, vm0, $0xb8;
	[tilespmem:$0xC080] =	vst v63  }
0x24: {  	s0 =	rddreg [dreg:$0x8];
	v3 =	vadd.s32 v1, v3  }
0x25: {  	[tilespmem:s0], [sflag:$0x1] =	stream.indirect_vreg.gather [hbm4b:s4+s3], $0x80, v4, vm0, $0xb8;
	[tilespmem:$0xC080] =	vst v63  }
0x26: {  	s9 =	rddreg [dreg:$0x9]  }
0x27: {  	[tilespmem:s9], [sflag:$0x1] =	stream.indirect_vreg.gather [hbm4b:s5+s3], $0x80, v4, vm0, $0xb8;
	[tilespmem:$0xC080] =	vst v63  }
0x28: {  	s0 =	rddreg [dreg:$0xa]  }
0x29: {  	[tilespmem:s0], [sflag:$0x1] =	stream.indirect_vreg.gather [hbm4b:s2+s3], $0x80, v3, vm0, $0xb8;
	[tilespmem:$0xC080] =	vst v63  }
0x2a: {  	s9 =	simm.s32 $0x2080  }
0x2b: {  	[tilespmem:s9], [sflag:$0x1] =	stream.indirect_vreg.gather [hbm4b:s4+s3], $0x80, v3, vm0, $0xb8;
	[tilespmem:$0xC080] =	vst v63  }
0x2c: {  	_ = 	snop  }
0x2d: {  	[tilespmem:s10], [sflag:$0x1] =	stream.indirect_vreg.gather [hbm4b:s5+s3], $0x80, v3, vm0, $0xb8;
	[tilespmem:$0xC080] =	vst v63  }
0x2e: {  	v3 =	vld [tilespmem:$0x10];
	_ =	sdelay $0x4  }
0x2f: {  	v61 =	vshrl.u32 v3, $0x3  }
0x30: {  	v4 =	vmul.u32 $0x30, v61  }
0x31: {  	v3 =	vand.u32 $0x7, v3  }
0x32: {  	v3 =	vor.u32 v3, v4  }
0x33: {  	v4 =	vperm.xlane v3, v0;
	_ =	sdelay $0x1  }
0x34: {  	v4 =	vadd.s32 v1, v4;
	_ =	sdelay $0x3  }
0x35: {  	v3 =	vperm.xlane v3, v2  }
0x36: {  	[tilespmem:s11], [sflag:$0x1] =	stream.indirect_vreg.gather [hbm4b:s2+s3], $0x80, v4, vm0, $0xb8;
	[tilespmem:$0xC080] =	vst v63  }
0x37: {  	v3 =	vadd.s32 v1, v3  }
0x38: {  	[tilespmem:s12], [sflag:$0x1] =	stream.indirect_vreg.gather [hbm4b:s4+s3], $0x80, v4, vm0, $0xb8;
	[tilespmem:$0xC080] =	vst v63  }
0x39: {  	_ = 	snop  }
0x3a: {  	[tilespmem:s13], [sflag:$0x1] =	stream.indirect_vreg.gather [hbm4b:s5+s3], $0x80, v4, vm0, $0xb8;
	[tilespmem:$0xC080] =	vst v63  }
0x3b: {  	_ = 	snop  }
0x3c: {  	[tilespmem:s14], [sflag:$0x1] =	stream.indirect_vreg.gather [hbm4b:s2+s3], $0x80, v3, vm0, $0xb8;
	[tilespmem:$0xC080] =	vst v63  }
0x3d: {  	_ = 	snop  }
0x3e: {  	[tilespmem:s15], [sflag:$0x1] =	stream.indirect_vreg.gather [hbm4b:s4+s3], $0x80, v3, vm0, $0xb8;
	[tilespmem:$0xC080] =	vst v63  }
0x3f: {  	_ = 	snop  }
0x40: {  	[tilespmem:s16], [sflag:$0x1] =	stream.indirect_vreg.gather [hbm4b:s5+s3], $0x80, v3, vm0, $0xb8;
	[tilespmem:$0xC080] =	vst v63  }
0x41: {  	v3 =	vld [tilespmem:$0x20];
	_ =	sdelay $0x4  }
0x42: {  	v62 =	vshrl.u32 v3, $0x3  }
0x43: {  	v4 =	vmul.u32 $0x30, v62  }
0x44: {  	v3 =	vand.u32 $0x7, v3  }
0x45: {  	v3 =	vor.u32 v3, v4  }
0x46: {  	v4 =	vperm.xlane v3, v0;
	_ =	sdelay $0x1  }
0x47: {  	v4 =	vadd.s32 v1, v4;
	_ =	sdelay $0x3  }
0x48: {  	v3 =	vperm.xlane v3, v2  }
0x49: {  	[tilespmem:s17], [sflag:$0x2] =	stream.indirect_vreg.gather [hbm4b:s2+s3], $0x80, v4, vm0, $0xb8;
	[tilespmem:$0xC080] =	vst v63  }
0x4a: {  	v3 =	vadd.s32 v1, v3  }
0x4b: {  	[tilespmem:s18], [sflag:$0x2] =	stream.indirect_vreg.gather [hbm4b:s4+s3], $0x80, v4, vm0, $0xb8;
	[tilespmem:$0xC080] =	vst v63  }
0x4c: {  	_ = 	snop  }
0x4d: {  	[tilespmem:s19], [sflag:$0x2] =	stream.indirect_vreg.gather [hbm4b:s5+s3], $0x80, v4, vm0, $0xb8;
	[tilespmem:$0xC080] =	vst v63  }
0x4e: {  	_ = 	snop  }
0x4f: {  	[tilespmem:s20], [sflag:$0x2] =	stream.indirect_vreg.gather [hbm4b:s2+s3], $0x80, v3, vm0, $0xb8;
	[tilespmem:$0xC080] =	vst v63  }
0x50: {  	_ = 	snop  }
0x51: {  	[tilespmem:s21], [sflag:$0x2] =	stream.indirect_vreg.gather [hbm4b:s4+s3], $0x80, v3, vm0, $0xb8;
	[tilespmem:$0xC080] =	vst v63  }
0x52: {  	_ = 	snop  }
0x53: {  	[tilespmem:s22], [sflag:$0x2] =	stream.indirect_vreg.gather [hbm4b:s5+s3], $0x80, v3, vm0, $0xb8;
	[tilespmem:$0xC080] =	vst v63  }
0x54: {  	v3 =	vld [tilespmem:$0x30];
	_ =	sdelay $0x4  }
0x55: {  	v63 =	vshrl.u32 v3, $0x3  }
0x56: {  	v4 =	vmul.u32 $0x30, v63  }
0x57: {  	v3 =	vand.u32 $0x7, v3  }
0x58: {  	v3 =	vor.u32 v3, v4  }
0x59: {  	v4 =	vperm.xlane v3, v0;
	_ =	sdelay $0x1  }
0x5a: {  	v4 =	vadd.s32 v1, v4;
	_ =	sdelay $0x3  }
0x5b: {  	v3 =	vperm.xlane v3, v2  }
0x5c: {  	[tilespmem:s23], [sflag:$0x2] =	stream.indirect_vreg.gather [hbm4b:s2+s3], $0x80, v4, vm0, $0xb8;
	[tilespmem:$0xC080] =	vst v63  }
0x5d: {  	v3 =	vadd.s32 v1, v3  }
0x5e: {  	[tilespmem:s24], [sflag:$0x2] =	stream.indirect_vreg.gather [hbm4b:s4+s3], $0x80, v4, vm0, $0xb8;
	[tilespmem:$0xC080] =	vst v63  }
0x5f: {  	_ = 	snop  }
0x60: {  	[tilespmem:s25], [sflag:$0x2] =	stream.indirect_vreg.gather [hbm4b:s5+s3], $0x80, v4, vm0, $0xb8;
	[tilespmem:$0xC080] =	vst v63  }
0x61: {  	_ = 	snop  }
0x62: {  	[tilespmem:s26], [sflag:$0x2] =	stream.indirect_vreg.gather [hbm4b:s2+s3], $0x80, v3, vm0, $0xb8;
	[tilespmem:$0xC080] =	vst v63  }
0x63: {  	_ = 	snop  }
0x64: {  	[tilespmem:s28], [sflag:$0x2] =	stream.indirect_vreg.gather [hbm4b:s4+s3], $0x80, v3, vm0, $0xb8;
	[tilespmem:$0xC080] =	vst v63  }
0x65: {  	_ = 	snop  }
0x66: {  	[tilespmem:s29], [sflag:$0x2] =	stream.indirect_vreg.gather [hbm4b:s5+s3], $0x80, v3, vm0, $0xb8;
	[tilespmem:$0xC080] =	vst v63  }
0x67: {  	_ =	swait.ge [sflag:s30], $0x6000  }
0x68: {  	[sflag:s30] =	ssyncset.done $0x0  }
0x69: {  	s0 =	rddreg [dreg:$0x4];
	[sflag:s30] =	ssyncadd.s32 $0xFFFFA000  }
0x6a: {  	[hbm4b:s0+s3] =	stream.linear.scatter [tilespmem:s8], [sflag:$0x3], $0x3000, $0x38;
	[tilespmem:$0xC080] =	vst v63  }
0x6b: {  	s9 =	rddreg [dreg:$0x5]  }
0x6c: {  	[hbm4b:s9+s3] =	stream.linear.scatter [tilespmem:s11], [sflag:$0x3], $0x3000, $0x38;
	[tilespmem:$0xC080] =	vst v63  }
0x6d: {  	_ =	swait.ge [sflag:s31], $0x6000  }
0x6e: {  	[sflag:s31] =	ssyncset.done $0x0  }
0x6f: {  	s0 =	rddreg [dreg:$0x6];
	[sflag:s31] =	ssyncadd.s32 $0xFFFFA000  }
0x70: {  	[hbm4b:s0+s3] =	stream.linear.scatter [tilespmem:s17], [sflag:$0x3], $0x3000, $0x38;
	[tilespmem:$0xC080] =	vst v63  }
0x71: {  	s9 =	rddreg [dreg:$0x7]  }
0x72: {  	[hbm4b:s9+s3] =	stream.linear.scatter [tilespmem:s23], [sflag:$0x3], $0x3000, $0x38;
	[tilespmem:$0xC080] =	vst v63  }
0x73: {  	_ =	swait.ge [sflag:s1], $0x3000  }
0x74: {  	[sflag:s1] =	ssyncset.done $0x0  }
0x75: {  	[sflag:s1] =	ssyncadd.s32 $0xFFFFD000  }
0x76: {  	_ =	swait.ge [sflag:s1], $0x3000  }
0x77: {  	[sflag:s1] =	ssyncset.done $0x0  }
0x78: {  	[sflag:s1] =	ssyncadd.s32 $0xFFFFD000  }
0x79: {  	p0 =	sne.s32 s6, $0x1;
	_ =	swait.ge [sflag:s1], $0x3000  }
.Ltmp0:
0x7a: {  	[sflag:s1] =	ssyncset.done $0x0;
	(pc) =	sbr.rel @p0 .LBB2_1-.Ltmp0, $4  }
0x7b: {  	[sflag:s1] =	ssyncadd.s32 $0xFFFFD000  }
0x7c: {  	_ =	swait.ge [sflag:s1], $0x3000  }
0x7d: {  	[sflag:s1] =	ssyncset.done $0x0  }
0x7e: {  	s6 =	sadd.s32 $0xFFFFFFFF, s6;
	[sflag:s1] =	ssyncadd.s32 $0xFFFFD000  }
0x7f: {  	_ =	sfence.sel $0x180000  }
0x80: {  	[bflag:$0x0] =	sbarrier.arrive $0xFFFF  }
0x81: {  	_ =	strace $0x9000004A  }
0x82: {  	s0 =	stileid.u32;
	[bflag:$0x2] =	sbarrier.arrive $0xFFFF  }
0x83: {  	p0 =	sne.s32 s0, $0x0;
	s0 =	rddreg [dreg:$0x2]  }
0x84: {  	s0 =	sadd.s32 @!p0 $0x100000, s0  }
0x85: {  	[sflag:s0] =	ssyncadd.tile.s32 @!p0 $0x1;
	_ =	shalt  }
.Lfunc_end2:
_tile_overlayer_lowered:
.L_overlay_start_2:
0x86: {  	(tag) =	ssettag $0x2  }
0x87: {  	s0 =	rddreg [dreg:$0x0];
	s2 =	stileid.u32  }
0x88: {  	s1 =	rddreg [dreg:$0x1];
	p0 =	sne.s32 s2, $0x0  }
0x89: {  	s3 =	rddreg [dreg:$0x2];
	[bflag:$0x3] =	sbarrier.arrive $0xFFFF;
	s2 =	simm.s32 @!p0 $0x1C04  }
0x8a: {  	[timem:s3], [sflag:s2] =	dma.local @!p0 [hbm:s0], s1  }
0x8b: {  	s0 =	simm.s32 @!p0 $0x4  }
0x8c: {  	_ =	swait.ge @!p0 [sflag:s0], s1  }
0x8d: {  	s1 =	ssub.s32 @!p0 $0x0, s1;
	[sflag:s0] =	ssyncset.done @!p0 $0x0  }
0x8e: {  	[sflag:s0] =	ssyncadd.s32 @!p0 s1  }
0x8f: {  	[bflag:$0x3] =	sbarrier.arrive $0xFFFF  }
0x90: {  	_ =	shalt  }

// kernel: kernel.16.cloned.1.call-start
scs
__scs_entry_jumppad:
0x0: {  	(pc) =	sbr.rel $0x88, $3  }
0x1: {  	(tag) =	ssettag $0x0;
	lr =	simm.s32 $0x1  }
0x2: {  	[smem:$0x3F9B] =	sst lr;
	_ =	strace $0xD0000000  }
0x3: {  	_ = 	snop  }
0x4: {  	_ = 	snop  }
0x5: {  	_ = 	snop  }
0x6: {  	_ = 	snop  }
0x7: {  	_ = 	snop  }
__scs_overlays_trampoline_lowered:
0x8: {  	[smem:$0x3FAA] =	sst s0  }
0x9: {  	[smem:$0x3FAB] =	sst s1  }
0xa: {  	[smem:$0x3FAC] =	sst s2  }
0xb: {  	[smem:$0x3FAD] =	sst s3  }
0xc: {  	[smem:$0x3FAE] =	sst s4  }
0xd: {  	[smem:$0x3FAF] =	sst s5  }
0xe: {  	[smem:$0x3FB0] =	sst s6  }
0xf: {  	[smem:$0x3FB1] =	sst s7  }
0x10: {  	[smem:$0x3FB2] =	sst s8  }
0x11: {  	[smem:$0x3FB3] =	sst s9;
	s0 =	simm.s32 @!p0 $0x0  }
0x12: {  	s1 =	sld [smem:$0x3F99];
	s0 =	simm.s32 @p0 $0x1  }
0x13: {  	[smem:$0x3FB4] =	sst s0;
	s0 =	simm.s32 @!p1 $0x0  }
0x14: {  	s2 =	sld [smem:$0x3F98];
	s0 =	simm.s32 @p1 $0x1  }
0x15: {  	[smem:$0x3FB5] =	sst s0;
	s0 =	simm.s32 @!p2 $0x0  }
0x16: {  	s3 =	sld [smem:$0x3FDB];
	s0 =	simm.s32 @p2 $0x1  }
0x17: {  	s4 =	simm.s32 $0x1BF5;
	[smem:$0x3FB7] =	sst s0  }
0x18: {  	s0 =	sld [smem:$0x3F9A];
	_ =	swait.ge [sflag:s4], $0x0  }
0x19: {  	s7 =	sld [smem:$0x3F9B]  }
0x1a: {  	s8 =	sadd.s32 $0xFFFFE003, lr  }
0x1b: {  	s9 =	sadd.s32 $0xFFFFFEF7, lr;
	s5 =	simm.s32 $0xFFFFFFFF;
	p2 =	slt.u32 s8, $0xFFFFF086  }
0x1c: {  	p1 =	slt.u32 s9, $0xF7A;
	s5 =	simm.s32 @!p2 $0x0  }
0x1d: {  	s5 =	simm.s32 @p1 $0x1;
	p0 =	seq.s32 s7, s2  }
0x1e: {  	s7 =	smul.u32 @!p0 $0xF7A, s2;
	p2 =	seq.s32 @!p0 s5, $0x0  }
0x1f: {  	s9 =	smul.u32 $0xF7A, s1;
	s8 =	simm.s32 @!p0 $0x1BF5;
	p2 =	por !p2, p0  }
0x20: {  	[sflag:s8] =	ssyncset.s32 @!p0 $0xFFFFF086;
	s6 =	sadd.s32 @!p0 s3, s7;
	s7 =	simm.s32 @!p0 $0x108  }
0x21: {  	s3 =	sadd.s32 s3, s9;
	s6 =	sadd.s32 @!p0 $0x88, s6;
	s7 =	simm.s32 @p2 $0x1082  }
0x22: {  	[simem:s7], [sflag:s8] =	dma.local @!p0 [hbm:s6], $0xF7A  }
0x23: {  	s9 =	sor.u32 $0xD0000000, s2;
	s6 =	simm.s32 $0x108;
	_ =	swait.ge @!p0 [sflag:s8], $0x0  }
0x24: {  	s3 =	sadd.s32 $0x88, s3;
	s6 =	simm.s32 @!p1 $0x1082;
	[sflag:s4] =	ssyncset.s32 $0xFFFFF086  }
0x25: {  	[simem:s6], [sflag:s4] =	dma.local [hbm:s3], $0xF7A  }
0x26: {  	[smem:$0x3F9B] =	sst s1;
	(tag) =	ssettag s2;
	_ =	strace s9  }
0x27: {  	s1 =	sld [smem:$0x3FAB]  }
0x28: {  	s2 =	sld [smem:$0x3FAC]  }
0x29: {  	s4 =	sld [smem:$0x3FAE]  }
0x2a: {  	p0 =	seq.s32 s5, $0x0;
	s5 =	sld [smem:$0x3FAF]  }
0x2b: {  	s6 =	sld [smem:$0x3FB0]  }
0x2c: {  	s7 =	sld [smem:$0x3FB1]  }
0x2d: {  	s3 =	simm.s32 $0x108;
	s8 =	sld [smem:$0x3FB2]  }
0x2e: {  	s3 =	simm.s32 @!p0 $0x1082;
	s9 =	sld [smem:$0x3FB3]  }
0x2f: {  	lr =	sadd.s32 s0, s3;
	s0 =	sld [smem:$0x3FAA]  }
0x30: {  	s3 =	sld [smem:$0x3FAD]  }
0x31: {  	[smem:$0x3FB6] =	sst s10  }
0x32: {  	s10 =	sld [smem:$0x3FB4];
	_ =	sdelay $0x3  }
0x33: {  	p0 =	seq.s32 s10, $0x1;
	s10 =	sld [smem:$0x3FB6];
	_ =	sdelay $0x3  }
0x34: {  	[smem:$0x3FB6] =	sst s10  }
0x35: {  	s10 =	sld [smem:$0x3FB5];
	_ =	sdelay $0x3  }
0x36: {  	p1 =	seq.s32 s10, $0x1;
	s10 =	sld [smem:$0x3FB6];
	_ =	sdelay $0x3  }
0x37: {  	[smem:$0x3FB6] =	sst s10  }
0x38: {  	s10 =	sld [smem:$0x3FB7]  }
0x39: {  	_ = 	snop;
	(pc) =	sbr.ind lr, $3  }
0x3a: {  	_ = 	snop  }
0x3b: {  	_ = 	snop  }
0x3c: {  	p2 =	seq.s32 s10, $0x1;
	s10 =	sld [smem:$0x3FB6]  }
0x3d: {  	_ =	shalt  }
0x3e: {  	_ =	shalt  }
0x3f: {  	_ =	shalt  }
0x40: {  	_ =	shalt  }
0x41: {  	_ =	shalt  }
0x42: {  	_ =	shalt  }
0x43: {  	_ =	shalt  }
0x44: {  	_ =	shalt  }
0x45: {  	_ =	shalt  }
0x46: {  	_ =	shalt  }
0x47: {  	_ =	shalt  }
0x48: {  	_ =	shalt  }
0x49: {  	_ =	shalt  }
0x4a: {  	_ =	shalt  }
0x4b: {  	_ =	shalt  }
0x4c: {  	_ =	shalt  }
0x4d: {  	_ =	shalt  }
0x4e: {  	_ =	shalt  }
0x4f: {  	_ =	shalt  }
0x50: {  	_ =	shalt  }
0x51: {  	_ =	shalt  }
0x52: {  	_ =	shalt  }
0x53: {  	_ =	shalt  }
0x54: {  	_ =	shalt  }
0x55: {  	_ =	shalt  }
0x56: {  	_ =	shalt  }
0x57: {  	_ =	shalt  }
0x58: {  	_ =	shalt  }
0x59: {  	_ =	shalt  }
0x5a: {  	_ =	shalt  }
0x5b: {  	_ =	shalt  }
0x5c: {  	_ =	shalt  }
0x5d: {  	_ =	shalt  }
0x5e: {  	_ =	shalt  }
0x5f: {  	_ =	shalt  }
0x60: {  	_ =	shalt  }
0x61: {  	_ =	shalt  }
0x62: {  	_ =	shalt  }
0x63: {  	_ =	shalt  }
0x64: {  	_ =	shalt  }
0x65: {  	_ =	shalt  }
0x66: {  	_ =	shalt  }
0x67: {  	_ =	shalt  }
0x68: {  	_ =	shalt  }
0x69: {  	_ =	shalt  }
0x6a: {  	_ =	shalt  }
0x6b: {  	_ =	shalt  }
0x6c: {  	_ =	shalt  }
0x6d: {  	_ =	shalt  }
0x6e: {  	_ =	shalt  }
0x6f: {  	_ =	shalt  }
0x70: {  	_ =	shalt  }
0x71: {  	_ =	shalt  }
0x72: {  	_ =	shalt  }
0x73: {  	_ =	shalt  }
0x74: {  	_ =	shalt  }
0x75: {  	_ =	shalt  }
0x76: {  	_ =	shalt  }
0x77: {  	_ =	shalt  }
0x78: {  	_ =	shalt  }
0x79: {  	_ =	shalt  }
0x7a: {  	_ =	shalt  }
0x7b: {  	_ =	shalt  }
0x7c: {  	_ =	shalt  }
0x7d: {  	_ =	shalt  }
0x7e: {  	_ =	shalt  }
0x7f: {  	_ =	shalt  }
0x80: {  	_ =	shalt  }
0x81: {  	_ =	shalt  }
0x82: {  	_ =	shalt  }
0x83: {  	_ =	shalt  }
0x84: {  	_ =	shalt  }
0x85: {  	_ =	shalt  }
0x86: {  	_ =	shalt  }
0x87: {  	_ =	shalt  }
.Lfunc_end0:
.L_simem_size_0:
called_computation.2_lowered:
.L_overlay_start_0:
0x88: {  	s2 =	sld [smem:$0x3FD9]  }
0x89: {  	s3 =	sld [smem:$0x3FFE];
	_ =	sdelay $0x1  }
0x8a: {  	s1 =	srdreg.scid  }
0x8b: {  	s0 =	sand.u32 $0x1, s1  }
0x8c: {  	s17 =	sshll.u32 s0, $0xA;
	s2 =	sadd.s32 s3, s2  }
0x8d: {  	s2 =	sadd.s32 s2, s17  }
0x8e: {  	[smem:$0x3FC2] =	sst s2  }
0x8f: {  	_ = 	snop  }
0x90: {  	s18 =	sld [smem:$0x3FC8];
	(tm) =	ssettm $0x1  }
0x91: {  	s19 =	sld [smem:$0x3FFB];
	_ =	sdelay $0x3  }
0x92: {  	_ =	strace s19  }
0x93: {  	s2 =	sld [smem:$0x3FFC];
	_ =	sdelay $0x3  }
0x94: {  	_ =	strace s2  }
0x95: {  	s2 =	sld [smem:$0x3FFD];
	_ =	sdelay $0x3  }
0x96: {  	_ =	strace s2  }
0x97: {  	_ =	strace $0x8FFFFFFF  }
0x98: {  	s20 =	sld [smem:$0x3FDB];
	_ =	sdelay $0x1  }
0x99: {  	s4 =	simm.s32 $_scs_section_size  }
0x9a: {  	s5 =	simm.s32 $_size__tile_overlayer_lowered;
	s6 =	simm.s32 $_tile_overlayer_lowered  }
0x9b: {  	s7 =	simm.s32 $0x1BFF;
	s21 =	sshll.u32 s6, $0x1;
	s4 =	sadd.s32 s4, s20  }
0x9c: {  	s22 =	simm.s32 $0x0;
	s5 =	sshll.u32 s5, $0x1;
	s6 =	sadd.s32 s21, s4  }
0x9d: {  	[timem:s22], [sflag:s7] =	dma.local [hbm:s6], s5  }
0x9e: {  	_ =	swait.ge [sflag:s7], s5  }
0x9f: {  	s5 =	ssub.s32 $0x0, s5;
	[sflag:s7] =	ssyncset.done $0x0  }
0xa0: {  	[sflag:s7] =	ssyncadd.s32 s5;
	_ =	sdelay $0x1  }
0xa1: {  	s23 =	simm.s32 $0x1B8B  }
0xa2: {  	_ =	swait.ge [sflag:s23], $0x1  }
0xa3: {  	[sflag:s23] =	ssyncset.done $0x0  }
0xa4: {  	[sflag:s23] =	ssyncadd.s32 $0xFFFFFFFF  }
0xa5: {  	s5 =	sld [smem:$0x0]  }
0xa6: {  	s6 =	sand.u32 $0xFFFFFFFE, s1  }
0xa7: {  	p0 =	sne.s32 s1, s6  }
0xa8: {  	s6 =	sshll.u32 @p0 s6, $0xE  }
0xa9: {  	s6 =	sadd.s32 @p0 $0x11B8D, s6;
	s7 =	sshll.u32 @p0 s5, $0x11  }
0xaa: {  	s6 =	sor.u32 @p0 s7, s6  }
0xab: {  	[sflag:s6] =	ssyncadd.remote.s32 @p0 $0x1;
	_ =	sdelay $0x1  }
0xac: {  	s6 =	simm.s32 @p0 $0x1B8D  }
0xad: {  	_ =	swait.eq @p0 [sflag:s6], $0x1  }
0xae: {  	[sflag:s6] =	ssyncadd.s32 @p0 $0xFFFFFFFF  }
0xaf: {  	s7 =	sshll.u32 @!p0 s1, $0xE  }
0xb0: {  	s7 =	sor.u32 @!p0 $0x4000, s7;
	s6 =	simm.s32 @!p0 $0x1B8D  }
0xb1: {  	s5 =	sshll.u32 @!p0 s5, $0x11;
	s7 =	sadd.s32 @!p0 $0x11B8D, s7;
	_ =	swait.eq @!p0 [sflag:s6], $0x1  }
0xb2: {  	s5 =	sor.u32 @!p0 s5, s7;
	[sflag:s6] =	ssyncadd.s32 @!p0 $0xFFFFFFFF  }
0xb3: {  	s25 =	simm.s32 $0x1B8E;
	s24 =	sld [smem:$0x3FFE];
	[sflag:s5] =	ssyncadd.remote.s32 @!p0 $0x1  }
0xb4: {  	s26 =	simm.s32 $execute0_lowered;
	[smem:$0x3FD2] =	sst s25  }
0xb5: {  	s6 =	sshll.u32 s26, $0x1;
	_ =	strace $0x8000004C;
	[dreg:$0x1] =	wrdreg $0xFFFFFFFF  }
0xb6: {  	s28 =	simm.s32 $_size_execute0_lowered;
	s4 =	sadd.s32 s4, s6;
	[dreg:$0x0] =	wrdreg $0x0  }
0xb7: {  	s6 =	sshll.u32 s28, $0x1;
	[dreg:$0x2] =	wrdreg s4  }
0xb8: {  	[dreg:$0x3] =	wrdreg s6  }
0xb9: {  	[dreg:$0x4] =	wrdreg $0xC0  }
0xba: {  	_ =	task [dreg:s22], $0x5FFFF  }
0xbb: {  	[dreg:$0x1] =	wrdreg $0xFFFFFFFF  }
0xbc: {  	[dreg:$0x0] =	wrdreg $0x60  }
0xbd: {  	[dreg:$0x2] =	wrdreg s24  }
0xbe: {  	[dreg:$0x3] =	wrdreg s18  }
0xbf: {  	[dreg:$0x4] =	wrdreg $0xB  }
0xc0: {  	_ =	task.clear_ibuf [dreg:s22], $0x5FFFF;
	_ =	strace $0x9000004C  }
0xc1: {  	s29 =	simm.s32 $0xB;
	_ =	strace $0x8000004E  }
0xc2: {  	_ =	swait.ge [sflag:s29], $0x1  }
0xc3: {  	[sflag:s29] =	ssyncadd.s32 $0xFFFFFFFF  }
0xc4: {  	_ =	strace $0x9000004E  }
0xc5: {  	_ =	sfence  }
0xc6: {  	s30 =	sld [smem:$0x0];
	_ =	sdelay $0x2  }
0xc7: {  	s31 =	sshll.u32 s1, $0xD;
	s1 =	sshrl.u32 s1, $0x2  }
0xc8: {  	s4 =	sand.u32 $0x4000, s31;
	s1 =	sadd.s32 s1, s30  }
0xc9: {  	s0 =	sor.u32 s4, s0;
	s1 =	sshll.u32 s1, $0x11  }
0xca: {  	s0 =	sor.u32 s1, s0  }
0xcb: {  	s0 =	sadd.s32 $0x8F2B, s0  }
0xcc: {  	[sflag:s0] =	ssyncadd.remote.s32 $0x1  }
0xcd: {  	_ =	sfence.sel $0xFFFF  }
0xce: {  	[dreg:$0x0] =	wrdreg $0xFFFFFFFF;
	(pc) =	sbr.abs _section_cstart, $3  }
0xcf: {  	[dreg:$0x1] =	wrdreg $0xFFFFFFFF  }
0xd0: {  	_ =	task.clear_ibuf [dreg:s22], $0x2FFFF;
	_ =	strace $0x9FFFFFFF  }
0xd1: {  	(tm) =	ssettm $0x7FFFFFFF  }
tec
execute0_lowered:
.L_overlay_start_1:
0x0: {  	(tag) =	ssettag $0x1  }
0x1: {  	s1 =	srdreg.scid;
	s4 =	rddreg [dreg:$0x0]  }
0x2: {  	s0 =	stileid.u32;
	s2 =	rddreg [dreg:$0x1]  }
0x3: {  	s24 =	simm.s32 $0x880;
	s25 =	simm.s32 $0x1080;
	s8 =	simm.s32 $0x80  }
0x4: {  	s26 =	simm.s32 $0x1880;
	s10 =	simm.s32 $0x2880;
	s11 =	simm.s32 $0x3080  }
0x5: {  	s12 =	simm.s32 $0x3880;
	s13 =	simm.s32 $0x4080;
	s14 =	simm.s32 $0x4880  }
0x6: {  	s15 =	simm.s32 $0x5080;
	s16 =	simm.s32 $0x5880;
	s17 =	simm.s32 $0x6080  }
0x7: {  	s18 =	simm.s32 $0x6880;
	s19 =	simm.s32 $0x7080;
	s28 =	simm.s32 $0xB080  }
0x8: {  	s29 =	simm.s32 $0xB880;
	s1 =	sand.u32 $0x1, s1;
	s3 =	sshll.u32 s0, $0x1  }
0x9: {  	s30 =	simm.s32 $0x1;
	s5 =	sor.u32 s1, s3;
	s3 =	simm.s32 $0x0  }
0xa: {  	s31 =	simm.s32 $0x2;
	s1 =	ssub.s32 $0x2, s1;
	[smem:$0x7FF] =	sst s3  }
0xb: {  	s6 =	smul.u32 $0x3000, s5;
	_ =	strace $0x8000004D;
	[dreg:$0x8] =	wrdreg s24  }
0xc: {  	s5 =	sshll.u32 s5, $0x3;
	s21 =	sshrl.u32 s1, $0x1;
	[dreg:$0x9] =	wrdreg s25  }
0xd: {  	s5 =	sadd.s32 s5, s4;
	s1 =	ssub.s32 s1, s21;
	[dreg:$0xa] =	wrdreg s26  }
0xe: {  	s21 =	simm.s32 $0x8080;
	s24 =	simm.s32 $0x9880;
	s6 =	sshrl.u32 s6, $0x3  }
0xf: {  	s25 =	simm.s32 $0xA080;
	s20 =	sadd.s32 $0x2600, s5;
	s6 =	sadd.s32 s6, s4  }
0x10: {  	s26 =	simm.s32 $0xA880;
	[dreg:$0x3] =	wrdreg s20;
	s22 =	sadd.s32 $0x32E00, s6  }
0x11: {  	s5 =	sadd.s32 $0x200, s2;
	s23 =	sadd.s32 $0x3EE00, s6;
	[dreg:$0x4] =	wrdreg s22  }
0x12: {  	s4 =	sadd.s32 $0x100, s2;
	s7 =	sadd.s32 $0x4AE00, s6;
	[dreg:$0x5] =	wrdreg s23  }
0x13: {  	v2 =	vlaneseq.u32;
	s20 =	simm.s32 $0x7880;
	s6 =	sadd.s32 $0x56E00, s6;
	[dreg:$0x6] =	wrdreg s7  }
0x14: {  	vm0 =	vmmov $0xffff;
	v1 =	vshrl.u32 v2, $0x3;
	[dreg:$0x7] =	wrdreg s6;
	s6 =	smax.u32 s1, $0x1;
	s7 =	simm.s32 $0x4  }
0x15: {  	v0 =	vand.u32 $0x7, v2;
	v2 =	vor.u32 $0x8, v2;
	v1 =	vmul.u32 $0x8, v1;
	s22 =	simm.s32 $0x8880;
	s23 =	simm.s32 $0x9080;
	s1 =	simm.s32 $0x3  }
.LBB2_1:
0x16: {  	s0 =	rddreg [dreg:$0x3]  }
0x17: {  	[tilespmem:s3], [sflag:$0x4] =	stream.linear.gather [hbm4b:s0+s3], $0x40, $0x38;
	[tilespmem:$0xC080] =	vst v63  }
0x18: {  	_ =	swait.ge [sflag:s7], $0x40  }
0x19: {  	[sflag:s7] =	ssyncset.done $0x0  }
0x1a: {  	[sflag:s7] =	ssyncadd.s32 $0xFFFFFFC0  }
0x1b: {  	v3 =	vld [tilespmem:$0x0];
	_ =	sdelay $0x4  }
0x1c: {  	v4 =	vshrl.u32 v3, $0x3  }
0x1d: {  	v4 =	vmul.u32 $0x30, v4  }
0x1e: {  	v3 =	vand.u32 $0x7, v3  }
0x1f: {  	v3 =	vor.u32 v3, v4  }
0x20: {  	v4 =	vperm.xlane v3, v0;
	_ =	sdelay $0x1  }
0x21: {  	v4 =	vadd.s32 v1, v4;
	_ =	sdelay $0x3  }
0x22: {  	v3 =	vperm.xlane v3, v2  }
0x23: {  	[tilespmem:s8], [sflag:$0x1] =	stream.indirect_vreg.gather [hbm4b:s2+s3], $0x80, v4, vm0, $0xb8;
	[tilespmem:$0xC080] =	vst v63  }
0x24: {  	s0 =	rddreg [dreg:$0x8];
	v3 =	vadd.s32 v1, v3  }
0x25: {  	[tilespmem:s0], [sflag:$0x1] =	stream.indirect_vreg.gather [hbm4b:s4+s3], $0x80, v4, vm0, $0xb8;
	[tilespmem:$0xC080] =	vst v63  }
0x26: {  	s9 =	rddreg [dreg:$0x9]  }
0x27: {  	[tilespmem:s9], [sflag:$0x1] =	stream.indirect_vreg.gather [hbm4b:s5+s3], $0x80, v4, vm0, $0xb8;
	[tilespmem:$0xC080] =	vst v63  }
0x28: {  	s0 =	rddreg [dreg:$0xa]  }
0x29: {  	[tilespmem:s0], [sflag:$0x1] =	stream.indirect_vreg.gather [hbm4b:s2+s3], $0x80, v3, vm0, $0xb8;
	[tilespmem:$0xC080] =	vst v63  }
0x2a: {  	s9 =	simm.s32 $0x2080  }
0x2b: {  	[tilespmem:s9], [sflag:$0x1] =	stream.indirect_vreg.gather [hbm4b:s4+s3], $0x80, v3, vm0, $0xb8;
	[tilespmem:$0xC080] =	vst v63  }
0x2c: {  	_ = 	snop  }
0x2d: {  	[tilespmem:s10], [sflag:$0x1] =	stream.indirect_vreg.gather [hbm4b:s5+s3], $0x80, v3, vm0, $0xb8;
	[tilespmem:$0xC080] =	vst v63  }
0x2e: {  	v3 =	vld [tilespmem:$0x10];
	_ =	sdelay $0x4  }
0x2f: {  	v61 =	vshrl.u32 v3, $0x3  }
0x30: {  	v4 =	vmul.u32 $0x30, v61  }
0x31: {  	v3 =	vand.u32 $0x7, v3  }
0x32: {  	v3 =	vor.u32 v3, v4  }
0x33: {  	v4 =	vperm.xlane v3, v0;
	_ =	sdelay $0x1  }
0x34: {  	v4 =	vadd.s32 v1, v4;
	_ =	sdelay $0x3  }
0x35: {  	v3 =	vperm.xlane v3, v2  }
0x36: {  	[tilespmem:s11], [sflag:$0x1] =	stream.indirect_vreg.gather [hbm4b:s2+s3], $0x80, v4, vm0, $0xb8;
	[tilespmem:$0xC080] =	vst v63  }
0x37: {  	v3 =	vadd.s32 v1, v3  }
0x38: {  	[tilespmem:s12], [sflag:$0x1] =	stream.indirect_vreg.gather [hbm4b:s4+s3], $0x80, v4, vm0, $0xb8;
	[tilespmem:$0xC080] =	vst v63  }
0x39: {  	_ = 	snop  }
0x3a: {  	[tilespmem:s13], [sflag:$0x1] =	stream.indirect_vreg.gather [hbm4b:s5+s3], $0x80, v4, vm0, $0xb8;
	[tilespmem:$0xC080] =	vst v63  }
0x3b: {  	_ = 	snop  }
0x3c: {  	[tilespmem:s14], [sflag:$0x1] =	stream.indirect_vreg.gather [hbm4b:s2+s3], $0x80, v3, vm0, $0xb8;
	[tilespmem:$0xC080] =	vst v63  }
0x3d: {  	_ = 	snop  }
0x3e: {  	[tilespmem:s15], [sflag:$0x1] =	stream.indirect_vreg.gather [hbm4b:s4+s3], $0x80, v3, vm0, $0xb8;
	[tilespmem:$0xC080] =	vst v63  }
0x3f: {  	_ = 	snop  }
0x40: {  	[tilespmem:s16], [sflag:$0x1] =	stream.indirect_vreg.gather [hbm4b:s5+s3], $0x80, v3, vm0, $0xb8;
	[tilespmem:$0xC080] =	vst v63  }
0x41: {  	v3 =	vld [tilespmem:$0x20];
	_ =	sdelay $0x4  }
0x42: {  	v62 =	vshrl.u32 v3, $0x3  }
0x43: {  	v4 =	vmul.u32 $0x30, v62  }
0x44: {  	v3 =	vand.u32 $0x7, v3  }
0x45: {  	v3 =	vor.u32 v3, v4  }
0x46: {  	v4 =	vperm.xlane v3, v0;
	_ =	sdelay $0x1  }
0x47: {  	v4 =	vadd.s32 v1, v4;
	_ =	sdelay $0x3  }
0x48: {  	v3 =	vperm.xlane v3, v2  }
0x49: {  	[tilespmem:s17], [sflag:$0x2] =	stream.indirect_vreg.gather [hbm4b:s2+s3], $0x80, v4, vm0, $0xb8;
	[tilespmem:$0xC080] =	vst v63  }
0x4a: {  	v3 =	vadd.s32 v1, v3  }
0x4b: {  	[tilespmem:s18], [sflag:$0x2] =	stream.indirect_vreg.gather [hbm4b:s4+s3], $0x80, v4, vm0, $0xb8;
	[tilespmem:$0xC080] =	vst v63  }
0x4c: {  	_ = 	snop  }
0x4d: {  	[tilespmem:s19], [sflag:$0x2] =	stream.indirect_vreg.gather [hbm4b:s5+s3], $0x80, v4, vm0, $0xb8;
	[tilespmem:$0xC080] =	vst v63  }
0x4e: {  	_ = 	snop  }
0x4f: {  	[tilespmem:s20], [sflag:$0x2] =	stream.indirect_vreg.gather [hbm4b:s2+s3], $0x80, v3, vm0, $0xb8;
	[tilespmem:$0xC080] =	vst v63  }
0x50: {  	_ = 	snop  }
0x51: {  	[tilespmem:s21], [sflag:$0x2] =	stream.indirect_vreg.gather [hbm4b:s4+s3], $0x80, v3, vm0, $0xb8;
	[tilespmem:$0xC080] =	vst v63  }
0x52: {  	_ = 	snop  }
0x53: {  	[tilespmem:s22], [sflag:$0x2] =	stream.indirect_vreg.gather [hbm4b:s5+s3], $0x80, v3, vm0, $0xb8;
	[tilespmem:$0xC080] =	vst v63  }
0x54: {  	v3 =	vld [tilespmem:$0x30];
	_ =	sdelay $0x4  }
0x55: {  	v63 =	vshrl.u32 v3, $0x3  }
0x56: {  	v4 =	vmul.u32 $0x30, v63  }
0x57: {  	v3 =	vand.u32 $0x7, v3  }
0x58: {  	v3 =	vor.u32 v3, v4  }
0x59: {  	v4 =	vperm.xlane v3, v0;
	_ =	sdelay $0x1  }
0x5a: {  	v4 =	vadd.s32 v1, v4;
	_ =	sdelay $0x3  }
0x5b: {  	v3 =	vperm.xlane v3, v2  }
0x5c: {  	[tilespmem:s23], [sflag:$0x2] =	stream.indirect_vreg.gather [hbm4b:s2+s3], $0x80, v4, vm0, $0xb8;
	[tilespmem:$0xC080] =	vst v63  }
0x5d: {  	v3 =	vadd.s32 v1, v3  }
0x5e: {  	[tilespmem:s24], [sflag:$0x2] =	stream.indirect_vreg.gather [hbm4b:s4+s3], $0x80, v4, vm0, $0xb8;
	[tilespmem:$0xC080] =	vst v63  }
0x5f: {  	_ = 	snop  }
0x60: {  	[tilespmem:s25], [sflag:$0x2] =	stream.indirect_vreg.gather [hbm4b:s5+s3], $0x80, v4, vm0, $0xb8;
	[tilespmem:$0xC080] =	vst v63  }
0x61: {  	_ = 	snop  }
0x62: {  	[tilespmem:s26], [sflag:$0x2] =	stream.indirect_vreg.gather [hbm4b:s2+s3], $0x80, v3, vm0, $0xb8;
	[tilespmem:$0xC080] =	vst v63  }
0x63: {  	_ = 	snop  }
0x64: {  	[tilespmem:s28], [sflag:$0x2] =	stream.indirect_vreg.gather [hbm4b:s4+s3], $0x80, v3, vm0, $0xb8;
	[tilespmem:$0xC080] =	vst v63  }
0x65: {  	_ = 	snop  }
0x66: {  	[tilespmem:s29], [sflag:$0x2] =	stream.indirect_vreg.gather [hbm4b:s5+s3], $0x80, v3, vm0, $0xb8;
	[tilespmem:$0xC080] =	vst v63  }
0x67: {  	_ =	swait.ge [sflag:s30], $0x6000  }
0x68: {  	[sflag:s30] =	ssyncset.done $0x0  }
0x69: {  	s0 =	rddreg [dreg:$0x4];
	[sflag:s30] =	ssyncadd.s32 $0xFFFFA000  }
0x6a: {  	[hbm4b:s0+s3] =	stream.linear.scatter [tilespmem:s8], [sflag:$0x3], $0x3000, $0x38;
	[tilespmem:$0xC080] =	vst v63  }
0x6b: {  	s9 =	rddreg [dreg:$0x5]  }
0x6c: {  	[hbm4b:s9+s3] =	stream.linear.scatter [tilespmem:s11], [sflag:$0x3], $0x3000, $0x38;
	[tilespmem:$0xC080] =	vst v63  }
0x6d: {  	_ =	swait.ge [sflag:s31], $0x6000  }
0x6e: {  	[sflag:s31] =	ssyncset.done $0x0  }
0x6f: {  	s0 =	rddreg [dreg:$0x6];
	[sflag:s31] =	ssyncadd.s32 $0xFFFFA000  }
0x70: {  	[hbm4b:s0+s3] =	stream.linear.scatter [tilespmem:s17], [sflag:$0x3], $0x3000, $0x38;
	[tilespmem:$0xC080] =	vst v63  }
0x71: {  	s9 =	rddreg [dreg:$0x7]  }
0x72: {  	[hbm4b:s9+s3] =	stream.linear.scatter [tilespmem:s23], [sflag:$0x3], $0x3000, $0x38;
	[tilespmem:$0xC080] =	vst v63  }
0x73: {  	_ =	swait.ge [sflag:s1], $0x3000  }
0x74: {  	[sflag:s1] =	ssyncset.done $0x0  }
0x75: {  	[sflag:s1] =	ssyncadd.s32 $0xFFFFD000  }
0x76: {  	_ =	swait.ge [sflag:s1], $0x3000  }
0x77: {  	[sflag:s1] =	ssyncset.done $0x0  }
0x78: {  	[sflag:s1] =	ssyncadd.s32 $0xFFFFD000  }
0x79: {  	p0 =	sne.s32 s6, $0x1;
	_ =	swait.ge [sflag:s1], $0x3000  }
.Ltmp0:
0x7a: {  	[sflag:s1] =	ssyncset.done $0x0;
	(pc) =	sbr.rel @p0 .LBB2_1-.Ltmp0, $4  }
0x7b: {  	[sflag:s1] =	ssyncadd.s32 $0xFFFFD000  }
0x7c: {  	_ =	swait.ge [sflag:s1], $0x3000  }
0x7d: {  	[sflag:s1] =	ssyncset.done $0x0  }
0x7e: {  	s6 =	sadd.s32 $0xFFFFFFFF, s6;
	[sflag:s1] =	ssyncadd.s32 $0xFFFFD000  }
0x7f: {  	_ =	sfence.sel $0x180000  }
0x80: {  	[bflag:$0x0] =	sbarrier.arrive $0xFFFF  }
0x81: {  	_ =	strace $0x9000004D  }
0x82: {  	s0 =	stileid.u32;
	[bflag:$0x2] =	sbarrier.arrive $0xFFFF  }
0x83: {  	p0 =	sne.s32 s0, $0x0;
	s0 =	rddreg [dreg:$0x2]  }
0x84: {  	s0 =	sadd.s32 @!p0 $0x100000, s0  }
0x85: {  	[sflag:s0] =	ssyncadd.tile.s32 @!p0 $0x1;
	_ =	shalt  }
.Lfunc_end2:
_tile_overlayer_lowered:
.L_overlay_start_2:
0x86: {  	(tag) =	ssettag $0x2  }
0x87: {  	s0 =	rddreg [dreg:$0x0];
	s2 =	stileid.u32  }
0x88: {  	s1 =	rddreg [dreg:$0x1];
	p0 =	sne.s32 s2, $0x0  }
0x89: {  	s3 =	rddreg [dreg:$0x2];
	[bflag:$0x3] =	sbarrier.arrive $0xFFFF;
	s2 =	simm.s32 @!p0 $0x1C04  }
0x8a: {  	[timem:s3], [sflag:s2] =	dma.local @!p0 [hbm:s0], s1  }
0x8b: {  	s0 =	simm.s32 @!p0 $0x4  }
0x8c: {  	_ =	swait.ge @!p0 [sflag:s0], s1  }
0x8d: {  	s1 =	ssub.s32 @!p0 $0x0, s1;
	[sflag:s0] =	ssyncset.done @!p0 $0x0  }
0x8e: {  	[sflag:s0] =	ssyncadd.s32 @!p0 s1  }
0x8f: {  	[bflag:$0x3] =	sbarrier.arrive $0xFFFF  }
0x90: {  	_ =	shalt  }

// kernel: kernel.19.cloned.1.call-start
scs
__scs_entry_jumppad:
0x0: {  	(pc) =	sbr.rel $0x88, $3  }
0x1: {  	(tag) =	ssettag $0x0;
	lr =	simm.s32 $0x1  }
0x2: {  	[smem:$0x3F9B] =	sst lr;
	_ =	strace $0xD0000000  }
0x3: {  	_ = 	snop  }
0x4: {  	_ = 	snop  }
0x5: {  	_ = 	snop  }
0x6: {  	_ = 	snop  }
0x7: {  	_ = 	snop  }
__scs_overlays_trampoline_lowered:
0x8: {  	[smem:$0x3FAA] =	sst s0  }
0x9: {  	[smem:$0x3FAB] =	sst s1  }
0xa: {  	[smem:$0x3FAC] =	sst s2  }
0xb: {  	[smem:$0x3FAD] =	sst s3  }
0xc: {  	[smem:$0x3FAE] =	sst s4  }
0xd: {  	[smem:$0x3FAF] =	sst s5  }
0xe: {  	[smem:$0x3FB0] =	sst s6  }
0xf: {  	[smem:$0x3FB1] =	sst s7  }
0x10: {  	[smem:$0x3FB2] =	sst s8  }
0x11: {  	[smem:$0x3FB3] =	sst s9;
	s0 =	simm.s32 @!p0 $0x0  }
0x12: {  	s1 =	sld [smem:$0x3F99];
	s0 =	simm.s32 @p0 $0x1  }
0x13: {  	[smem:$0x3FB4] =	sst s0;
	s0 =	simm.s32 @!p1 $0x0  }
0x14: {  	s2 =	sld [smem:$0x3F98];
	s0 =	simm.s32 @p1 $0x1  }
0x15: {  	[smem:$0x3FB5] =	sst s0;
	s0 =	simm.s32 @!p2 $0x0  }
0x16: {  	s3 =	sld [smem:$0x3FDB];
	s0 =	simm.s32 @p2 $0x1  }
0x17: {  	s4 =	simm.s32 $0x1BF5;
	[smem:$0x3FB7] =	sst s0  }
0x18: {  	s0 =	sld [smem:$0x3F9A];
	_ =	swait.ge [sflag:s4], $0x0  }
0x19: {  	s7 =	sld [smem:$0x3F9B]  }
0x1a: {  	s8 =	sadd.s32 $0xFFFFE003, lr  }
0x1b: {  	s9 =	sadd.s32 $0xFFFFFEF7, lr;
	s5 =	simm.s32 $0xFFFFFFFF;
	p2 =	slt.u32 s8, $0xFFFFF086  }
0x1c: {  	p1 =	slt.u32 s9, $0xF7A;
	s5 =	simm.s32 @!p2 $0x0  }
0x1d: {  	s5 =	simm.s32 @p1 $0x1;
	p0 =	seq.s32 s7, s2  }
0x1e: {  	s7 =	smul.u32 @!p0 $0xF7A, s2;
	p2 =	seq.s32 @!p0 s5, $0x0  }
0x1f: {  	s9 =	smul.u32 $0xF7A, s1;
	s8 =	simm.s32 @!p0 $0x1BF5;
	p2 =	por !p2, p0  }
0x20: {  	[sflag:s8] =	ssyncset.s32 @!p0 $0xFFFFF086;
	s6 =	sadd.s32 @!p0 s3, s7;
	s7 =	simm.s32 @!p0 $0x108  }
0x21: {  	s3 =	sadd.s32 s3, s9;
	s6 =	sadd.s32 @!p0 $0x88, s6;
	s7 =	simm.s32 @p2 $0x1082  }
0x22: {  	[simem:s7], [sflag:s8] =	dma.local @!p0 [hbm:s6], $0xF7A  }
0x23: {  	s9 =	sor.u32 $0xD0000000, s2;
	s6 =	simm.s32 $0x108;
	_ =	swait.ge @!p0 [sflag:s8], $0x0  }
0x24: {  	s3 =	sadd.s32 $0x88, s3;
	s6 =	simm.s32 @!p1 $0x1082;
	[sflag:s4] =	ssyncset.s32 $0xFFFFF086  }
0x25: {  	[simem:s6], [sflag:s4] =	dma.local [hbm:s3], $0xF7A  }
0x26: {  	[smem:$0x3F9B] =	sst s1;
	(tag) =	ssettag s2;
	_ =	strace s9  }
0x27: {  	s1 =	sld [smem:$0x3FAB]  }
0x28: {  	s2 =	sld [smem:$0x3FAC]  }
0x29: {  	s4 =	sld [smem:$0x3FAE]  }
0x2a: {  	p0 =	seq.s32 s5, $0x0;
	s5 =	sld [smem:$0x3FAF]  }
0x2b: {  	s6 =	sld [smem:$0x3FB0]  }
0x2c: {  	s7 =	sld [smem:$0x3FB1]  }
0x2d: {  	s3 =	simm.s32 $0x108;
	s8 =	sld [smem:$0x3FB2]  }
0x2e: {  	s3 =	simm.s32 @!p0 $0x1082;
	s9 =	sld [smem:$0x3FB3]  }
0x2f: {  	lr =	sadd.s32 s0, s3;
	s0 =	sld [smem:$0x3FAA]  }
0x30: {  	s3 =	sld [smem:$0x3FAD]  }
0x31: {  	[smem:$0x3FB6] =	sst s10  }
0x32: {  	s10 =	sld [smem:$0x3FB4];
	_ =	sdelay $0x3  }
0x33: {  	p0 =	seq.s32 s10, $0x1;
	s10 =	sld [smem:$0x3FB6];
	_ =	sdelay $0x3  }
0x34: {  	[smem:$0x3FB6] =	sst s10  }
0x35: {  	s10 =	sld [smem:$0x3FB5];
	_ =	sdelay $0x3  }
0x36: {  	p1 =	seq.s32 s10, $0x1;
	s10 =	sld [smem:$0x3FB6];
	_ =	sdelay $0x3  }
0x37: {  	[smem:$0x3FB6] =	sst s10  }
0x38: {  	s10 =	sld [smem:$0x3FB7]  }
0x39: {  	_ = 	snop;
	(pc) =	sbr.ind lr, $3  }
0x3a: {  	_ = 	snop  }
0x3b: {  	_ = 	snop  }
0x3c: {  	p2 =	seq.s32 s10, $0x1;
	s10 =	sld [smem:$0x3FB6]  }
0x3d: {  	_ =	shalt  }
0x3e: {  	_ =	shalt  }
0x3f: {  	_ =	shalt  }
0x40: {  	_ =	shalt  }
0x41: {  	_ =	shalt  }
0x42: {  	_ =	shalt  }
0x43: {  	_ =	shalt  }
0x44: {  	_ =	shalt  }
0x45: {  	_ =	shalt  }
0x46: {  	_ =	shalt  }
0x47: {  	_ =	shalt  }
0x48: {  	_ =	shalt  }
0x49: {  	_ =	shalt  }
0x4a: {  	_ =	shalt  }
0x4b: {  	_ =	shalt  }
0x4c: {  	_ =	shalt  }
0x4d: {  	_ =	shalt  }
0x4e: {  	_ =	shalt  }
0x4f: {  	_ =	shalt  }
0x50: {  	_ =	shalt  }
0x51: {  	_ =	shalt  }
0x52: {  	_ =	shalt  }
0x53: {  	_ =	shalt  }
0x54: {  	_ =	shalt  }
0x55: {  	_ =	shalt  }
0x56: {  	_ =	shalt  }
0x57: {  	_ =	shalt  }
0x58: {  	_ =	shalt  }
0x59: {  	_ =	shalt  }
0x5a: {  	_ =	shalt  }
0x5b: {  	_ =	shalt  }
0x5c: {  	_ =	shalt  }
0x5d: {  	_ =	shalt  }
0x5e: {  	_ =	shalt  }
0x5f: {  	_ =	shalt  }
0x60: {  	_ =	shalt  }
0x61: {  	_ =	shalt  }
0x62: {  	_ =	shalt  }
0x63: {  	_ =	shalt  }
0x64: {  	_ =	shalt  }
0x65: {  	_ =	shalt  }
0x66: {  	_ =	shalt  }
0x67: {  	_ =	shalt  }
0x68: {  	_ =	shalt  }
0x69: {  	_ =	shalt  }
0x6a: {  	_ =	shalt  }
0x6b: {  	_ =	shalt  }
0x6c: {  	_ =	shalt  }
0x6d: {  	_ =	shalt  }
0x6e: {  	_ =	shalt  }
0x6f: {  	_ =	shalt  }
0x70: {  	_ =	shalt  }
0x71: {  	_ =	shalt  }
0x72: {  	_ =	shalt  }
0x73: {  	_ =	shalt  }
0x74: {  	_ =	shalt  }
0x75: {  	_ =	shalt  }
0x76: {  	_ =	shalt  }
0x77: {  	_ =	shalt  }
0x78: {  	_ =	shalt  }
0x79: {  	_ =	shalt  }
0x7a: {  	_ =	shalt  }
0x7b: {  	_ =	shalt  }
0x7c: {  	_ =	shalt  }
0x7d: {  	_ =	shalt  }
0x7e: {  	_ =	shalt  }
0x7f: {  	_ =	shalt  }
0x80: {  	_ =	shalt  }
0x81: {  	_ =	shalt  }
0x82: {  	_ =	shalt  }
0x83: {  	_ =	shalt  }
0x84: {  	_ =	shalt  }
0x85: {  	_ =	shalt  }
0x86: {  	_ =	shalt  }
0x87: {  	_ =	shalt  }
.Lfunc_end0:
.L_simem_size_0:
called_computation.3_lowered:
.L_overlay_start_0:
0x88: {  	s2 =	sld [smem:$0x3FD9]  }
0x89: {  	s3 =	sld [smem:$0x3FFE];
	_ =	sdelay $0x1  }
0x8a: {  	s1 =	srdreg.scid  }
0x8b: {  	s0 =	sand.u32 $0x1, s1  }
0x8c: {  	s17 =	sshll.u32 s0, $0xA;
	s2 =	sadd.s32 s3, s2  }
0x8d: {  	s2 =	sadd.s32 s2, s17  }
0x8e: {  	[smem:$0x3FC2] =	sst s2  }
0x8f: {  	_ = 	snop  }
0x90: {  	s18 =	sld [smem:$0x3FC8];
	(tm) =	ssettm $0x1  }
0x91: {  	s19 =	sld [smem:$0x3FFB];
	_ =	sdelay $0x3  }
0x92: {  	_ =	strace s19  }
0x93: {  	s2 =	sld [smem:$0x3FFC];
	_ =	sdelay $0x3  }
0x94: {  	_ =	strace s2  }
0x95: {  	s2 =	sld [smem:$0x3FFD];
	_ =	sdelay $0x3  }
0x96: {  	_ =	strace s2  }
0x97: {  	_ =	strace $0x8FFFFFFF  }
0x98: {  	s20 =	sld [smem:$0x3FDB];
	_ =	sdelay $0x1  }
0x99: {  	s4 =	simm.s32 $_scs_section_size  }
0x9a: {  	s5 =	simm.s32 $_size__tile_overlayer_lowered;
	s6 =	simm.s32 $_tile_overlayer_lowered  }
0x9b: {  	s7 =	simm.s32 $0x1BFF;
	s21 =	sshll.u32 s6, $0x1;
	s4 =	sadd.s32 s4, s20  }
0x9c: {  	s22 =	simm.s32 $0x0;
	s5 =	sshll.u32 s5, $0x1;
	s6 =	sadd.s32 s21, s4  }
0x9d: {  	[timem:s22], [sflag:s7] =	dma.local [hbm:s6], s5  }
0x9e: {  	_ =	swait.ge [sflag:s7], s5  }
0x9f: {  	s5 =	ssub.s32 $0x0, s5;
	[sflag:s7] =	ssyncset.done $0x0  }
0xa0: {  	[sflag:s7] =	ssyncadd.s32 s5;
	_ =	sdelay $0x1  }
0xa1: {  	s23 =	simm.s32 $0x1B8B  }
0xa2: {  	_ =	swait.ge [sflag:s23], $0x1  }
0xa3: {  	[sflag:s23] =	ssyncset.done $0x0  }
0xa4: {  	[sflag:s23] =	ssyncadd.s32 $0xFFFFFFFF  }
0xa5: {  	s5 =	sld [smem:$0x0]  }
0xa6: {  	s6 =	sand.u32 $0xFFFFFFFE, s1  }
0xa7: {  	p0 =	sne.s32 s1, s6  }
0xa8: {  	s6 =	sshll.u32 @p0 s6, $0xE  }
0xa9: {  	s6 =	sadd.s32 @p0 $0x11B8D, s6;
	s7 =	sshll.u32 @p0 s5, $0x11  }
0xaa: {  	s6 =	sor.u32 @p0 s7, s6  }
0xab: {  	[sflag:s6] =	ssyncadd.remote.s32 @p0 $0x1;
	_ =	sdelay $0x1  }
0xac: {  	s6 =	simm.s32 @p0 $0x1B8D  }
0xad: {  	_ =	swait.eq @p0 [sflag:s6], $0x1  }
0xae: {  	[sflag:s6] =	ssyncadd.s32 @p0 $0xFFFFFFFF  }
0xaf: {  	s7 =	sshll.u32 @!p0 s1, $0xE  }
0xb0: {  	s7 =	sor.u32 @!p0 $0x4000, s7;
	s6 =	simm.s32 @!p0 $0x1B8D  }
0xb1: {  	s5 =	sshll.u32 @!p0 s5, $0x11;
	s7 =	sadd.s32 @!p0 $0x11B8D, s7;
	_ =	swait.eq @!p0 [sflag:s6], $0x1  }
0xb2: {  	s5 =	sor.u32 @!p0 s5, s7;
	[sflag:s6] =	ssyncadd.s32 @!p0 $0xFFFFFFFF  }
0xb3: {  	s25 =	simm.s32 $0x1B8E;
	s24 =	sld [smem:$0x3FFE];
	[sflag:s5] =	ssyncadd.remote.s32 @!p0 $0x1  }
0xb4: {  	s26 =	simm.s32 $execute0_lowered;
	[smem:$0x3FD2] =	sst s25  }
0xb5: {  	s6 =	sshll.u32 s26, $0x1;
	_ =	strace $0x8000004F;
	[dreg:$0x1] =	wrdreg $0xFFFFFFFF  }
0xb6: {  	s28 =	simm.s32 $_size_execute0_lowered;
	s4 =	sadd.s32 s4, s6;
	[dreg:$0x0] =	wrdreg $0x0  }
0xb7: {  	s6 =	sshll.u32 s28, $0x1;
	[dreg:$0x2] =	wrdreg s4  }
0xb8: {  	[dreg:$0x3] =	wrdreg s6  }
0xb9: {  	[dreg:$0x4] =	wrdreg $0xC0  }
0xba: {  	_ =	task [dreg:s22], $0x5FFFF  }
0xbb: {  	[dreg:$0x1] =	wrdreg $0xFFFFFFFF  }
0xbc: {  	[dreg:$0x0] =	wrdreg $0x60  }
0xbd: {  	[dreg:$0x2] =	wrdreg s24  }
0xbe: {  	[dreg:$0x3] =	wrdreg s18  }
0xbf: {  	[dreg:$0x4] =	wrdreg $0xC  }
0xc0: {  	_ =	task.clear_ibuf [dreg:s22], $0x5FFFF;
	_ =	strace $0x9000004F  }
0xc1: {  	s29 =	simm.s32 $0xC;
	_ =	strace $0x80000051  }
0xc2: {  	_ =	swait.ge [sflag:s29], $0x1  }
0xc3: {  	[sflag:s29] =	ssyncadd.s32 $0xFFFFFFFF  }
0xc4: {  	_ =	strace $0x90000051  }
0xc5: {  	_ =	sfence  }
0xc6: {  	s30 =	sld [smem:$0x0];
	_ =	sdelay $0x2  }
0xc7: {  	s31 =	sshll.u32 s1, $0xD;
	s1 =	sshrl.u32 s1, $0x2  }
0xc8: {  	s4 =	sand.u32 $0x4000, s31;
	s1 =	sadd.s32 s1, s30  }
0xc9: {  	s0 =	sor.u32 s4, s0;
	s1 =	sshll.u32 s1, $0x11  }
0xca: {  	s0 =	sor.u32 s1, s0  }
0xcb: {  	s0 =	sadd.s32 $0x8F2B, s0  }
0xcc: {  	[sflag:s0] =	ssyncadd.remote.s32 $0x1  }
0xcd: {  	_ =	sfence.sel $0xFFFF  }
0xce: {  	[dreg:$0x0] =	wrdreg $0xFFFFFFFF;
	(pc) =	sbr.abs _section_cstart, $3  }
0xcf: {  	[dreg:$0x1] =	wrdreg $0xFFFFFFFF  }
0xd0: {  	_ =	task.clear_ibuf [dreg:s22], $0x2FFFF;
	_ =	strace $0x9FFFFFFF  }
0xd1: {  	(tm) =	ssettm $0x7FFFFFFF  }
tec
execute0_lowered:
.L_overlay_start_1:
0x0: {  	(tag) =	ssettag $0x1  }
0x1: {  	s1 =	srdreg.scid;
	s4 =	rddreg [dreg:$0x0]  }
0x2: {  	s0 =	stileid.u32;
	s2 =	rddreg [dreg:$0x1]  }
0x3: {  	s24 =	simm.s32 $0x880;
	s25 =	simm.s32 $0x1080;
	s8 =	simm.s32 $0x80  }
0x4: {  	s26 =	simm.s32 $0x1880;
	s10 =	simm.s32 $0x2880;
	s11 =	simm.s32 $0x3080  }
0x5: {  	s12 =	simm.s32 $0x3880;
	s13 =	simm.s32 $0x4080;
	s14 =	simm.s32 $0x4880  }
0x6: {  	s15 =	simm.s32 $0x5080;
	s16 =	simm.s32 $0x5880;
	s17 =	simm.s32 $0x6080  }
0x7: {  	s18 =	simm.s32 $0x6880;
	s19 =	simm.s32 $0x7080;
	s28 =	simm.s32 $0xB080  }
0x8: {  	s29 =	simm.s32 $0xB880;
	s1 =	sand.u32 $0x1, s1;
	s3 =	sshll.u32 s0, $0x1  }
0x9: {  	s30 =	simm.s32 $0x1;
	s5 =	sor.u32 s1, s3;
	s3 =	simm.s32 $0x0  }
0xa: {  	s31 =	simm.s32 $0x2;
	s1 =	ssub.s32 $0x2, s1;
	[smem:$0x7FF] =	sst s3  }
0xb: {  	s6 =	smul.u32 $0x3000, s5;
	_ =	strace $0x80000050;
	[dreg:$0x8] =	wrdreg s24  }
0xc: {  	s5 =	sshll.u32 s5, $0x3;
	s21 =	sshrl.u32 s1, $0x1;
	[dreg:$0x9] =	wrdreg s25  }
0xd: {  	s5 =	sadd.s32 s5, s4;
	s1 =	ssub.s32 s1, s21;
	[dreg:$0xa] =	wrdreg s26  }
0xe: {  	s21 =	simm.s32 $0x8080;
	s24 =	simm.s32 $0x9880;
	s6 =	sshrl.u32 s6, $0x3  }
0xf: {  	s25 =	simm.s32 $0xA080;
	s20 =	sadd.s32 $0x2800, s5;
	s6 =	sadd.s32 s6, s4  }
0x10: {  	s26 =	simm.s32 $0xA880;
	[dreg:$0x3] =	wrdreg s20;
	s22 =	sadd.s32 $0x62E00, s6  }
0x11: {  	s5 =	sadd.s32 $0x200, s2;
	s23 =	sadd.s32 $0x6EE00, s6;
	[dreg:$0x4] =	wrdreg s22  }
0x12: {  	s4 =	sadd.s32 $0x100, s2;
	s7 =	sadd.s32 $0x7AE00, s6;
	[dreg:$0x5] =	wrdreg s23  }
0x13: {  	v2 =	vlaneseq.u32;
	s20 =	simm.s32 $0x7880;
	s6 =	sadd.s32 $0x86E00, s6;
	[dreg:$0x6] =	wrdreg s7  }
0x14: {  	vm0 =	vmmov $0xffff;
	v1 =	vshrl.u32 v2, $0x3;
	[dreg:$0x7] =	wrdreg s6;
	s6 =	smax.u32 s1, $0x1;
	s7 =	simm.s32 $0x4  }
0x15: {  	v0 =	vand.u32 $0x7, v2;
	v2 =	vor.u32 $0x8, v2;
	v1 =	vmul.u32 $0x8, v1;
	s22 =	simm.s32 $0x8880;
	s23 =	simm.s32 $0x9080;
	s1 =	simm.s32 $0x3  }
.LBB2_1:
0x16: {  	s0 =	rddreg [dreg:$0x3]  }
0x17: {  	[tilespmem:s3], [sflag:$0x4] =	stream.linear.gather [hbm4b:s0+s3], $0x40, $0x38;
	[tilespmem:$0xC080] =	vst v63  }
0x18: {  	_ =	swait.ge [sflag:s7], $0x40  }
0x19: {  	[sflag:s7] =	ssyncset.done $0x0  }
0x1a: {  	[sflag:s7] =	ssyncadd.s32 $0xFFFFFFC0  }
0x1b: {  	v3 =	vld [tilespmem:$0x0];
	_ =	sdelay $0x4  }
0x1c: {  	v4 =	vshrl.u32 v3, $0x3  }
0x1d: {  	v4 =	vmul.u32 $0x30, v4  }
0x1e: {  	v3 =	vand.u32 $0x7, v3  }
0x1f: {  	v3 =	vor.u32 v3, v4  }
0x20: {  	v4 =	vperm.xlane v3, v0;
	_ =	sdelay $0x1  }
0x21: {  	v4 =	vadd.s32 v1, v4;
	_ =	sdelay $0x3  }
0x22: {  	v3 =	vperm.xlane v3, v2  }
0x23: {  	[tilespmem:s8], [sflag:$0x1] =	stream.indirect_vreg.gather [hbm4b:s2+s3], $0x80, v4, vm0, $0xb8;
	[tilespmem:$0xC080] =	vst v63  }
0x24: {  	s0 =	rddreg [dreg:$0x8];
	v3 =	vadd.s32 v1, v3  }
0x25: {  	[tilespmem:s0], [sflag:$0x1] =	stream.indirect_vreg.gather [hbm4b:s4+s3], $0x80, v4, vm0, $0xb8;
	[tilespmem:$0xC080] =	vst v63  }
0x26: {  	s9 =	rddreg [dreg:$0x9]  }
0x27: {  	[tilespmem:s9], [sflag:$0x1] =	stream.indirect_vreg.gather [hbm4b:s5+s3], $0x80, v4, vm0, $0xb8;
	[tilespmem:$0xC080] =	vst v63  }
0x28: {  	s0 =	rddreg [dreg:$0xa]  }
0x29: {  	[tilespmem:s0], [sflag:$0x1] =	stream.indirect_vreg.gather [hbm4b:s2+s3], $0x80, v3, vm0, $0xb8;
	[tilespmem:$0xC080] =	vst v63  }
0x2a: {  	s9 =	simm.s32 $0x2080  }
0x2b: {  	[tilespmem:s9], [sflag:$0x1] =	stream.indirect_vreg.gather [hbm4b:s4+s3], $0x80, v3, vm0, $0xb8;
	[tilespmem:$0xC080] =	vst v63  }
0x2c: {  	_ = 	snop  }
0x2d: {  	[tilespmem:s10], [sflag:$0x1] =	stream.indirect_vreg.gather [hbm4b:s5+s3], $0x80, v3, vm0, $0xb8;
	[tilespmem:$0xC080] =	vst v63  }
0x2e: {  	v3 =	vld [tilespmem:$0x10];
	_ =	sdelay $0x4  }
0x2f: {  	v61 =	vshrl.u32 v3, $0x3  }
0x30: {  	v4 =	vmul.u32 $0x30, v61  }
0x31: {  	v3 =	vand.u32 $0x7, v3  }
0x32: {  	v3 =	vor.u32 v3, v4  }
0x33: {  	v4 =	vperm.xlane v3, v0;
	_ =	sdelay $0x1  }
0x34: {  	v4 =	vadd.s32 v1, v4;
	_ =	sdelay $0x3  }
0x35: {  	v3 =	vperm.xlane v3, v2  }
0x36: {  	[tilespmem:s11], [sflag:$0x1] =	stream.indirect_vreg.gather [hbm4b:s2+s3], $0x80, v4, vm0, $0xb8;
	[tilespmem:$0xC080] =	vst v63  }
0x37: {  	v3 =	vadd.s32 v1, v3  }
0x38: {  	[tilespmem:s12], [sflag:$0x1] =	stream.indirect_vreg.gather [hbm4b:s4+s3], $0x80, v4, vm0, $0xb8;
	[tilespmem:$0xC080] =	vst v63  }
0x39: {  	_ = 	snop  }
0x3a: {  	[tilespmem:s13], [sflag:$0x1] =	stream.indirect_vreg.gather [hbm4b:s5+s3], $0x80, v4, vm0, $0xb8;
	[tilespmem:$0xC080] =	vst v63  }
0x3b: {  	_ = 	snop  }
0x3c: {  	[tilespmem:s14], [sflag:$0x1] =	stream.indirect_vreg.gather [hbm4b:s2+s3], $0x80, v3, vm0, $0xb8;
	[tilespmem:$0xC080] =	vst v63  }
0x3d: {  	_ = 	snop  }
0x3e: {  	[tilespmem:s15], [sflag:$0x1] =	stream.indirect_vreg.gather [hbm4b:s4+s3], $0x80, v3, vm0, $0xb8;
	[tilespmem:$0xC080] =	vst v63  }
0x3f: {  	_ = 	snop  }
0x40: {  	[tilespmem:s16], [sflag:$0x1] =	stream.indirect_vreg.gather [hbm4b:s5+s3], $0x80, v3, vm0, $0xb8;
	[tilespmem:$0xC080] =	vst v63  }
0x41: {  	v3 =	vld [tilespmem:$0x20];
	_ =	sdelay $0x4  }
0x42: {  	v62 =	vshrl.u32 v3, $0x3  }
0x43: {  	v4 =	vmul.u32 $0x30, v62  }
0x44: {  	v3 =	vand.u32 $0x7, v3  }
0x45: {  	v3 =	vor.u32 v3, v4  }
0x46: {  	v4 =	vperm.xlane v3, v0;
	_ =	sdelay $0x1  }
0x47: {  	v4 =	vadd.s32 v1, v4;
	_ =	sdelay $0x3  }
0x48: {  	v3 =	vperm.xlane v3, v2  }
0x49: {  	[tilespmem:s17], [sflag:$0x2] =	stream.indirect_vreg.gather [hbm4b:s2+s3], $0x80, v4, vm0, $0xb8;
	[tilespmem:$0xC080] =	vst v63  }
0x4a: {  	v3 =	vadd.s32 v1, v3  }
0x4b: {  	[tilespmem:s18], [sflag:$0x2] =	stream.indirect_vreg.gather [hbm4b:s4+s3], $0x80, v4, vm0, $0xb8;
	[tilespmem:$0xC080] =	vst v63  }
0x4c: {  	_ = 	snop  }
0x4d: {  	[tilespmem:s19], [sflag:$0x2] =	stream.indirect_vreg.gather [hbm4b:s5+s3], $0x80, v4, vm0, $0xb8;
	[tilespmem:$0xC080] =	vst v63  }
0x4e: {  	_ = 	snop  }
0x4f: {  	[tilespmem:s20], [sflag:$0x2] =	stream.indirect_vreg.gather [hbm4b:s2+s3], $0x80, v3, vm0, $0xb8;
	[tilespmem:$0xC080] =	vst v63  }
0x50: {  	_ = 	snop  }
0x51: {  	[tilespmem:s21], [sflag:$0x2] =	stream.indirect_vreg.gather [hbm4b:s4+s3], $0x80, v3, vm0, $0xb8;
	[tilespmem:$0xC080] =	vst v63  }
0x52: {  	_ = 	snop  }
0x53: {  	[tilespmem:s22], [sflag:$0x2] =	stream.indirect_vreg.gather [hbm4b:s5+s3], $0x80, v3, vm0, $0xb8;
	[tilespmem:$0xC080] =	vst v63  }
0x54: {  	v3 =	vld [tilespmem:$0x30];
	_ =	sdelay $0x4  }
0x55: {  	v63 =	vshrl.u32 v3, $0x3  }
0x56: {  	v4 =	vmul.u32 $0x30, v63  }
0x57: {  	v3 =	vand.u32 $0x7, v3  }
0x58: {  	v3 =	vor.u32 v3, v4  }
0x59: {  	v4 =	vperm.xlane v3, v0;
	_ =	sdelay $0x1  }
0x5a: {  	v4 =	vadd.s32 v1, v4;
	_ =	sdelay $0x3  }
0x5b: {  	v3 =	vperm.xlane v3, v2  }
0x5c: {  	[tilespmem:s23], [sflag:$0x2] =	stream.indirect_vreg.gather [hbm4b:s2+s3], $0x80, v4, vm0, $0xb8;
	[tilespmem:$0xC080] =	vst v63  }
0x5d: {  	v3 =	vadd.s32 v1, v3  }
0x5e: {  	[tilespmem:s24], [sflag:$0x2] =	stream.indirect_vreg.gather [hbm4b:s4+s3], $0x80, v4, vm0, $0xb8;
	[tilespmem:$0xC080] =	vst v63  }
0x5f: {  	_ = 	snop  }
0x60: {  	[tilespmem:s25], [sflag:$0x2] =	stream.indirect_vreg.gather [hbm4b:s5+s3], $0x80, v4, vm0, $0xb8;
	[tilespmem:$0xC080] =	vst v63  }
0x61: {  	_ = 	snop  }
0x62: {  	[tilespmem:s26], [sflag:$0x2] =	stream.indirect_vreg.gather [hbm4b:s2+s3], $0x80, v3, vm0, $0xb8;
	[tilespmem:$0xC080] =	vst v63  }
0x63: {  	_ = 	snop  }
0x64: {  	[tilespmem:s28], [sflag:$0x2] =	stream.indirect_vreg.gather [hbm4b:s4+s3], $0x80, v3, vm0, $0xb8;
	[tilespmem:$0xC080] =	vst v63  }
0x65: {  	_ = 	snop  }
0x66: {  	[tilespmem:s29], [sflag:$0x2] =	stream.indirect_vreg.gather [hbm4b:s5+s3], $0x80, v3, vm0, $0xb8;
	[tilespmem:$0xC080] =	vst v63  }
0x67: {  	_ =	swait.ge [sflag:s30], $0x6000  }
0x68: {  	[sflag:s30] =	ssyncset.done $0x0  }
0x69: {  	s0 =	rddreg [dreg:$0x4];
	[sflag:s30] =	ssyncadd.s32 $0xFFFFA000  }
0x6a: {  	[hbm4b:s0+s3] =	stream.linear.scatter [tilespmem:s8], [sflag:$0x3], $0x3000, $0x38;
	[tilespmem:$0xC080] =	vst v63  }
0x6b: {  	s9 =	rddreg [dreg:$0x5]  }
0x6c: {  	[hbm4b:s9+s3] =	stream.linear.scatter [tilespmem:s11], [sflag:$0x3], $0x3000, $0x38;
	[tilespmem:$0xC080] =	vst v63  }
0x6d: {  	_ =	swait.ge [sflag:s31], $0x6000  }
0x6e: {  	[sflag:s31] =	ssyncset.done $0x0  }
0x6f: {  	s0 =	rddreg [dreg:$0x6];
	[sflag:s31] =	ssyncadd.s32 $0xFFFFA000  }
0x70: {  	[hbm4b:s0+s3] =	stream.linear.scatter [tilespmem:s17], [sflag:$0x3], $0x3000, $0x38;
	[tilespmem:$0xC080] =	vst v63  }
0x71: {  	s9 =	rddreg [dreg:$0x7]  }
0x72: {  	[hbm4b:s9+s3] =	stream.linear.scatter [tilespmem:s23], [sflag:$0x3], $0x3000, $0x38;
	[tilespmem:$0xC080] =	vst v63  }
0x73: {  	_ =	swait.ge [sflag:s1], $0x3000  }
0x74: {  	[sflag:s1] =	ssyncset.done $0x0  }
0x75: {  	[sflag:s1] =	ssyncadd.s32 $0xFFFFD000  }
0x76: {  	_ =	swait.ge [sflag:s1], $0x3000  }
0x77: {  	[sflag:s1] =	ssyncset.done $0x0  }
0x78: {  	[sflag:s1] =	ssyncadd.s32 $0xFFFFD000  }
0x79: {  	p0 =	sne.s32 s6, $0x1;
	_ =	swait.ge [sflag:s1], $0x3000  }
.Ltmp0:
0x7a: {  	[sflag:s1] =	ssyncset.done $0x0;
	(pc) =	sbr.rel @p0 .LBB2_1-.Ltmp0, $4  }
0x7b: {  	[sflag:s1] =	ssyncadd.s32 $0xFFFFD000  }
0x7c: {  	_ =	swait.ge [sflag:s1], $0x3000  }
0x7d: {  	[sflag:s1] =	ssyncset.done $0x0  }
0x7e: {  	s6 =	sadd.s32 $0xFFFFFFFF, s6;
	[sflag:s1] =	ssyncadd.s32 $0xFFFFD000  }
0x7f: {  	_ =	sfence.sel $0x180000  }
0x80: {  	[bflag:$0x0] =	sbarrier.arrive $0xFFFF  }
0x81: {  	_ =	strace $0x90000050  }
0x82: {  	s0 =	stileid.u32;
	[bflag:$0x2] =	sbarrier.arrive $0xFFFF  }
0x83: {  	p0 =	sne.s32 s0, $0x0;
	s0 =	rddreg [dreg:$0x2]  }
0x84: {  	s0 =	sadd.s32 @!p0 $0x100000, s0  }
0x85: {  	[sflag:s0] =	ssyncadd.tile.s32 @!p0 $0x1;
	_ =	shalt  }
.Lfunc_end2:
_tile_overlayer_lowered:
.L_overlay_start_2:
0x86: {  	(tag) =	ssettag $0x2  }
0x87: {  	s0 =	rddreg [dreg:$0x0];
	s2 =	stileid.u32  }
0x88: {  	s1 =	rddreg [dreg:$0x1];
	p0 =	sne.s32 s2, $0x0  }
0x89: {  	s3 =	rddreg [dreg:$0x2];
	[bflag:$0x3] =	sbarrier.arrive $0xFFFF;
	s2 =	simm.s32 @!p0 $0x1C04  }
0x8a: {  	[timem:s3], [sflag:s2] =	dma.local @!p0 [hbm:s0], s1  }
0x8b: {  	s0 =	simm.s32 @!p0 $0x4  }
0x8c: {  	_ =	swait.ge @!p0 [sflag:s0], s1  }
0x8d: {  	s1 =	ssub.s32 @!p0 $0x0, s1;
	[sflag:s0] =	ssyncset.done @!p0 $0x0  }
0x8e: {  	[sflag:s0] =	ssyncadd.s32 @!p0 s1  }
0x8f: {  	[bflag:$0x3] =	sbarrier.arrive $0xFFFF  }
0x90: {  	_ =	shalt  }

</sc_bundles>
